<compile_context>
chip_gen: v7x
topology: tpu7x:2x2x1
jax: 0.10.2.dev20260603
libtpu: 0.0.44.dev20260713+nightly
codegen_flags: <defaults>
</compile_context>

<pallas_src>
import functools

import jax
import jax.numpy as jnp
from jax import lax
from jax.experimental import pallas as pl
from jax.experimental.pallas import tpu as pltpu
from jax.experimental.pallas import tpu_sc as plsc

N = 10000
NPAD = 10240
F = 128
FH = 64
E = 320000
K = 128
CH = 157
EPAD = 16 * CH * K
NT = 16
NC = 2
RB = 640
NUM_CAPS = 10
NUM_TARGETS = 10
CAP_DIM = 8
B_CAPS = 1000

_SC_MESH = dict(core_axis_name="c", subcore_axis_name="s")



_DW = 16
_NCH0 = 79


def _deg_body(dst_hbm, out_hbm, dstv, buf, acc, dsem):
    c = lax.axis_index("c")
    s = lax.axis_index("s")
    pltpu.sync_copy(dst_hbm.at[s], dstv)

    zero16 = jnp.zeros((16,), jnp.float32)

    def zb(q, carry):
        buf[q] = zero16
        return carry

    lax.fori_loop(0, K, zb, 0)
    base = s * RB

    def ib(q, carry):
        pltpu.sync_copy(buf, acc.at[pl.ds(base + q * K, K)])
        return carry

    lax.fori_loop(0, RB // K, ib, 0)
    plsc.subcore_barrier()

    one16 = jnp.ones((16,), jnp.float32)

    def ob(q, carry):
        buf[q] = one16
        return carry

    lax.fori_loop(0, K, ob, 0)
    start = c * _NCH0

    G = 6
    def eb(g, carry):
        j0 = start + g * G
        for u in range(G):
            pltpu.async_copy(buf, acc.at[dstv.at[j0 + u]], dsem, add=True)
        for u in range(G):
            pltpu.make_async_copy(buf, acc.at[dstv.at[j0]], dsem).wait()
        return carry

    lax.fori_loop(0, (_NCH0 - 1) // G, eb, 0)

    @pl.when(c == 0)
    def _():
        pltpu.sync_copy(buf, acc.at[dstv.at[_NCH0 - 1]], add=True)

    plsc.subcore_barrier()

    def wb(q, carry):
        pltpu.sync_copy(acc.at[pl.ds(base + q * K, K)], buf)
        pltpu.sync_copy(buf, out_hbm.at[c].at[pl.ds(base + q * K, K)])
        return carry

    lax.fori_loop(0, RB // K, wb, 0)


@functools.lru_cache(maxsize=None)
def _build_deg_kernel():
    return pl.kernel(
        _deg_body,
        out_type=jax.ShapeDtypeStruct((NC, NPAD, _DW), jnp.float32),
        mesh=plsc.VectorSubcoreMesh(**_SC_MESH),
        scratch_types=[
            pltpu.VMEM((CH, K), jnp.int32),
            pltpu.VMEM((K, _DW), jnp.float32),
            pltpu.VMEM_SHARED((NPAD, _DW), jnp.float32),
            pltpu.SemaphoreType.DMA,
        ],
    )


def _deg_call(dst3):
    return _build_deg_kernel()(dst3)



def _agg_body(hp_hbm, src_hbm, dst_hbm, out_hbm, srcv, dstv, bufa, acc, gsa,
              gsb):
    c = lax.axis_index("c")
    s = lax.axis_index("s")
    pltpu.async_copy(src_hbm.at[s], srcv, gsb)
    pltpu.async_copy(dst_hbm.at[s], dstv, gsb)

    base = s * RB

    def ibody(q, carry):
        pltpu.sync_copy(hp_hbm.at[c].at[pl.ds(base + q * K, K)], bufa)
        pltpu.sync_copy(bufa, acc.at[pl.ds(base + q * K, K)])
        return carry

    lax.fori_loop(0, RB // K, ibody, 0)
    pltpu.make_async_copy(src_hbm.at[s], srcv, gsb).wait()
    pltpu.make_async_copy(dst_hbm.at[s], dstv, gsb).wait()
    plsc.subcore_barrier()

    def ebody(j, carry):
        pltpu.async_copy(hp_hbm.at[c].at[srcv.at[j]], bufa, gsa).wait()
        pltpu.sync_copy(bufa, acc.at[dstv.at[j]], add=True)
        return carry

    lax.fori_loop(0, CH, ebody, 0)

    plsc.subcore_barrier()

    def obody(q, carry):
        pltpu.sync_copy(acc.at[pl.ds(base + q * K, K)], bufa)
        pltpu.sync_copy(bufa, out_hbm.at[c].at[pl.ds(base + q * K, K)])
        return carry

    lax.fori_loop(0, RB // K, obody, 0)


@functools.lru_cache(maxsize=None)
def _build_agg_kernel():
    return pl.kernel(
        _agg_body,
        out_type=jax.ShapeDtypeStruct((NC, NPAD, FH), jnp.float32),
        mesh=plsc.VectorSubcoreMesh(**_SC_MESH),
        scratch_types=[
            pltpu.VMEM((CH, K), jnp.int32),
            pltpu.VMEM((CH, K), jnp.int32),
            pltpu.VMEM((K, FH), jnp.float32),
            pltpu.VMEM_SHARED((NPAD, FH), jnp.float32),
            pltpu.SemaphoreType.DMA,
            pltpu.SemaphoreType.DMA,
        ],
        compiler_params=pltpu.CompilerParams(use_tc_tiling_on_sc=False),
    )


def _agg_call(hp, src3, dst3):
    return _build_agg_kernel()(hp, src3, dst3)



def _dinv_of(pt_blk):
    return lax.rsqrt(1.0 + pt_blk)


def _k1_body(x_ref, w_ref, pt_ref, o_ref):
    dinv = _dinv_of(pt_ref[...])
    h = jnp.dot(x_ref[...], w_ref[0], preferred_element_type=jnp.float32)
    o_ref[0] = dinv * h


def _k1(xpad, w0h, cnt):
    return pl.pallas_call(
        _k1_body,
        grid=(NPAD // RB, NC),
        in_specs=[
            pl.BlockSpec((RB, F), lambda r, c: (r, 0)),
            pl.BlockSpec((1, F, FH), lambda r, c: (c, 0, 0)),
            pl.BlockSpec((RB, 1), lambda r, c: (r, 0)),
        ],
        out_specs=pl.BlockSpec((1, RB, FH), lambda r, c: (c, r, 0)),
        out_shape=jax.ShapeDtypeStruct((NC, NPAD, FH), jnp.float32),
    )(xpad, w0h, cnt)


def _k2_body(a_ref, pt_ref, b_ref, w_ref, o_ref):
    r = pl.program_id(0)
    a = jnp.concatenate([a_ref[0], a_ref[1]], axis=1)
    dinv = _dinv_of(pt_ref[...])
    h = jnp.maximum(dinv * a + b_ref[...], 0.0)
    row = r * RB + lax.broadcasted_iota(jnp.int32, (RB, 1), 0)
    h = jnp.where(row < N, h, 0.0)
    o_ref[0] = dinv * jnp.dot(h, w_ref[0], preferred_element_type=jnp.float32)


def _k2(agg0, cnt, b0, w1h):
    return pl.pallas_call(
        _k2_body,
        grid=(NPAD // RB, NC),
        in_specs=[
            pl.BlockSpec((NC, RB, FH), lambda r, c: (0, r, 0)),
            pl.BlockSpec((RB, 1), lambda r, c: (r, 0)),
            pl.BlockSpec((1, F), lambda r, c: (0, 0)),
            pl.BlockSpec((1, F, FH), lambda r, c: (c, 0, 0)),
        ],
        out_specs=pl.BlockSpec((1, RB, FH), lambda r, c: (c, r, 0)),
        out_shape=jax.ShapeDtypeStruct((NC, NPAD, FH), jnp.float32),
    )(agg0, cnt, b0, w1h)


_R3 = 2000


def _k3_body(a_ref, pt_ref, b_ref, o_ref):
    a = jnp.concatenate([a_ref[0], a_ref[1]], axis=1)
    dinv = _dinv_of(pt_ref[...])
    o_ref[...] = jnp.maximum(dinv * a + b_ref[...], 0.0)


def _k3(agg1, cnt, b1):
    return pl.pallas_call(
        _k3_body,
        grid=(N // _R3,),
        in_specs=[
            pl.BlockSpec((NC, _R3, FH), lambda r: (0, r, 0)),
            pl.BlockSpec((_R3, 1), lambda r: (r, 0)),
            pl.BlockSpec((1, F), lambda r: (0, 0)),
        ],
        out_specs=pl.BlockSpec((_R3, F), lambda r: (r, 0)),
        out_shape=jax.ShapeDtypeStruct((N, F), jnp.float32),
    )(agg1, cnt, b1)


def _k3b_body(hid_ref, pw_ref, pb_ref, u_ref, q_ref):
    u = jnp.dot(pw_ref[...], hid_ref[...], preferred_element_type=jnp.float32)
    u = u + pb_ref[...]
    u_ref[...] = u
    q_ref[...] = jnp.sum(u * u).reshape(1, 1)


def _k3b(hidden2, pcw8, pcb):
    return pl.pallas_call(
        _k3b_body,
        out_shape=[
            jax.ShapeDtypeStruct((CAP_DIM, N), jnp.float32),
            jax.ShapeDtypeStruct((1, 1), jnp.float32),
        ],
    )(hidden2, pcw8, pcb)


def _k4_body(v_ref, q_ref, w_ref, o_ref):
    q = q_ref[...]
    scale = (q / (1.0 + q)) * lax.rsqrt(q + 1e-12)
    X = v_ref[...] * scale

    riota = lax.broadcasted_iota(jnp.int32, (80, CAP_DIM), 0)
    kiota = lax.broadcasted_iota(jnp.int32, (80, CAP_DIM), 1)
    rrow = lax.broadcasted_iota(jnp.int32, (NUM_TARGETS, 80), 0)
    rcol = lax.broadcasted_iota(jnp.int32, (NUM_TARGETS, 80), 1) // CAP_DIM
    Rm = jnp.where(rrow == rcol, 1.0, 0.0)
    scol = lax.broadcasted_iota(jnp.int32, (80, NUM_TARGETS), 0) // CAP_DIM
    sj = lax.broadcasted_iota(jnp.int32, (80, NUM_TARGETS), 1)
    Sm = jnp.where(scol == sj, 1.0, 0.0)

    uhat = []
    for i in range(NUM_CAPS):
        Pm = jnp.where((riota % NUM_CAPS == i) & (riota // NUM_CAPS == kiota),
                       1.0, 0.0)
        xi = jnp.dot(X, Pm, preferred_element_type=jnp.float32)
        uhat.append(jnp.dot(xi, w_ref[i], preferred_element_type=jnp.float32))

    brows = [jnp.zeros((1, NUM_TARGETS), jnp.float32) for _ in range(NUM_CAPS)]
    v80 = jnp.zeros((B_CAPS, 80), jnp.float32)
    for it in range(3):
        s80 = jnp.zeros((B_CAPS, 80), jnp.float32)
        for i in range(NUM_CAPS):
            b = brows[i]
            m = jnp.max(b, axis=1, keepdims=True)
            e = jnp.exp(b - m)
            ci = e / jnp.sum(e, axis=1, keepdims=True)
            cb = jnp.dot(ci, Rm, preferred_element_type=jnp.float32)
            s80 = s80 + uhat[i] * cb
        m10 = jnp.dot(s80 * s80, Sm, preferred_element_type=jnp.float32)
        sc10 = (m10 / (1.0 + m10)) * lax.rsqrt(m10 + 1e-12)
        v80 = s80 * jnp.dot(sc10, Rm, preferred_element_type=jnp.float32)
        if it < 2:
            for i in range(NUM_CAPS):
                agr = jnp.dot(uhat[i] * v80, Sm,
                              preferred_element_type=jnp.float32)
                brows[i] = brows[i] + jnp.sum(agr, axis=0, keepdims=True) * (
                    1.0 / B_CAPS)

    o_ref[...] = jnp.sum(v80, axis=0, keepdims=True) * (1.0 / B_CAPS)


def _k4(v80, ssq, hc_m):
    return pl.pallas_call(
        _k4_body,
        out_shape=jax.ShapeDtypeStruct((1, NUM_TARGETS * CAP_DIM), jnp.float32),
    )(v80, ssq, hc_m)



def kernel(features, edges, gcn_w0, gcn_b0, gcn_w1, gcn_b1, pc_w, pc_b, hc_w):
    edges = edges.astype(jnp.int32)
    src = edges[0]
    dst = edges[1]
    pad = jnp.full((EPAD - E,), N, jnp.int32)
    src3 = jnp.concatenate([src, pad]).reshape(NT, CH, K)
    dst3 = jnp.concatenate([dst, pad]).reshape(NT, CH, K)

    parts = _deg_call(dst3)
    cnt = parts[0, :, 0:1] + parts[1, :, 0:1]

    xpad = jnp.pad(features, ((0, NPAD - N), (0, 0)))
    w0h = gcn_w0.reshape(F, NC, FH).transpose(1, 0, 2)
    w1h = gcn_w1.reshape(F, NC, FH).transpose(1, 0, 2)
    hp0 = _k1(xpad, w0h, cnt)
    agg0 = _agg_call(hp0, src3, dst3)
    hp1 = _k2(agg0, cnt, gcn_b0.reshape(1, F), w1h)
    agg1 = _agg_call(hp1, src3, dst3)
    h2 = _k3(agg1, cnt, gcn_b1.reshape(1, F))

    hidden2 = h2.reshape(F, N)
    pcw8 = pc_w[:, 0, :, 0]
    u8, ssq = _k3b(hidden2, pcw8, pc_b.reshape(CAP_DIM, 1))

    v80 = u8.reshape(B_CAPS, NUM_CAPS * CAP_DIM)
    hc_m = hc_w.transpose(0, 2, 1, 3).reshape(NUM_CAPS, CAP_DIM,
                                              NUM_TARGETS * CAP_DIM)
    out80 = _k4(v80, ssq, hc_m)
    return out80.reshape(1, NUM_TARGETS, CAP_DIM)

# --- scband reference (transcript-rebuilt; emitter-appended) ---
"""Pipeline reference for scband-road-caps-12747462934975 (READ-ONLY COPY).

The authoritative reference and input builder live on the scoring server;
editing this copy changes nothing except your own understanding.
"""

import jax, jax.numpy as jnp
import numpy as np

N_NODES = 10000
N_EDGES = 320000
D_FEAT = 128
GCN_FILTERS = 128
CAP_DIM = 8
NUM_CAPS = 10
NUM_TARGETS = 10


def setup_inputs(seed: int = 0):
    key = jax.random.key(seed)
    ks = jax.random.split(key, 8)
    features = jax.random.normal(ks[0], (N_NODES, D_FEAT), dtype=jnp.float32)
    edges = jax.random.randint(ks[1], (2, N_EDGES), 0, N_NODES)
    gcn_w0 = jax.random.normal(ks[2], (D_FEAT, GCN_FILTERS), dtype=jnp.float32) * 0.05
    gcn_b0 = jnp.zeros((GCN_FILTERS,), dtype=jnp.float32)
    gcn_w1 = jax.random.normal(ks[3], (GCN_FILTERS, GCN_FILTERS), dtype=jnp.float32) * 0.05
    gcn_b1 = jnp.zeros((GCN_FILTERS,), dtype=jnp.float32)
    pc_w = jax.random.normal(ks[4], (CAP_DIM, 1, GCN_FILTERS, 1), dtype=jnp.float32) * 0.05
    pc_b = jnp.zeros((CAP_DIM,), dtype=jnp.float32)
    hc_w = jax.random.normal(ks[5], (NUM_CAPS, NUM_TARGETS, CAP_DIM, CAP_DIM), dtype=jnp.float32) * 0.05
    return {"features": features, "edges": edges, "gcn_w0": gcn_w0, "gcn_b0": gcn_b0,
            "gcn_w1": gcn_w1, "gcn_b1": gcn_b1, "pc_w": pc_w, "pc_b": pc_b, "hc_w": hc_w}


def _squash(s, axis):
    mag_sq = jnp.sum(s * s, axis=axis, keepdims=True)
    mag = jnp.sqrt(mag_sq + 1e-12)
    return (mag_sq / (1.0 + mag_sq)) * (s / mag)


def _gcn_conv(x, src, dst, W, b):
    # torch_geometric GCNConv: D^-1/2 (A+I) D^-1/2 X W + b
    n = x.shape[0]
    loop = jnp.arange(n, dtype=src.dtype)
    s = jnp.concatenate([src, loop])
    d = jnp.concatenate([dst, loop])
    deg = jnp.zeros((n,), dtype=x.dtype).at[d].add(1.0)
    dinv = jax.lax.rsqrt(jnp.maximum(deg, 1.0))
    h = x @ W
    coef = (dinv[s] * dinv[d])[:, None]
    msg = h[s] * coef
    out = jnp.zeros_like(h).at[d].add(msg)
    return out + b


def _forward(features, edges, gcn_w0, gcn_b0, gcn_w1, gcn_b1, pc_w, pc_b, hc_w):
    src, dst = edges[0], edges[1]
    # base GCN layers (dropout is identity in deterministic reference)
    h = jax.nn.relu(_gcn_conv(features, src, dst, gcn_w0, gcn_b0))
    h = jax.nn.relu(_gcn_conv(h, src, dst, gcn_w1, gcn_b1))
    # hidden_representations[-1].view(1, 1, gcn_filters, -1)
    hidden = h.reshape(1, 1, GCN_FILTERS, -1)
    # PrimaryCapsuleLayer: conv with kernel spanning full filter dim -> einsum
    u = jnp.einsum('cf,fn->cn', pc_w[:, 0, :, 0], hidden[0, 0]) + pc_b[:, None]
    u = u.reshape(1, 1, -1)
    u = _squash(u, axis=2)
    first = u.reshape(-1, CAP_DIM)
    # reshape to (B, capsule_dimensions, number_of_capsules)
    x = first.reshape(-1, CAP_DIM, NUM_CAPS)
    x = jnp.transpose(x, (0, 2, 1))  # (B, num_caps, cap_dim)
    # HigherCapsuleLayer with dynamic routing (3 iterations)
    u_hat = jnp.einsum('bik,ijkd->bijd', x, hc_w)  # (B, num_caps, num_targets, cap_dim)
    b_ij = jnp.zeros((1, NUM_CAPS, NUM_TARGETS, 1), dtype=u_hat.dtype)
    v_j = None
    for _ in range(3):
        c = jax.nn.softmax(b_ij, axis=2)
        s_j = jnp.sum(c * u_hat, axis=1, keepdims=True)  # (B, 1, num_targets, cap_dim)
        v_j = _squash(s_j, axis=-1)
        agree = jnp.sum(u_hat * v_j, axis=-1, keepdims=True)
        b_ij = b_ij + jnp.mean(agree, axis=0, keepdims=True)
    v = jnp.squeeze(v_j, axis=1)  # (B, num_targets, cap_dim)
    out = v.reshape(-1, NUM_TARGETS * CAP_DIM)
    out = jnp.mean(out, axis=0).reshape(1, NUM_TARGETS, CAP_DIM)
    return out


def reference(features, edges, gcn_w0, gcn_b0, gcn_w1, gcn_b1, pc_w, pc_b, hc_w):
    return _forward(features, edges, gcn_w0, gcn_b0, gcn_w1, gcn_b1, pc_w, pc_b, hc_w)

if __name__ == "__main__":
    import jax
    _d = setup_inputs()
    print(jax.jit(kernel)(*tuple(_d.values())))

</pallas_src>

<mosaic_0001>
#map = affine_map<(d0, d1) -> (0, 0, 0)>
module attributes {stable_mosaic.version = 14 : i64} {
  func.func @_deg_body(%arg0: i32, %arg1: i32, %arg2: memref<16x157x128xi32, #tpu.memory_space<hbm>>, %arg3: memref<2x10240x16xf32, #tpu.memory_space<hbm>>, %arg4: memref<157x128xi32, #tpu.memory_space<vmem>>, %arg5: memref<128x16xf32, #tpu.memory_space<vmem>>, %arg6: memref<10240x16xf32, #tpu.memory_space<vmem_shared>>, %arg7: memref<!tpu.dma_semaphore, #tpu.memory_space<semaphore_mem>>) attributes {dimension_semantics = [#tpu.dimension_semantics<core_parallel>, #tpu.dimension_semantics<subcore_parallel>], iteration_bounds = array<i64: 2, 16>, scalar_prefetch = 0 : i64, scratch_operands = 4 : i64, tpu.core_type = #tpu.core_type<sc_vector_subcore>, window_params = [{transform_indices = #map}, {transform_indices = #map}]} {
    "tpu.region"() ({
      %run_scoped3A = tpu.sem_alloc : memref<!tpu.dma_semaphore, #tpu.memory_space<semaphore_mem>>
      %dma_start3A = arith.constant 0 : i32
      %dma_start3A_38 = arith.constant 0 : i32
      %dma_start3A_39 = tpu.memref_slice %arg2[%arg1, %dma_start3A, %dma_start3A_38] : memref<16x157x128xi32, #tpu.memory_space<hbm>> -> memref<1x157x128xi32, #tpu.memory_space<hbm>>
      %dma_start3A_40 = tpu.memref_squeeze %dma_start3A_39 : memref<1x157x128xi32, #tpu.memory_space<hbm>> -> memref<157x128xi32, #tpu.memory_space<hbm>>
      %dma_start3A_41 = arith.constant 0 : i32
      %dma_start3A_42 = arith.constant 0 : i32
      %dma_start3A_43 = tpu.memref_slice %arg2[%arg1, %dma_start3A_41, %dma_start3A_42] : memref<16x157x128xi32, #tpu.memory_space<hbm>> -> memref<1x157x128xi32, #tpu.memory_space<hbm>>
      %dma_start3A_44 = tpu.memref_squeeze %dma_start3A_43 : memref<1x157x128xi32, #tpu.memory_space<hbm>> -> memref<157x128xi32, #tpu.memory_space<hbm>>
      tpu.enqueue_dma source(%dma_start3A_44 : memref<157x128xi32, #tpu.memory_space<hbm>>) target(%arg4 : memref<157x128xi32, #tpu.memory_space<vmem>>) target_semaphore(%run_scoped3A : memref<!tpu.dma_semaphore, #tpu.memory_space<semaphore_mem>>)
      %dma_wait3A = arith.constant 0 : i32
      %dma_wait3A_45 = arith.constant 0 : i32
      %dma_wait3A_46 = tpu.memref_slice %arg2[%arg1, %dma_wait3A, %dma_wait3A_45] : memref<16x157x128xi32, #tpu.memory_space<hbm>> -> memref<1x157x128xi32, #tpu.memory_space<hbm>>
      %dma_wait3A_47 = tpu.memref_squeeze %dma_wait3A_46 : memref<1x157x128xi32, #tpu.memory_space<hbm>> -> memref<157x128xi32, #tpu.memory_space<hbm>>
      %dma_wait3A_48 = arith.constant 0 : i32
      %dma_wait3A_49 = arith.constant 0 : i32
      %dma_wait3A_50 = tpu.memref_slice %arg2[%arg1, %dma_wait3A_48, %dma_wait3A_49] : memref<16x157x128xi32, #tpu.memory_space<hbm>> -> memref<1x157x128xi32, #tpu.memory_space<hbm>>
      %dma_wait3A_51 = tpu.memref_squeeze %dma_wait3A_50 : memref<1x157x128xi32, #tpu.memory_space<hbm>> -> memref<157x128xi32, #tpu.memory_space<hbm>>
      tpu.wait_dma2 semaphore(%run_scoped3A : memref<!tpu.dma_semaphore, #tpu.memory_space<semaphore_mem>>) src(%dma_wait3A_51 : memref<157x128xi32, #tpu.memory_space<hbm>>) dst(%arg4 : memref<157x128xi32, #tpu.memory_space<vmem>>)
      tpu.yield
    }) : () -> ()
    %broadcast_in_dim3A = arith.constant 0.000000e+00 : f32
    %broadcast_in_dim3A_0 = vector.broadcast %broadcast_in_dim3A : f32 to vector<16xf32>
    %scan3A = arith.constant 0 : i32
    %scan3A_1 = arith.constant 0 : i32
    %scan3A_2 = arith.constant 128 : i32
    %scan3A_3 = arith.addi %scan3A_1, %scan3A_2 : i32
    %scan3A_4 = arith.constant 1 : i32
    scf.for %scan3A_38 = %scan3A_1 to %scan3A_3 step %scan3A_4  : i32 {
      %swap3A = arith.index_cast %scan3A_38 : i32 to index
      %swap3A_39 = arith.constant 0 : index
      %swap3A_40 = tpu.vector_load %arg5[%swap3A, %swap3A_39] {strides = array<i32>} : memref<128x16xf32, #tpu.memory_space<vmem>>, vector<1x16xf32>,
      %swap3A_41 = vector.shape_cast %swap3A_40 : vector<1x16xf32> to vector<16xf32>
      %swap3A_42 = vector.shape_cast %broadcast_in_dim3A_0 : vector<16xf32> to vector<1x16xf32>
      tpu.vector_store %arg5[%swap3A, %swap3A_39], %swap3A_42 {strides = array<i32>} : memref<128x16xf32, #tpu.memory_space<vmem>>, vector<1x16xf32>,
    }
    %scan3A_5 = arith.constant 128 : i32
    %mul3A = arith.constant 640 : i32
    %mul3A_6 = arith.muli %arg1, %mul3A : i32
    %scan3A_7 = arith.constant 0 : i32
    %scan3A_8 = arith.constant 0 : i32
    %scan3A_9 = arith.constant 5 : i32
    %scan3A_10 = arith.addi %scan3A_8, %scan3A_9 : i32
    %scan3A_11 = arith.constant 1 : i32
    scf.for %scan3A_38 = %scan3A_8 to %scan3A_10 step %scan3A_11  : i32 {
      %mul3A_39 = arith.constant 128 : i32
      %mul3A_40 = arith.muli %scan3A_38, %mul3A_39 : i32
      %add3A = arith.addi %mul3A_6, %mul3A_40 : i32
      "tpu.region"() ({
        %run_scoped3A = tpu.sem_alloc : memref<!tpu.dma_semaphore, #tpu.memory_space<semaphore_mem>>
        %dma_start3A = arith.constant 0 : i32
        %dma_start3A_41 = tpu.memref_slice %arg6[%add3A, %dma_start3A] : memref<10240x16xf32, #tpu.memory_space<vmem_shared>> -> memref<128x16xf32, #tpu.memory_space<vmem_shared>>
        %dma_start3A_42 = arith.constant 0 : i32
        %dma_start3A_43 = tpu.memref_slice %arg6[%add3A, %dma_start3A_42] : memref<10240x16xf32, #tpu.memory_space<vmem_shared>> -> memref<128x16xf32, #tpu.memory_space<vmem_shared>>
        tpu.enqueue_dma source(%arg5 : memref<128x16xf32, #tpu.memory_space<vmem>>) target(%dma_start3A_43 : memref<128x16xf32, #tpu.memory_space<vmem_shared>>) target_semaphore(%run_scoped3A : memref<!tpu.dma_semaphore, #tpu.memory_space<semaphore_mem>>)
        %dma_wait3A = arith.constant 0 : i32
        %dma_wait3A_44 = tpu.memref_slice %arg6[%add3A, %dma_wait3A] : memref<10240x16xf32, #tpu.memory_space<vmem_shared>> -> memref<128x16xf32, #tpu.memory_space<vmem_shared>>
        %dma_wait3A_45 = arith.constant 0 : i32
        %dma_wait3A_46 = tpu.memref_slice %arg6[%add3A, %dma_wait3A_45] : memref<10240x16xf32, #tpu.memory_space<vmem_shared>> -> memref<128x16xf32, #tpu.memory_space<vmem_shared>>
        tpu.wait_dma2 semaphore(%run_scoped3A : memref<!tpu.dma_semaphore, #tpu.memory_space<semaphore_mem>>) src(%arg5 : memref<128x16xf32, #tpu.memory_space<vmem>>) dst(%dma_wait3A_46 : memref<128x16xf32, #tpu.memory_space<vmem_shared>>)
        tpu.yield
      }) : () -> ()
    }
    %scan3A_12 = arith.constant 5 : i32
    %barrier3A = arith.constant 0 : index
    tpu.barrier barrier_id(%barrier3A)
    %broadcast_in_dim3A_13 = arith.constant 1.000000e+00 : f32
    %broadcast_in_dim3A_14 = vector.broadcast %broadcast_in_dim3A_13 : f32 to vector<16xf32>
    %scan3A_15 = arith.constant 0 : i32
    %scan3A_16 = arith.constant 0 : i32
    %scan3A_17 = arith.constant 128 : i32
    %scan3A_18 = arith.addi %scan3A_16, %scan3A_17 : i32
    %scan3A_19 = arith.constant 1 : i32
    scf.for %scan3A_38 = %scan3A_16 to %scan3A_18 step %scan3A_19  : i32 {
      %swap3A = arith.index_cast %scan3A_38 : i32 to index
      %swap3A_39 = arith.constant 0 : index
      %swap3A_40 = tpu.vector_load %arg5[%swap3A, %swap3A_39] {strides = array<i32>} : memref<128x16xf32, #tpu.memory_space<vmem>>, vector<1x16xf32>,
      %swap3A_41 = vector.shape_cast %swap3A_40 : vector<1x16xf32> to vector<16xf32>
      %swap3A_42 = vector.shape_cast %broadcast_in_dim3A_14 : vector<16xf32> to vector<1x16xf32>
      tpu.vector_store %arg5[%swap3A, %swap3A_39], %swap3A_42 {strides = array<i32>} : memref<128x16xf32, #tpu.memory_space<vmem>>, vector<1x16xf32>,
    }
    %scan3A_20 = arith.constant 128 : i32
    %mul3A_21 = arith.constant 79 : i32
    %mul3A_22 = arith.muli %arg0, %mul3A_21 : i32
    %scan3A_23 = arith.constant 0 : i32
    %scan3A_24 = arith.constant 0 : i32
    %scan3A_25 = arith.constant 13 : i32
    %scan3A_26 = arith.addi %scan3A_24, %scan3A_25 : i32
    %scan3A_27 = arith.constant 1 : i32
    scf.for %scan3A_38 = %scan3A_24 to %scan3A_26 step %scan3A_27  : i32 {
      %mul3A_39 = arith.constant 6 : i32
      %mul3A_40 = arith.muli %scan3A_38, %mul3A_39 : i32
      %add3A = arith.addi %mul3A_22, %mul3A_40 : i32
      %add3A_41 = arith.constant 0 : i32
      %add3A_42 = arith.addi %add3A, %add3A_41 : i32
      %dma_start3A = arith.constant 0 : i32
      %dma_start3A_43 = tpu.memref_slice %arg4[%add3A_42, %dma_start3A] : memref<157x128xi32, #tpu.memory_space<vmem>> -> memref<1x128xi32, #tpu.memory_space<vmem>>
      %dma_start3A_44 = tpu.memref_squeeze %dma_start3A_43 : memref<1x128xi32, #tpu.memory_space<vmem>> -> memref<128xi32, #tpu.memory_space<vmem>>
      %dma_start3A_45 = arith.constant 0 : i32
      %dma_start3A_46 = arith.constant 0 : i32
      %dma_start3A_47 = tpu.memref_slice %arg6[%dma_start3A_45, %dma_start3A_46] : memref<10240x16xf32, #tpu.memory_space<vmem_shared>> -> memref<10240x16xf32, #tpu.memory_space<vmem_shared>>
      tpu.enqueue_indirect_dma source(%arg5 : memref<128x16xf32, #tpu.memory_space<vmem>>) target(%dma_start3A_47 : memref<10240x16xf32, #tpu.memory_space<vmem_shared>>) offsets(%dma_start3A_44 : memref<128xi32, #tpu.memory_space<vmem>>) semaphore(%arg7 : memref<!tpu.dma_semaphore, #tpu.memory_space<semaphore_mem>>) {add = true}
      %add3A_48 = arith.constant 1 : i32
      %add3A_49 = arith.addi %add3A, %add3A_48 : i32
      %dma_start3A_50 = arith.constant 0 : i32
      %dma_start3A_51 = tpu.memref_slice %arg4[%add3A_49, %dma_start3A_50] : memref<157x128xi32, #tpu.memory_space<vmem>> -> memref<1x128xi32, #tpu.memory_space<vmem>>
      %dma_start3A_52 = tpu.memref_squeeze %dma_start3A_51 : memref<1x128xi32, #tpu.memory_space<vmem>> -> memref<128xi32, #tpu.memory_space<vmem>>
      %dma_start3A_53 = arith.constant 0 : i32
      %dma_start3A_54 = arith.constant 0 : i32
      %dma_start3A_55 = tpu.memref_slice %arg6[%dma_start3A_53, %dma_start3A_54] : memref<10240x16xf32, #tpu.memory_space<vmem_shared>> -> memref<10240x16xf32, #tpu.memory_space<vmem_shared>>
      tpu.enqueue_indirect_dma source(%arg5 : memref<128x16xf32, #tpu.memory_space<vmem>>) target(%dma_start3A_55 : memref<10240x16xf32, #tpu.memory_space<vmem_shared>>) offsets(%dma_start3A_52 : memref<128xi32, #tpu.memory_space<vmem>>) semaphore(%arg7 : memref<!tpu.dma_semaphore, #tpu.memory_space<semaphore_mem>>) {add = true}
      %add3A_56 = arith.constant 2 : i32
      %add3A_57 = arith.addi %add3A, %add3A_56 : i32
      %dma_start3A_58 = arith.constant 0 : i32
      %dma_start3A_59 = tpu.memref_slice %arg4[%add3A_57, %dma_start3A_58] : memref<157x128xi32, #tpu.memory_space<vmem>> -> memref<1x128xi32, #tpu.memory_space<vmem>>
      %dma_start3A_60 = tpu.memref_squeeze %dma_start3A_59 : memref<1x128xi32, #tpu.memory_space<vmem>> -> memref<128xi32, #tpu.memory_space<vmem>>
      %dma_start3A_61 = arith.constant 0 : i32
      %dma_start3A_62 = arith.constant 0 : i32
      %dma_start3A_63 = tpu.memref_slice %arg6[%dma_start3A_61, %dma_start3A_62] : memref<10240x16xf32, #tpu.memory_space<vmem_shared>> -> memref<10240x16xf32, #tpu.memory_space<vmem_shared>>
      tpu.enqueue_indirect_dma source(%arg5 : memref<128x16xf32, #tpu.memory_space<vmem>>) target(%dma_start3A_63 : memref<10240x16xf32, #tpu.memory_space<vmem_shared>>) offsets(%dma_start3A_60 : memref<128xi32, #tpu.memory_space<vmem>>) semaphore(%arg7 : memref<!tpu.dma_semaphore, #tpu.memory_space<semaphore_mem>>) {add = true}
      %add3A_64 = arith.constant 3 : i32
      %add3A_65 = arith.addi %add3A, %add3A_64 : i32
      %dma_start3A_66 = arith.constant 0 : i32
      %dma_start3A_67 = tpu.memref_slice %arg4[%add3A_65, %dma_start3A_66] : memref<157x128xi32, #tpu.memory_space<vmem>> -> memref<1x128xi32, #tpu.memory_space<vmem>>
      %dma_start3A_68 = tpu.memref_squeeze %dma_start3A_67 : memref<1x128xi32, #tpu.memory_space<vmem>> -> memref<128xi32, #tpu.memory_space<vmem>>
      %dma_start3A_69 = arith.constant 0 : i32
      %dma_start3A_70 = arith.constant 0 : i32
      %dma_start3A_71 = tpu.memref_slice %arg6[%dma_start3A_69, %dma_start3A_70] : memref<10240x16xf32, #tpu.memory_space<vmem_shared>> -> memref<10240x16xf32, #tpu.memory_space<vmem_shared>>
      tpu.enqueue_indirect_dma source(%arg5 : memref<128x16xf32, #tpu.memory_space<vmem>>) target(%dma_start3A_71 : memref<10240x16xf32, #tpu.memory_space<vmem_shared>>) offsets(%dma_start3A_68 : memref<128xi32, #tpu.memory_space<vmem>>) semaphore(%arg7 : memref<!tpu.dma_semaphore, #tpu.memory_space<semaphore_mem>>) {add = true}
      %add3A_72 = arith.constant 4 : i32
      %add3A_73 = arith.addi %add3A, %add3A_72 : i32
      %dma_start3A_74 = arith.constant 0 : i32
      %dma_start3A_75 = tpu.memref_slice %arg4[%add3A_73, %dma_start3A_74] : memref<157x128xi32, #tpu.memory_space<vmem>> -> memref<1x128xi32, #tpu.memory_space<vmem>>
      %dma_start3A_76 = tpu.memref_squeeze %dma_start3A_75 : memref<1x128xi32, #tpu.memory_space<vmem>> -> memref<128xi32, #tpu.memory_space<vmem>>
      %dma_start3A_77 = arith.constant 0 : i32
      %dma_start3A_78 = arith.constant 0 : i32
      %dma_start3A_79 = tpu.memref_slice %arg6[%dma_start3A_77, %dma_start3A_78] : memref<10240x16xf32, #tpu.memory_space<vmem_shared>> -> memref<10240x16xf32, #tpu.memory_space<vmem_shared>>
      tpu.enqueue_indirect_dma source(%arg5 : memref<128x16xf32, #tpu.memory_space<vmem>>) target(%dma_start3A_79 : memref<10240x16xf32, #tpu.memory_space<vmem_shared>>) offsets(%dma_start3A_76 : memref<128xi32, #tpu.memory_space<vmem>>) semaphore(%arg7 : memref<!tpu.dma_semaphore, #tpu.memory_space<semaphore_mem>>) {add = true}
      %add3A_80 = arith.constant 5 : i32
      %add3A_81 = arith.addi %add3A, %add3A_80 : i32
      %dma_start3A_82 = arith.constant 0 : i32
      %dma_start3A_83 = tpu.memref_slice %arg4[%add3A_81, %dma_start3A_82] : memref<157x128xi32, #tpu.memory_space<vmem>> -> memref<1x128xi32, #tpu.memory_space<vmem>>
      %dma_start3A_84 = tpu.memref_squeeze %dma_start3A_83 : memref<1x128xi32, #tpu.memory_space<vmem>> -> memref<128xi32, #tpu.memory_space<vmem>>
      %dma_start3A_85 = arith.constant 0 : i32
      %dma_start3A_86 = arith.constant 0 : i32
      %dma_start3A_87 = tpu.memref_slice %arg6[%dma_start3A_85, %dma_start3A_86] : memref<10240x16xf32, #tpu.memory_space<vmem_shared>> -> memref<10240x16xf32, #tpu.memory_space<vmem_shared>>
      tpu.enqueue_indirect_dma source(%arg5 : memref<128x16xf32, #tpu.memory_space<vmem>>) target(%dma_start3A_87 : memref<10240x16xf32, #tpu.memory_space<vmem_shared>>) offsets(%dma_start3A_84 : memref<128xi32, #tpu.memory_space<vmem>>) semaphore(%arg7 : memref<!tpu.dma_semaphore, #tpu.memory_space<semaphore_mem>>) {add = true}
      %dma_wait3A = arith.constant 0 : i32
      %dma_wait3A_88 = tpu.memref_slice %arg4[%add3A, %dma_wait3A] : memref<157x128xi32, #tpu.memory_space<vmem>> -> memref<1x128xi32, #tpu.memory_space<vmem>>
      %dma_wait3A_89 = tpu.memref_squeeze %dma_wait3A_88 : memref<1x128xi32, #tpu.memory_space<vmem>> -> memref<128xi32, #tpu.memory_space<vmem>>
      %dma_wait3A_90 = arith.constant 0 : i32
      %dma_wait3A_91 = arith.constant 0 : i32
      %dma_wait3A_92 = tpu.memref_slice %arg6[%dma_wait3A_90, %dma_wait3A_91] : memref<10240x16xf32, #tpu.memory_space<vmem_shared>> -> memref<10240x16xf32, #tpu.memory_space<vmem_shared>>
      tpu.wait_indirect_dma semaphore(%arg7 : memref<!tpu.dma_semaphore, #tpu.memory_space<semaphore_mem>>) src(%arg5 : memref<128x16xf32, #tpu.memory_space<vmem>>) dst(%dma_wait3A_92 : memref<10240x16xf32, #tpu.memory_space<vmem_shared>>)
      %dma_wait3A_93 = arith.constant 0 : i32
      %dma_wait3A_94 = tpu.memref_slice %arg4[%add3A, %dma_wait3A_93] : memref<157x128xi32, #tpu.memory_space<vmem>> -> memref<1x128xi32, #tpu.memory_space<vmem>>
      %dma_wait3A_95 = tpu.memref_squeeze %dma_wait3A_94 : memref<1x128xi32, #tpu.memory_space<vmem>> -> memref<128xi32, #tpu.memory_space<vmem>>
      %dma_wait3A_96 = arith.constant 0 : i32
      %dma_wait3A_97 = arith.constant 0 : i32
      %dma_wait3A_98 = tpu.memref_slice %arg6[%dma_wait3A_96, %dma_wait3A_97] : memref<10240x16xf32, #tpu.memory_space<vmem_shared>> -> memref<10240x16xf32, #tpu.memory_space<vmem_shared>>
      tpu.wait_indirect_dma semaphore(%arg7 : memref<!tpu.dma_semaphore, #tpu.memory_space<semaphore_mem>>) src(%arg5 : memref<128x16xf32, #tpu.memory_space<vmem>>) dst(%dma_wait3A_98 : memref<10240x16xf32, #tpu.memory_space<vmem_shared>>)
      %dma_wait3A_99 = arith.constant 0 : i32
      %dma_wait3A_100 = tpu.memref_slice %arg4[%add3A, %dma_wait3A_99] : memref<157x128xi32, #tpu.memory_space<vmem>> -> memref<1x128xi32, #tpu.memory_space<vmem>>
      %dma_wait3A_101 = tpu.memref_squeeze %dma_wait3A_100 : memref<1x128xi32, #tpu.memory_space<vmem>> -> memref<128xi32, #tpu.memory_space<vmem>>
      %dma_wait3A_102 = arith.constant 0 : i32
      %dma_wait3A_103 = arith.constant 0 : i32
      %dma_wait3A_104 = tpu.memref_slice %arg6[%dma_wait3A_102, %dma_wait3A_103] : memref<10240x16xf32, #tpu.memory_space<vmem_shared>> -> memref<10240x16xf32, #tpu.memory_space<vmem_shared>>
      tpu.wait_indirect_dma semaphore(%arg7 : memref<!tpu.dma_semaphore, #tpu.memory_space<semaphore_mem>>) src(%arg5 : memref<128x16xf32, #tpu.memory_space<vmem>>) dst(%dma_wait3A_104 : memref<10240x16xf32, #tpu.memory_space<vmem_shared>>)
      %dma_wait3A_105 = arith.constant 0 : i32
      %dma_wait3A_106 = tpu.memref_slice %arg4[%add3A, %dma_wait3A_105] : memref<157x128xi32, #tpu.memory_space<vmem>> -> memref<1x128xi32, #tpu.memory_space<vmem>>
      %dma_wait3A_107 = tpu.memref_squeeze %dma_wait3A_106 : memref<1x128xi32, #tpu.memory_space<vmem>> -> memref<128xi32, #tpu.memory_space<vmem>>
      %dma_wait3A_108 = arith.constant 0 : i32
      %dma_wait3A_109 = arith.constant 0 : i32
      %dma_wait3A_110 = tpu.memref_slice %arg6[%dma_wait3A_108, %dma_wait3A_109] : memref<10240x16xf32, #tpu.memory_space<vmem_shared>> -> memref<10240x16xf32, #tpu.memory_space<vmem_shared>>
      tpu.wait_indirect_dma semaphore(%arg7 : memref<!tpu.dma_semaphore, #tpu.memory_space<semaphore_mem>>) src(%arg5 : memref<128x16xf32, #tpu.memory_space<vmem>>) dst(%dma_wait3A_110 : memref<10240x16xf32, #tpu.memory_space<vmem_shared>>)
      %dma_wait3A_111 = arith.constant 0 : i32
      %dma_wait3A_112 = tpu.memref_slice %arg4[%add3A, %dma_wait3A_111] : memref<157x128xi32, #tpu.memory_space<vmem>> -> memref<1x128xi32, #tpu.memory_space<vmem>>
      %dma_wait3A_113 = tpu.memref_squeeze %dma_wait3A_112 : memref<1x128xi32, #tpu.memory_space<vmem>> -> memref<128xi32, #tpu.memory_space<vmem>>
      %dma_wait3A_114 = arith.constant 0 : i32
      %dma_wait3A_115 = arith.constant 0 : i32
      %dma_wait3A_116 = tpu.memref_slice %arg6[%dma_wait3A_114, %dma_wait3A_115] : memref<10240x16xf32, #tpu.memory_space<vmem_shared>> -> memref<10240x16xf32, #tpu.memory_space<vmem_shared>>
      tpu.wait_indirect_dma semaphore(%arg7 : memref<!tpu.dma_semaphore, #tpu.memory_space<semaphore_mem>>) src(%arg5 : memref<128x16xf32, #tpu.memory_space<vmem>>) dst(%dma_wait3A_116 : memref<10240x16xf32, #tpu.memory_space<vmem_shared>>)
      %dma_wait3A_117 = arith.constant 0 : i32
      %dma_wait3A_118 = tpu.memref_slice %arg4[%add3A, %dma_wait3A_117] : memref<157x128xi32, #tpu.memory_space<vmem>> -> memref<1x128xi32, #tpu.memory_space<vmem>>
      %dma_wait3A_119 = tpu.memref_squeeze %dma_wait3A_118 : memref<1x128xi32, #tpu.memory_space<vmem>> -> memref<128xi32, #tpu.memory_space<vmem>>
      %dma_wait3A_120 = arith.constant 0 : i32
      %dma_wait3A_121 = arith.constant 0 : i32
      %dma_wait3A_122 = tpu.memref_slice %arg6[%dma_wait3A_120, %dma_wait3A_121] : memref<10240x16xf32, #tpu.memory_space<vmem_shared>> -> memref<10240x16xf32, #tpu.memory_space<vmem_shared>>
      tpu.wait_indirect_dma semaphore(%arg7 : memref<!tpu.dma_semaphore, #tpu.memory_space<semaphore_mem>>) src(%arg5 : memref<128x16xf32, #tpu.memory_space<vmem>>) dst(%dma_wait3A_122 : memref<10240x16xf32, #tpu.memory_space<vmem_shared>>)
    }
    %scan3A_28 = arith.constant 13 : i32
    %eq3A = arith.constant 0 : i32
    %eq3A_29 = arith.cmpi eq, %arg0, %eq3A : i32
    %convert_element_type3A = arith.extui %eq3A_29 : i1 to i32
    %cond3A = arith.constant 0 : i32
    %cond3A_30 = arith.cmpi ne, %convert_element_type3A, %cond3A : i32
    scf.if %cond3A_30 {
      %run_scoped3A = arith.constant 78 : i32
      "tpu.region"() ({
        %run_scoped3A_38 = tpu.sem_alloc : memref<!tpu.dma_semaphore, #tpu.memory_space<semaphore_mem>>
        %dma_start3A = arith.constant 0 : i32
        %dma_start3A_39 = tpu.memref_slice %arg4[%run_scoped3A, %dma_start3A] : memref<157x128xi32, #tpu.memory_space<vmem>> -> memref<1x128xi32, #tpu.memory_space<vmem>>
        %dma_start3A_40 = tpu.memref_squeeze %dma_start3A_39 : memref<1x128xi32, #tpu.memory_space<vmem>> -> memref<128xi32, #tpu.memory_space<vmem>>
        %dma_start3A_41 = arith.constant 0 : i32
        %dma_start3A_42 = arith.constant 0 : i32
        %dma_start3A_43 = tpu.memref_slice %arg6[%dma_start3A_41, %dma_start3A_42] : memref<10240x16xf32, #tpu.memory_space<vmem_shared>> -> memref<10240x16xf32, #tpu.memory_space<vmem_shared>>
        tpu.enqueue_indirect_dma source(%arg5 : memref<128x16xf32, #tpu.memory_space<vmem>>) target(%dma_start3A_43 : memref<10240x16xf32, #tpu.memory_space<vmem_shared>>) offsets(%dma_start3A_40 : memref<128xi32, #tpu.memory_space<vmem>>) semaphore(%run_scoped3A_38 : memref<!tpu.dma_semaphore, #tpu.memory_space<semaphore_mem>>) {add = true}
        %dma_wait3A = arith.constant 0 : i32
        %dma_wait3A_44 = tpu.memref_slice %arg4[%run_scoped3A, %dma_wait3A] : memref<157x128xi32, #tpu.memory_space<vmem>> -> memref<1x128xi32, #tpu.memory_space<vmem>>
        %dma_wait3A_45 = tpu.memref_squeeze %dma_wait3A_44 : memref<1x128xi32, #tpu.memory_space<vmem>> -> memref<128xi32, #tpu.memory_space<vmem>>
        %dma_wait3A_46 = arith.constant 0 : i32
        %dma_wait3A_47 = arith.constant 0 : i32
        %dma_wait3A_48 = tpu.memref_slice %arg6[%dma_wait3A_46, %dma_wait3A_47] : memref<10240x16xf32, #tpu.memory_space<vmem_shared>> -> memref<10240x16xf32, #tpu.memory_space<vmem_shared>>
        tpu.wait_indirect_dma semaphore(%run_scoped3A_38 : memref<!tpu.dma_semaphore, #tpu.memory_space<semaphore_mem>>) src(%arg5 : memref<128x16xf32, #tpu.memory_space<vmem>>) dst(%dma_wait3A_48 : memref<10240x16xf32, #tpu.memory_space<vmem_shared>>)
        tpu.yield
      }) : () -> ()
    } else {
    }
    %barrier3A_31 = arith.constant 0 : index
    tpu.barrier barrier_id(%barrier3A_31)
    %scan3A_32 = arith.constant 0 : i32
    %scan3A_33 = arith.constant 0 : i32
    %scan3A_34 = arith.constant 5 : i32
    %scan3A_35 = arith.addi %scan3A_33, %scan3A_34 : i32
    %scan3A_36 = arith.constant 1 : i32
    scf.for %scan3A_38 = %scan3A_33 to %scan3A_35 step %scan3A_36  : i32 {
      %mul3A_39 = arith.constant 128 : i32
      %mul3A_40 = arith.muli %scan3A_38, %mul3A_39 : i32
      %add3A = arith.addi %mul3A_6, %mul3A_40 : i32
      "tpu.region"() ({
        %run_scoped3A = tpu.sem_alloc : memref<!tpu.dma_semaphore, #tpu.memory_space<semaphore_mem>>
        %dma_start3A = arith.constant 0 : i32
        %dma_start3A_44 = tpu.memref_slice %arg6[%add3A, %dma_start3A] : memref<10240x16xf32, #tpu.memory_space<vmem_shared>> -> memref<128x16xf32, #tpu.memory_space<vmem_shared>>
        %dma_start3A_45 = arith.constant 0 : i32
        %dma_start3A_46 = tpu.memref_slice %arg6[%add3A, %dma_start3A_45] : memref<10240x16xf32, #tpu.memory_space<vmem_shared>> -> memref<128x16xf32, #tpu.memory_space<vmem_shared>>
        tpu.enqueue_dma source(%dma_start3A_46 : memref<128x16xf32, #tpu.memory_space<vmem_shared>>) target(%arg5 : memref<128x16xf32, #tpu.memory_space<vmem>>) target_semaphore(%run_scoped3A : memref<!tpu.dma_semaphore, #tpu.memory_space<semaphore_mem>>)
        %dma_wait3A = arith.constant 0 : i32
        %dma_wait3A_47 = tpu.memref_slice %arg6[%add3A, %dma_wait3A] : memref<10240x16xf32, #tpu.memory_space<vmem_shared>> -> memref<128x16xf32, #tpu.memory_space<vmem_shared>>
        %dma_wait3A_48 = arith.constant 0 : i32
        %dma_wait3A_49 = tpu.memref_slice %arg6[%add3A, %dma_wait3A_48] : memref<10240x16xf32, #tpu.memory_space<vmem_shared>> -> memref<128x16xf32, #tpu.memory_space<vmem_shared>>
        tpu.wait_dma2 semaphore(%run_scoped3A : memref<!tpu.dma_semaphore, #tpu.memory_space<semaphore_mem>>) src(%dma_wait3A_49 : memref<128x16xf32, #tpu.memory_space<vmem_shared>>) dst(%arg5 : memref<128x16xf32, #tpu.memory_space<vmem>>)
        tpu.yield
      }) : () -> ()
      %mul3A_41 = arith.constant 128 : i32
      %mul3A_42 = arith.muli %scan3A_38, %mul3A_41 : i32
      %add3A_43 = arith.addi %mul3A_6, %mul3A_42 : i32
      "tpu.region"() ({
        %run_scoped3A = tpu.sem_alloc : memref<!tpu.dma_semaphore, #tpu.memory_space<semaphore_mem>>
        %dma_start3A = arith.constant 0 : i32
        %dma_start3A_44 = arith.constant 0 : i32
        %dma_start3A_45 = tpu.memref_slice %arg3[%arg0, %dma_start3A, %dma_start3A_44] : memref<2x10240x16xf32, #tpu.memory_space<hbm>> -> memref<1x10240x16xf32, #tpu.memory_space<hbm>>
        %dma_start3A_46 = tpu.memref_squeeze %dma_start3A_45 : memref<1x10240x16xf32, #tpu.memory_space<hbm>> -> memref<10240x16xf32, #tpu.memory_space<hbm>>
        %dma_start3A_47 = arith.constant 0 : i32
        %dma_start3A_48 = tpu.memref_slice %dma_start3A_46[%add3A_43, %dma_start3A_47] : memref<10240x16xf32, #tpu.memory_space<hbm>> -> memref<128x16xf32, #tpu.memory_space<hbm>>
        %dma_start3A_49 = arith.constant 0 : i32
        %dma_start3A_50 = arith.constant 0 : i32
        %dma_start3A_51 = tpu.memref_slice %arg3[%arg0, %dma_start3A_49, %dma_start3A_50] : memref<2x10240x16xf32, #tpu.memory_space<hbm>> -> memref<1x10240x16xf32, #tpu.memory_space<hbm>>
        %dma_start3A_52 = tpu.memref_squeeze %dma_start3A_51 : memref<1x10240x16xf32, #tpu.memory_space<hbm>> -> memref<10240x16xf32, #tpu.memory_space<hbm>>
        %dma_start3A_53 = arith.constant 0 : i32
        %dma_start3A_54 = tpu.memref_slice %dma_start3A_52[%add3A_43, %dma_start3A_53] : memref<10240x16xf32, #tpu.memory_space<hbm>> -> memref<128x16xf32, #tpu.memory_space<hbm>>
        tpu.enqueue_dma source(%arg5 : memref<128x16xf32, #tpu.memory_space<vmem>>) target(%dma_start3A_54 : memref<128x16xf32, #tpu.memory_space<hbm>>) target_semaphore(%run_scoped3A : memref<!tpu.dma_semaphore, #tpu.memory_space<semaphore_mem>>)
        %dma_wait3A = arith.constant 0 : i32
        %dma_wait3A_55 = arith.constant 0 : i32
        %dma_wait3A_56 = tpu.memref_slice %arg3[%arg0, %dma_wait3A, %dma_wait3A_55] : memref<2x10240x16xf32, #tpu.memory_space<hbm>> -> memref<1x10240x16xf32, #tpu.memory_space<hbm>>
        %dma_wait3A_57 = tpu.memref_squeeze %dma_wait3A_56 : memref<1x10240x16xf32, #tpu.memory_space<hbm>> -> memref<10240x16xf32, #tpu.memory_space<hbm>>
        %dma_wait3A_58 = arith.constant 0 : i32
        %dma_wait3A_59 = tpu.memref_slice %dma_wait3A_57[%add3A_43, %dma_wait3A_58] : memref<10240x16xf32, #tpu.memory_space<hbm>> -> memref<128x16xf32, #tpu.memory_space<hbm>>
        %dma_wait3A_60 = arith.constant 0 : i32
        %dma_wait3A_61 = arith.constant 0 : i32
        %dma_wait3A_62 = tpu.memref_slice %arg3[%arg0, %dma_wait3A_60, %dma_wait3A_61] : memref<2x10240x16xf32, #tpu.memory_space<hbm>> -> memref<1x10240x16xf32, #tpu.memory_space<hbm>>
        %dma_wait3A_63 = tpu.memref_squeeze %dma_wait3A_62 : memref<1x10240x16xf32, #tpu.memory_space<hbm>> -> memref<10240x16xf32, #tpu.memory_space<hbm>>
        %dma_wait3A_64 = arith.constant 0 : i32
        %dma_wait3A_65 = tpu.memref_slice %dma_wait3A_63[%add3A_43, %dma_wait3A_64] : memref<10240x16xf32, #tpu.memory_space<hbm>> -> memref<128x16xf32, #tpu.memory_space<hbm>>
        tpu.wait_dma2 semaphore(%run_scoped3A : memref<!tpu.dma_semaphore, #tpu.memory_space<semaphore_mem>>) src(%arg5 : memref<128x16xf32, #tpu.memory_space<vmem>>) dst(%dma_wait3A_65 : memref<128x16xf32, #tpu.memory_space<hbm>>)
        tpu.yield
      }) : () -> ()
    }
    %scan3A_37 = arith.constant 5 : i32
    return
  }
}

#map = affine_map<(d0, d1) -> (0, 0, 0)>
module attributes {stable_mosaic.version = 14 : i64} {
  func.func @_agg_body(%arg0: i32, %arg1: i32, %arg2: memref<2x10240x64xf32, #tpu.memory_space<hbm>>, %arg3: memref<16x157x128xi32, #tpu.memory_space<hbm>>, %arg4: memref<16x157x128xi32, #tpu.memory_space<hbm>>, %arg5: memref<2x10240x64xf32, #tpu.memory_space<hbm>>, %arg6: memref<157x128xi32, #tpu.memory_space<vmem>>, %arg7: memref<157x128xi32, #tpu.memory_space<vmem>>, %arg8: memref<128x64xf32, #tpu.memory_space<vmem>>, %arg9: memref<10240x64xf32, #tpu.memory_space<vmem_shared>>, %arg10: memref<!tpu.dma_semaphore, #tpu.memory_space<semaphore_mem>>, %arg11: memref<!tpu.dma_semaphore, #tpu.memory_space<semaphore_mem>>) attributes {dimension_semantics = [#tpu.dimension_semantics<core_parallel>, #tpu.dimension_semantics<subcore_parallel>], iteration_bounds = array<i64: 2, 16>, scalar_prefetch = 0 : i64, scratch_operands = 6 : i64, tpu.core_type = #tpu.core_type<sc_vector_subcore>, window_params = [{transform_indices = #map}, {transform_indices = #map}, {transform_indices = #map}, {transform_indices = #map}]} {
    %dma_start3A = arith.constant 0 : i32
    %dma_start3A_0 = arith.constant 0 : i32
    %dma_start3A_1 = tpu.memref_slice %arg3[%arg1, %dma_start3A, %dma_start3A_0] : memref<16x157x128xi32, #tpu.memory_space<hbm>> -> memref<1x157x128xi32, #tpu.memory_space<hbm>>
    %dma_start3A_2 = tpu.memref_squeeze %dma_start3A_1 : memref<1x157x128xi32, #tpu.memory_space<hbm>> -> memref<157x128xi32, #tpu.memory_space<hbm>>
    %dma_start3A_3 = arith.constant 0 : i32
    %dma_start3A_4 = arith.constant 0 : i32
    %dma_start3A_5 = tpu.memref_slice %arg3[%arg1, %dma_start3A_3, %dma_start3A_4] : memref<16x157x128xi32, #tpu.memory_space<hbm>> -> memref<1x157x128xi32, #tpu.memory_space<hbm>>
    %dma_start3A_6 = tpu.memref_squeeze %dma_start3A_5 : memref<1x157x128xi32, #tpu.memory_space<hbm>> -> memref<157x128xi32, #tpu.memory_space<hbm>>
    tpu.enqueue_dma source(%dma_start3A_6 : memref<157x128xi32, #tpu.memory_space<hbm>>) target(%arg6 : memref<157x128xi32, #tpu.memory_space<vmem>>) target_semaphore(%arg11 : memref<!tpu.dma_semaphore, #tpu.memory_space<semaphore_mem>>)
    %dma_start3A_7 = arith.constant 0 : i32
    %dma_start3A_8 = arith.constant 0 : i32
    %dma_start3A_9 = tpu.memref_slice %arg4[%arg1, %dma_start3A_7, %dma_start3A_8] : memref<16x157x128xi32, #tpu.memory_space<hbm>> -> memref<1x157x128xi32, #tpu.memory_space<hbm>>
    %dma_start3A_10 = tpu.memref_squeeze %dma_start3A_9 : memref<1x157x128xi32, #tpu.memory_space<hbm>> -> memref<157x128xi32, #tpu.memory_space<hbm>>
    %dma_start3A_11 = arith.constant 0 : i32
    %dma_start3A_12 = arith.constant 0 : i32
    %dma_start3A_13 = tpu.memref_slice %arg4[%arg1, %dma_start3A_11, %dma_start3A_12] : memref<16x157x128xi32, #tpu.memory_space<hbm>> -> memref<1x157x128xi32, #tpu.memory_space<hbm>>
    %dma_start3A_14 = tpu.memref_squeeze %dma_start3A_13 : memref<1x157x128xi32, #tpu.memory_space<hbm>> -> memref<157x128xi32, #tpu.memory_space<hbm>>
    tpu.enqueue_dma source(%dma_start3A_14 : memref<157x128xi32, #tpu.memory_space<hbm>>) target(%arg7 : memref<157x128xi32, #tpu.memory_space<vmem>>) target_semaphore(%arg11 : memref<!tpu.dma_semaphore, #tpu.memory_space<semaphore_mem>>)
    %mul3A = arith.constant 640 : i32
    %mul3A_15 = arith.muli %arg1, %mul3A : i32
    %scan3A = arith.constant 0 : i32
    %scan3A_16 = arith.constant 0 : i32
    %scan3A_17 = arith.constant 5 : i32
    %scan3A_18 = arith.addi %scan3A_16, %scan3A_17 : i32
    %scan3A_19 = arith.constant 1 : i32
    scf.for %scan3A_49 = %scan3A_16 to %scan3A_18 step %scan3A_19  : i32 {
      %mul3A_50 = arith.constant 128 : i32
      %mul3A_51 = arith.muli %scan3A_49, %mul3A_50 : i32
      %add3A = arith.addi %mul3A_15, %mul3A_51 : i32
      "tpu.region"() ({
        %run_scoped3A = tpu.sem_alloc : memref<!tpu.dma_semaphore, #tpu.memory_space<semaphore_mem>>
        %dma_start3A_55 = arith.constant 0 : i32
        %dma_start3A_56 = arith.constant 0 : i32
        %dma_start3A_57 = tpu.memref_slice %arg2[%arg0, %dma_start3A_55, %dma_start3A_56] : memref<2x10240x64xf32, #tpu.memory_space<hbm>> -> memref<1x10240x64xf32, #tpu.memory_space<hbm>>
        %dma_start3A_58 = tpu.memref_squeeze %dma_start3A_57 : memref<1x10240x64xf32, #tpu.memory_space<hbm>> -> memref<10240x64xf32, #tpu.memory_space<hbm>>
        %dma_start3A_59 = arith.constant 0 : i32
        %dma_start3A_60 = tpu.memref_slice %dma_start3A_58[%add3A, %dma_start3A_59] : memref<10240x64xf32, #tpu.memory_space<hbm>> -> memref<128x64xf32, #tpu.memory_space<hbm>>
        %dma_start3A_61 = arith.constant 0 : i32
        %dma_start3A_62 = arith.constant 0 : i32
        %dma_start3A_63 = tpu.memref_slice %arg2[%arg0, %dma_start3A_61, %dma_start3A_62] : memref<2x10240x64xf32, #tpu.memory_space<hbm>> -> memref<1x10240x64xf32, #tpu.memory_space<hbm>>
        %dma_start3A_64 = tpu.memref_squeeze %dma_start3A_63 : memref<1x10240x64xf32, #tpu.memory_space<hbm>> -> memref<10240x64xf32, #tpu.memory_space<hbm>>
        %dma_start3A_65 = arith.constant 0 : i32
        %dma_start3A_66 = tpu.memref_slice %dma_start3A_64[%add3A, %dma_start3A_65] : memref<10240x64xf32, #tpu.memory_space<hbm>> -> memref<128x64xf32, #tpu.memory_space<hbm>>
        tpu.enqueue_dma source(%dma_start3A_66 : memref<128x64xf32, #tpu.memory_space<hbm>>) target(%arg8 : memref<128x64xf32, #tpu.memory_space<vmem>>) target_semaphore(%run_scoped3A : memref<!tpu.dma_semaphore, #tpu.memory_space<semaphore_mem>>)
        %dma_wait3A_67 = arith.constant 0 : i32
        %dma_wait3A_68 = arith.constant 0 : i32
        %dma_wait3A_69 = tpu.memref_slice %arg2[%arg0, %dma_wait3A_67, %dma_wait3A_68] : memref<2x10240x64xf32, #tpu.memory_space<hbm>> -> memref<1x10240x64xf32, #tpu.memory_space<hbm>>
        %dma_wait3A_70 = tpu.memref_squeeze %dma_wait3A_69 : memref<1x10240x64xf32, #tpu.memory_space<hbm>> -> memref<10240x64xf32, #tpu.memory_space<hbm>>
        %dma_wait3A_71 = arith.constant 0 : i32
        %dma_wait3A_72 = tpu.memref_slice %dma_wait3A_70[%add3A, %dma_wait3A_71] : memref<10240x64xf32, #tpu.memory_space<hbm>> -> memref<128x64xf32, #tpu.memory_space<hbm>>
        %dma_wait3A_73 = arith.constant 0 : i32
        %dma_wait3A_74 = arith.constant 0 : i32
        %dma_wait3A_75 = tpu.memref_slice %arg2[%arg0, %dma_wait3A_73, %dma_wait3A_74] : memref<2x10240x64xf32, #tpu.memory_space<hbm>> -> memref<1x10240x64xf32, #tpu.memory_space<hbm>>
        %dma_wait3A_76 = tpu.memref_squeeze %dma_wait3A_75 : memref<1x10240x64xf32, #tpu.memory_space<hbm>> -> memref<10240x64xf32, #tpu.memory_space<hbm>>
        %dma_wait3A_77 = arith.constant 0 : i32
        %dma_wait3A_78 = tpu.memref_slice %dma_wait3A_76[%add3A, %dma_wait3A_77] : memref<10240x64xf32, #tpu.memory_space<hbm>> -> memref<128x64xf32, #tpu.memory_space<hbm>>
        tpu.wait_dma2 semaphore(%run_scoped3A : memref<!tpu.dma_semaphore, #tpu.memory_space<semaphore_mem>>) src(%dma_wait3A_78 : memref<128x64xf32, #tpu.memory_space<hbm>>) dst(%arg8 : memref<128x64xf32, #tpu.memory_space<vmem>>)
        tpu.yield
      }) : () -> ()
      %mul3A_52 = arith.constant 128 : i32
      %mul3A_53 = arith.muli %scan3A_49, %mul3A_52 : i32
      %add3A_54 = arith.addi %mul3A_15, %mul3A_53 : i32
      "tpu.region"() ({
        %run_scoped3A = tpu.sem_alloc : memref<!tpu.dma_semaphore, #tpu.memory_space<semaphore_mem>>
        %dma_start3A_55 = arith.constant 0 : i32
        %dma_start3A_56 = tpu.memref_slice %arg9[%add3A_54, %dma_start3A_55] : memref<10240x64xf32, #tpu.memory_space<vmem_shared>> -> memref<128x64xf32, #tpu.memory_space<vmem_shared>>
        %dma_start3A_57 = arith.constant 0 : i32
        %dma_start3A_58 = tpu.memref_slice %arg9[%add3A_54, %dma_start3A_57] : memref<10240x64xf32, #tpu.memory_space<vmem_shared>> -> memref<128x64xf32, #tpu.memory_space<vmem_shared>>
        tpu.enqueue_dma source(%arg8 : memref<128x64xf32, #tpu.memory_space<vmem>>) target(%dma_start3A_58 : memref<128x64xf32, #tpu.memory_space<vmem_shared>>) target_semaphore(%run_scoped3A : memref<!tpu.dma_semaphore, #tpu.memory_space<semaphore_mem>>)
        %dma_wait3A_59 = arith.constant 0 : i32
        %dma_wait3A_60 = tpu.memref_slice %arg9[%add3A_54, %dma_wait3A_59] : memref<10240x64xf32, #tpu.memory_space<vmem_shared>> -> memref<128x64xf32, #tpu.memory_space<vmem_shared>>
        %dma_wait3A_61 = arith.constant 0 : i32
        %dma_wait3A_62 = tpu.memref_slice %arg9[%add3A_54, %dma_wait3A_61] : memref<10240x64xf32, #tpu.memory_space<vmem_shared>> -> memref<128x64xf32, #tpu.memory_space<vmem_shared>>
        tpu.wait_dma2 semaphore(%run_scoped3A : memref<!tpu.dma_semaphore, #tpu.memory_space<semaphore_mem>>) src(%arg8 : memref<128x64xf32, #tpu.memory_space<vmem>>) dst(%dma_wait3A_62 : memref<128x64xf32, #tpu.memory_space<vmem_shared>>)
        tpu.yield
      }) : () -> ()
    }
    %scan3A_20 = arith.constant 5 : i32
    %dma_wait3A = arith.constant 0 : i32
    %dma_wait3A_21 = arith.constant 0 : i32
    %dma_wait3A_22 = tpu.memref_slice %arg3[%arg1, %dma_wait3A, %dma_wait3A_21] : memref<16x157x128xi32, #tpu.memory_space<hbm>> -> memref<1x157x128xi32, #tpu.memory_space<hbm>>
    %dma_wait3A_23 = tpu.memref_squeeze %dma_wait3A_22 : memref<1x157x128xi32, #tpu.memory_space<hbm>> -> memref<157x128xi32, #tpu.memory_space<hbm>>
    %dma_wait3A_24 = arith.constant 0 : i32
    %dma_wait3A_25 = arith.constant 0 : i32
    %dma_wait3A_26 = tpu.memref_slice %arg3[%arg1, %dma_wait3A_24, %dma_wait3A_25] : memref<16x157x128xi32, #tpu.memory_space<hbm>> -> memref<1x157x128xi32, #tpu.memory_space<hbm>>
    %dma_wait3A_27 = tpu.memref_squeeze %dma_wait3A_26 : memref<1x157x128xi32, #tpu.memory_space<hbm>> -> memref<157x128xi32, #tpu.memory_space<hbm>>
    tpu.wait_dma2 semaphore(%arg11 : memref<!tpu.dma_semaphore, #tpu.memory_space<semaphore_mem>>) src(%dma_wait3A_27 : memref<157x128xi32, #tpu.memory_space<hbm>>) dst(%arg6 : memref<157x128xi32, #tpu.memory_space<vmem>>)
    %dma_wait3A_28 = arith.constant 0 : i32
    %dma_wait3A_29 = arith.constant 0 : i32
    %dma_wait3A_30 = tpu.memref_slice %arg4[%arg1, %dma_wait3A_28, %dma_wait3A_29] : memref<16x157x128xi32, #tpu.memory_space<hbm>> -> memref<1x157x128xi32, #tpu.memory_space<hbm>>
    %dma_wait3A_31 = tpu.memref_squeeze %dma_wait3A_30 : memref<1x157x128xi32, #tpu.memory_space<hbm>> -> memref<157x128xi32, #tpu.memory_space<hbm>>
    %dma_wait3A_32 = arith.constant 0 : i32
    %dma_wait3A_33 = arith.constant 0 : i32
    %dma_wait3A_34 = tpu.memref_slice %arg4[%arg1, %dma_wait3A_32, %dma_wait3A_33] : memref<16x157x128xi32, #tpu.memory_space<hbm>> -> memref<1x157x128xi32, #tpu.memory_space<hbm>>
    %dma_wait3A_35 = tpu.memref_squeeze %dma_wait3A_34 : memref<1x157x128xi32, #tpu.memory_space<hbm>> -> memref<157x128xi32, #tpu.memory_space<hbm>>
    tpu.wait_dma2 semaphore(%arg11 : memref<!tpu.dma_semaphore, #tpu.memory_space<semaphore_mem>>) src(%dma_wait3A_35 : memref<157x128xi32, #tpu.memory_space<hbm>>) dst(%arg7 : memref<157x128xi32, #tpu.memory_space<vmem>>)
    %barrier3A = arith.constant 0 : index
    tpu.barrier barrier_id(%barrier3A)
    %scan3A_36 = arith.constant 0 : i32
    %scan3A_37 = arith.constant 0 : i32
    %scan3A_38 = arith.constant 157 : i32
    %scan3A_39 = arith.addi %scan3A_37, %scan3A_38 : i32
    %scan3A_40 = arith.constant 1 : i32
    scf.for %scan3A_49 = %scan3A_37 to %scan3A_39 step %scan3A_40  : i32 {
      %dma_start3A_50 = arith.constant 0 : i32
      %dma_start3A_51 = tpu.memref_slice %arg6[%scan3A_49, %dma_start3A_50] : memref<157x128xi32, #tpu.memory_space<vmem>> -> memref<1x128xi32, #tpu.memory_space<vmem>>
      %dma_start3A_52 = tpu.memref_squeeze %dma_start3A_51 : memref<1x128xi32, #tpu.memory_space<vmem>> -> memref<128xi32, #tpu.memory_space<vmem>>
      %dma_start3A_53 = arith.constant 0 : i32
      %dma_start3A_54 = arith.constant 0 : i32
      %dma_start3A_55 = tpu.memref_slice %arg2[%arg0, %dma_start3A_53, %dma_start3A_54] : memref<2x10240x64xf32, #tpu.memory_space<hbm>> -> memref<1x10240x64xf32, #tpu.memory_space<hbm>>
      %dma_start3A_56 = tpu.memref_squeeze %dma_start3A_55 : memref<1x10240x64xf32, #tpu.memory_space<hbm>> -> memref<10240x64xf32, #tpu.memory_space<hbm>>
      %dma_start3A_57 = arith.constant 0 : i32
      %dma_start3A_58 = arith.constant 0 : i32
      %dma_start3A_59 = tpu.memref_slice %dma_start3A_56[%dma_start3A_57, %dma_start3A_58] : memref<10240x64xf32, #tpu.memory_space<hbm>> -> memref<10240x64xf32, #tpu.memory_space<hbm>>
      tpu.enqueue_indirect_dma source(%dma_start3A_59 : memref<10240x64xf32, #tpu.memory_space<hbm>>) target(%arg8 : memref<128x64xf32, #tpu.memory_space<vmem>>) offsets(%dma_start3A_52 : memref<128xi32, #tpu.memory_space<vmem>>) semaphore(%arg10 : memref<!tpu.dma_semaphore, #tpu.memory_space<semaphore_mem>>)
      %dma_wait3A_60 = arith.constant 0 : i32
      %dma_wait3A_61 = tpu.memref_slice %arg6[%scan3A_49, %dma_wait3A_60] : memref<157x128xi32, #tpu.memory_space<vmem>> -> memref<1x128xi32, #tpu.memory_space<vmem>>
      %dma_wait3A_62 = tpu.memref_squeeze %dma_wait3A_61 : memref<1x128xi32, #tpu.memory_space<vmem>> -> memref<128xi32, #tpu.memory_space<vmem>>
      %dma_wait3A_63 = arith.constant 0 : i32
      %dma_wait3A_64 = arith.constant 0 : i32
      %dma_wait3A_65 = tpu.memref_slice %arg2[%arg0, %dma_wait3A_63, %dma_wait3A_64] : memref<2x10240x64xf32, #tpu.memory_space<hbm>> -> memref<1x10240x64xf32, #tpu.memory_space<hbm>>
      %dma_wait3A_66 = tpu.memref_squeeze %dma_wait3A_65 : memref<1x10240x64xf32, #tpu.memory_space<hbm>> -> memref<10240x64xf32, #tpu.memory_space<hbm>>
      %dma_wait3A_67 = arith.constant 0 : i32
      %dma_wait3A_68 = arith.constant 0 : i32
      %dma_wait3A_69 = tpu.memref_slice %dma_wait3A_66[%dma_wait3A_67, %dma_wait3A_68] : memref<10240x64xf32, #tpu.memory_space<hbm>> -> memref<10240x64xf32, #tpu.memory_space<hbm>>
      tpu.wait_indirect_dma semaphore(%arg10 : memref<!tpu.dma_semaphore, #tpu.memory_space<semaphore_mem>>) src(%dma_wait3A_69 : memref<10240x64xf32, #tpu.memory_space<hbm>>) dst(%arg8 : memref<128x64xf32, #tpu.memory_space<vmem>>)
      "tpu.region"() ({
        %run_scoped3A = tpu.sem_alloc : memref<!tpu.dma_semaphore, #tpu.memory_space<semaphore_mem>>
        %dma_start3A_70 = arith.constant 0 : i32
        %dma_start3A_71 = tpu.memref_slice %arg7[%scan3A_49, %dma_start3A_70] : memref<157x128xi32, #tpu.memory_space<vmem>> -> memref<1x128xi32, #tpu.memory_space<vmem>>
        %dma_start3A_72 = tpu.memref_squeeze %dma_start3A_71 : memref<1x128xi32, #tpu.memory_space<vmem>> -> memref<128xi32, #tpu.memory_space<vmem>>
        %dma_start3A_73 = arith.constant 0 : i32
        %dma_start3A_74 = arith.constant 0 : i32
        %dma_start3A_75 = tpu.memref_slice %arg9[%dma_start3A_73, %dma_start3A_74] : memref<10240x64xf32, #tpu.memory_space<vmem_shared>> -> memref<10240x64xf32, #tpu.memory_space<vmem_shared>>
        tpu.enqueue_indirect_dma source(%arg8 : memref<128x64xf32, #tpu.memory_space<vmem>>) target(%dma_start3A_75 : memref<10240x64xf32, #tpu.memory_space<vmem_shared>>) offsets(%dma_start3A_72 : memref<128xi32, #tpu.memory_space<vmem>>) semaphore(%run_scoped3A : memref<!tpu.dma_semaphore, #tpu.memory_space<semaphore_mem>>) {add = true}
        %dma_wait3A_76 = arith.constant 0 : i32
        %dma_wait3A_77 = tpu.memref_slice %arg7[%scan3A_49, %dma_wait3A_76] : memref<157x128xi32, #tpu.memory_space<vmem>> -> memref<1x128xi32, #tpu.memory_space<vmem>>
        %dma_wait3A_78 = tpu.memref_squeeze %dma_wait3A_77 : memref<1x128xi32, #tpu.memory_space<vmem>> -> memref<128xi32, #tpu.memory_space<vmem>>
        %dma_wait3A_79 = arith.constant 0 : i32
        %dma_wait3A_80 = arith.constant 0 : i32
        %dma_wait3A_81 = tpu.memref_slice %arg9[%dma_wait3A_79, %dma_wait3A_80] : memref<10240x64xf32, #tpu.memory_space<vmem_shared>> -> memref<10240x64xf32, #tpu.memory_space<vmem_shared>>
        tpu.wait_indirect_dma semaphore(%run_scoped3A : memref<!tpu.dma_semaphore, #tpu.memory_space<semaphore_mem>>) src(%arg8 : memref<128x64xf32, #tpu.memory_space<vmem>>) dst(%dma_wait3A_81 : memref<10240x64xf32, #tpu.memory_space<vmem_shared>>)
        tpu.yield
      }) : () -> ()
    }
    %scan3A_41 = arith.constant 157 : i32
    %barrier3A_42 = arith.constant 0 : index
    tpu.barrier barrier_id(%barrier3A_42)
    %scan3A_43 = arith.constant 0 : i32
    %scan3A_44 = arith.constant 0 : i32
    %scan3A_45 = arith.constant 5 : i32
    %scan3A_46 = arith.addi %scan3A_44, %scan3A_45 : i32
    %scan3A_47 = arith.constant 1 : i32
    scf.for %scan3A_49 = %scan3A_44 to %scan3A_46 step %scan3A_47  : i32 {
      %mul3A_50 = arith.constant 128 : i32
      %mul3A_51 = arith.muli %scan3A_49, %mul3A_50 : i32
      %add3A = arith.addi %mul3A_15, %mul3A_51 : i32
      "tpu.region"() ({
        %run_scoped3A = tpu.sem_alloc : memref<!tpu.dma_semaphore, #tpu.memory_space<semaphore_mem>>
        %dma_start3A_55 = arith.constant 0 : i32
        %dma_start3A_56 = tpu.memref_slice %arg9[%add3A, %dma_start3A_55] : memref<10240x64xf32, #tpu.memory_space<vmem_shared>> -> memref<128x64xf32, #tpu.memory_space<vmem_shared>>
        %dma_start3A_57 = arith.constant 0 : i32
        %dma_start3A_58 = tpu.memref_slice %arg9[%add3A, %dma_start3A_57] : memref<10240x64xf32, #tpu.memory_space<vmem_shared>> -> memref<128x64xf32, #tpu.memory_space<vmem_shared>>
        tpu.enqueue_dma source(%dma_start3A_58 : memref<128x64xf32, #tpu.memory_space<vmem_shared>>) target(%arg8 : memref<128x64xf32, #tpu.memory_space<vmem>>) target_semaphore(%run_scoped3A : memref<!tpu.dma_semaphore, #tpu.memory_space<semaphore_mem>>)
        %dma_wait3A_59 = arith.constant 0 : i32
        %dma_wait3A_60 = tpu.memref_slice %arg9[%add3A, %dma_wait3A_59] : memref<10240x64xf32, #tpu.memory_space<vmem_shared>> -> memref<128x64xf32, #tpu.memory_space<vmem_shared>>
        %dma_wait3A_61 = arith.constant 0 : i32
        %dma_wait3A_62 = tpu.memref_slice %arg9[%add3A, %dma_wait3A_61] : memref<10240x64xf32, #tpu.memory_space<vmem_shared>> -> memref<128x64xf32, #tpu.memory_space<vmem_shared>>
        tpu.wait_dma2 semaphore(%run_scoped3A : memref<!tpu.dma_semaphore, #tpu.memory_space<semaphore_mem>>) src(%dma_wait3A_62 : memref<128x64xf32, #tpu.memory_space<vmem_shared>>) dst(%arg8 : memref<128x64xf32, #tpu.memory_space<vmem>>)
        tpu.yield
      }) : () -> ()
      %mul3A_52 = arith.constant 128 : i32
      %mul3A_53 = arith.muli %scan3A_49, %mul3A_52 : i32
      %add3A_54 = arith.addi %mul3A_15, %mul3A_53 : i32
      "tpu.region"() ({
        %run_scoped3A = tpu.sem_alloc : memref<!tpu.dma_semaphore, #tpu.memory_space<semaphore_mem>>
        %dma_start3A_55 = arith.constant 0 : i32
        %dma_start3A_56 = arith.constant 0 : i32
        %dma_start3A_57 = tpu.memref_slice %arg5[%arg0, %dma_start3A_55, %dma_start3A_56] : memref<2x10240x64xf32, #tpu.memory_space<hbm>> -> memref<1x10240x64xf32, #tpu.memory_space<hbm>>
        %dma_start3A_58 = tpu.memref_squeeze %dma_start3A_57 : memref<1x10240x64xf32, #tpu.memory_space<hbm>> -> memref<10240x64xf32, #tpu.memory_space<hbm>>
        %dma_start3A_59 = arith.constant 0 : i32
        %dma_start3A_60 = tpu.memref_slice %dma_start3A_58[%add3A_54, %dma_start3A_59] : memref<10240x64xf32, #tpu.memory_space<hbm>> -> memref<128x64xf32, #tpu.memory_space<hbm>>
        %dma_start3A_61 = arith.constant 0 : i32
        %dma_start3A_62 = arith.constant 0 : i32
        %dma_start3A_63 = tpu.memref_slice %arg5[%arg0, %dma_start3A_61, %dma_start3A_62] : memref<2x10240x64xf32, #tpu.memory_space<hbm>> -> memref<1x10240x64xf32, #tpu.memory_space<hbm>>
        %dma_start3A_64 = tpu.memref_squeeze %dma_start3A_63 : memref<1x10240x64xf32, #tpu.memory_space<hbm>> -> memref<10240x64xf32, #tpu.memory_space<hbm>>
        %dma_start3A_65 = arith.constant 0 : i32
        %dma_start3A_66 = tpu.memref_slice %dma_start3A_64[%add3A_54, %dma_start3A_65] : memref<10240x64xf32, #tpu.memory_space<hbm>> -> memref<128x64xf32, #tpu.memory_space<hbm>>
        tpu.enqueue_dma source(%arg8 : memref<128x64xf32, #tpu.memory_space<vmem>>) target(%dma_start3A_66 : memref<128x64xf32, #tpu.memory_space<hbm>>) target_semaphore(%run_scoped3A : memref<!tpu.dma_semaphore, #tpu.memory_space<semaphore_mem>>)
        %dma_wait3A_67 = arith.constant 0 : i32
        %dma_wait3A_68 = arith.constant 0 : i32
        %dma_wait3A_69 = tpu.memref_slice %arg5[%arg0, %dma_wait3A_67, %dma_wait3A_68] : memref<2x10240x64xf32, #tpu.memory_space<hbm>> -> memref<1x10240x64xf32, #tpu.memory_space<hbm>>
        %dma_wait3A_70 = tpu.memref_squeeze %dma_wait3A_69 : memref<1x10240x64xf32, #tpu.memory_space<hbm>> -> memref<10240x64xf32, #tpu.memory_space<hbm>>
        %dma_wait3A_71 = arith.constant 0 : i32
        %dma_wait3A_72 = tpu.memref_slice %dma_wait3A_70[%add3A_54, %dma_wait3A_71] : memref<10240x64xf32, #tpu.memory_space<hbm>> -> memref<128x64xf32, #tpu.memory_space<hbm>>
        %dma_wait3A_73 = arith.constant 0 : i32
        %dma_wait3A_74 = arith.constant 0 : i32
        %dma_wait3A_75 = tpu.memref_slice %arg5[%arg0, %dma_wait3A_73, %dma_wait3A_74] : memref<2x10240x64xf32, #tpu.memory_space<hbm>> -> memref<1x10240x64xf32, #tpu.memory_space<hbm>>
        %dma_wait3A_76 = tpu.memref_squeeze %dma_wait3A_75 : memref<1x10240x64xf32, #tpu.memory_space<hbm>> -> memref<10240x64xf32, #tpu.memory_space<hbm>>
        %dma_wait3A_77 = arith.constant 0 : i32
        %dma_wait3A_78 = tpu.memref_slice %dma_wait3A_76[%add3A_54, %dma_wait3A_77] : memref<10240x64xf32, #tpu.memory_space<hbm>> -> memref<128x64xf32, #tpu.memory_space<hbm>>
        tpu.wait_dma2 semaphore(%run_scoped3A : memref<!tpu.dma_semaphore, #tpu.memory_space<semaphore_mem>>) src(%arg8 : memref<128x64xf32, #tpu.memory_space<vmem>>) dst(%dma_wait3A_78 : memref<128x64xf32, #tpu.memory_space<hbm>>)
        tpu.yield
      }) : () -> ()
    }
    %scan3A_48 = arith.constant 5 : i32
    return
  }
}

#map = affine_map<(d0, d1) -> (0, 0, 0)>
module attributes {stable_mosaic.version = 14 : i64} {
  func.func @_agg_body(%arg0: i32, %arg1: i32, %arg2: memref<2x10240x64xf32, #tpu.memory_space<hbm>>, %arg3: memref<16x157x128xi32, #tpu.memory_space<hbm>>, %arg4: memref<16x157x128xi32, #tpu.memory_space<hbm>>, %arg5: memref<2x10240x64xf32, #tpu.memory_space<hbm>>, %arg6: memref<157x128xi32, #tpu.memory_space<vmem>>, %arg7: memref<157x128xi32, #tpu.memory_space<vmem>>, %arg8: memref<128x64xf32, #tpu.memory_space<vmem>>, %arg9: memref<10240x64xf32, #tpu.memory_space<vmem_shared>>, %arg10: memref<!tpu.dma_semaphore, #tpu.memory_space<semaphore_mem>>, %arg11: memref<!tpu.dma_semaphore, #tpu.memory_space<semaphore_mem>>) attributes {dimension_semantics = [#tpu.dimension_semantics<core_parallel>, #tpu.dimension_semantics<subcore_parallel>], iteration_bounds = array<i64: 2, 16>, scalar_prefetch = 0 : i64, scratch_operands = 6 : i64, tpu.core_type = #tpu.core_type<sc_vector_subcore>, window_params = [{transform_indices = #map}, {transform_indices = #map}, {transform_indices = #map}, {transform_indices = #map}]} {
    %dma_start3A = arith.constant 0 : i32
    %dma_start3A_0 = arith.constant 0 : i32
    %dma_start3A_1 = tpu.memref_slice %arg3[%arg1, %dma_start3A, %dma_start3A_0] : memref<16x157x128xi32, #tpu.memory_space<hbm>> -> memref<1x157x128xi32, #tpu.memory_space<hbm>>
    %dma_start3A_2 = tpu.memref_squeeze %dma_start3A_1 : memref<1x157x128xi32, #tpu.memory_space<hbm>> -> memref<157x128xi32, #tpu.memory_space<hbm>>
    %dma_start3A_3 = arith.constant 0 : i32
    %dma_start3A_4 = arith.constant 0 : i32
    %dma_start3A_5 = tpu.memref_slice %arg3[%arg1, %dma_start3A_3, %dma_start3A_4] : memref<16x157x128xi32, #tpu.memory_space<hbm>> -> memref<1x157x128xi32, #tpu.memory_space<hbm>>
    %dma_start3A_6 = tpu.memref_squeeze %dma_start3A_5 : memref<1x157x128xi32, #tpu.memory_space<hbm>> -> memref<157x128xi32, #tpu.memory_space<hbm>>
    tpu.enqueue_dma source(%dma_start3A_6 : memref<157x128xi32, #tpu.memory_space<hbm>>) target(%arg6 : memref<157x128xi32, #tpu.memory_space<vmem>>) target_semaphore(%arg11 : memref<!tpu.dma_semaphore, #tpu.memory_space<semaphore_mem>>)
    %dma_start3A_7 = arith.constant 0 : i32
    %dma_start3A_8 = arith.constant 0 : i32
    %dma_start3A_9 = tpu.memref_slice %arg4[%arg1, %dma_start3A_7, %dma_start3A_8] : memref<16x157x128xi32, #tpu.memory_space<hbm>> -> memref<1x157x128xi32, #tpu.memory_space<hbm>>
    %dma_start3A_10 = tpu.memref_squeeze %dma_start3A_9 : memref<1x157x128xi32, #tpu.memory_space<hbm>> -> memref<157x128xi32, #tpu.memory_space<hbm>>
    %dma_start3A_11 = arith.constant 0 : i32
    %dma_start3A_12 = arith.constant 0 : i32
    %dma_start3A_13 = tpu.memref_slice %arg4[%arg1, %dma_start3A_11, %dma_start3A_12] : memref<16x157x128xi32, #tpu.memory_space<hbm>> -> memref<1x157x128xi32, #tpu.memory_space<hbm>>
    %dma_start3A_14 = tpu.memref_squeeze %dma_start3A_13 : memref<1x157x128xi32, #tpu.memory_space<hbm>> -> memref<157x128xi32, #tpu.memory_space<hbm>>
    tpu.enqueue_dma source(%dma_start3A_14 : memref<157x128xi32, #tpu.memory_space<hbm>>) target(%arg7 : memref<157x128xi32, #tpu.memory_space<vmem>>) target_semaphore(%arg11 : memref<!tpu.dma_semaphore, #tpu.memory_space<semaphore_mem>>)
    %mul3A = arith.constant 640 : i32
    %mul3A_15 = arith.muli %arg1, %mul3A : i32
    %scan3A = arith.constant 0 : i32
    %scan3A_16 = arith.constant 0 : i32
    %scan3A_17 = arith.constant 5 : i32
    %scan3A_18 = arith.addi %scan3A_16, %scan3A_17 : i32
    %scan3A_19 = arith.constant 1 : i32
    scf.for %scan3A_49 = %scan3A_16 to %scan3A_18 step %scan3A_19  : i32 {
      %mul3A_50 = arith.constant 128 : i32
      %mul3A_51 = arith.muli %scan3A_49, %mul3A_50 : i32
      %add3A = arith.addi %mul3A_15, %mul3A_51 : i32
      "tpu.region"() ({
        %run_scoped3A = tpu.sem_alloc : memref<!tpu.dma_semaphore, #tpu.memory_space<semaphore_mem>>
        %dma_start3A_55 = arith.constant 0 : i32
        %dma_start3A_56 = arith.constant 0 : i32
        %dma_start3A_57 = tpu.memref_slice %arg2[%arg0, %dma_start3A_55, %dma_start3A_56] : memref<2x10240x64xf32, #tpu.memory_space<hbm>> -> memref<1x10240x64xf32, #tpu.memory_space<hbm>>
        %dma_start3A_58 = tpu.memref_squeeze %dma_start3A_57 : memref<1x10240x64xf32, #tpu.memory_space<hbm>> -> memref<10240x64xf32, #tpu.memory_space<hbm>>
        %dma_start3A_59 = arith.constant 0 : i32
        %dma_start3A_60 = tpu.memref_slice %dma_start3A_58[%add3A, %dma_start3A_59] : memref<10240x64xf32, #tpu.memory_space<hbm>> -> memref<128x64xf32, #tpu.memory_space<hbm>>
        %dma_start3A_61 = arith.constant 0 : i32
        %dma_start3A_62 = arith.constant 0 : i32
        %dma_start3A_63 = tpu.memref_slice %arg2[%arg0, %dma_start3A_61, %dma_start3A_62] : memref<2x10240x64xf32, #tpu.memory_space<hbm>> -> memref<1x10240x64xf32, #tpu.memory_space<hbm>>
        %dma_start3A_64 = tpu.memref_squeeze %dma_start3A_63 : memref<1x10240x64xf32, #tpu.memory_space<hbm>> -> memref<10240x64xf32, #tpu.memory_space<hbm>>
        %dma_start3A_65 = arith.constant 0 : i32
        %dma_start3A_66 = tpu.memref_slice %dma_start3A_64[%add3A, %dma_start3A_65] : memref<10240x64xf32, #tpu.memory_space<hbm>> -> memref<128x64xf32, #tpu.memory_space<hbm>>
        tpu.enqueue_dma source(%dma_start3A_66 : memref<128x64xf32, #tpu.memory_space<hbm>>) target(%arg8 : memref<128x64xf32, #tpu.memory_space<vmem>>) target_semaphore(%run_scoped3A : memref<!tpu.dma_semaphore, #tpu.memory_space<semaphore_mem>>)
        %dma_wait3A_67 = arith.constant 0 : i32
        %dma_wait3A_68 = arith.constant 0 : i32
        %dma_wait3A_69 = tpu.memref_slice %arg2[%arg0, %dma_wait3A_67, %dma_wait3A_68] : memref<2x10240x64xf32, #tpu.memory_space<hbm>> -> memref<1x10240x64xf32, #tpu.memory_space<hbm>>
        %dma_wait3A_70 = tpu.memref_squeeze %dma_wait3A_69 : memref<1x10240x64xf32, #tpu.memory_space<hbm>> -> memref<10240x64xf32, #tpu.memory_space<hbm>>
        %dma_wait3A_71 = arith.constant 0 : i32
        %dma_wait3A_72 = tpu.memref_slice %dma_wait3A_70[%add3A, %dma_wait3A_71] : memref<10240x64xf32, #tpu.memory_space<hbm>> -> memref<128x64xf32, #tpu.memory_space<hbm>>
        %dma_wait3A_73 = arith.constant 0 : i32
        %dma_wait3A_74 = arith.constant 0 : i32
        %dma_wait3A_75 = tpu.memref_slice %arg2[%arg0, %dma_wait3A_73, %dma_wait3A_74] : memref<2x10240x64xf32, #tpu.memory_space<hbm>> -> memref<1x10240x64xf32, #tpu.memory_space<hbm>>
        %dma_wait3A_76 = tpu.memref_squeeze %dma_wait3A_75 : memref<1x10240x64xf32, #tpu.memory_space<hbm>> -> memref<10240x64xf32, #tpu.memory_space<hbm>>
        %dma_wait3A_77 = arith.constant 0 : i32
        %dma_wait3A_78 = tpu.memref_slice %dma_wait3A_76[%add3A, %dma_wait3A_77] : memref<10240x64xf32, #tpu.memory_space<hbm>> -> memref<128x64xf32, #tpu.memory_space<hbm>>
        tpu.wait_dma2 semaphore(%run_scoped3A : memref<!tpu.dma_semaphore, #tpu.memory_space<semaphore_mem>>) src(%dma_wait3A_78 : memref<128x64xf32, #tpu.memory_space<hbm>>) dst(%arg8 : memref<128x64xf32, #tpu.memory_space<vmem>>)
        tpu.yield
      }) : () -> ()
      %mul3A_52 = arith.constant 128 : i32
      %mul3A_53 = arith.muli %scan3A_49, %mul3A_52 : i32
      %add3A_54 = arith.addi %mul3A_15, %mul3A_53 : i32
      "tpu.region"() ({
        %run_scoped3A = tpu.sem_alloc : memref<!tpu.dma_semaphore, #tpu.memory_space<semaphore_mem>>
        %dma_start3A_55 = arith.constant 0 : i32
        %dma_start3A_56 = tpu.memref_slice %arg9[%add3A_54, %dma_start3A_55] : memref<10240x64xf32, #tpu.memory_space<vmem_shared>> -> memref<128x64xf32, #tpu.memory_space<vmem_shared>>
        %dma_start3A_57 = arith.constant 0 : i32
        %dma_start3A_58 = tpu.memref_slice %arg9[%add3A_54, %dma_start3A_57] : memref<10240x64xf32, #tpu.memory_space<vmem_shared>> -> memref<128x64xf32, #tpu.memory_space<vmem_shared>>
        tpu.enqueue_dma source(%arg8 : memref<128x64xf32, #tpu.memory_space<vmem>>) target(%dma_start3A_58 : memref<128x64xf32, #tpu.memory_space<vmem_shared>>) target_semaphore(%run_scoped3A : memref<!tpu.dma_semaphore, #tpu.memory_space<semaphore_mem>>)
        %dma_wait3A_59 = arith.constant 0 : i32
        %dma_wait3A_60 = tpu.memref_slice %arg9[%add3A_54, %dma_wait3A_59] : memref<10240x64xf32, #tpu.memory_space<vmem_shared>> -> memref<128x64xf32, #tpu.memory_space<vmem_shared>>
        %dma_wait3A_61 = arith.constant 0 : i32
        %dma_wait3A_62 = tpu.memref_slice %arg9[%add3A_54, %dma_wait3A_61] : memref<10240x64xf32, #tpu.memory_space<vmem_shared>> -> memref<128x64xf32, #tpu.memory_space<vmem_shared>>
        tpu.wait_dma2 semaphore(%run_scoped3A : memref<!tpu.dma_semaphore, #tpu.memory_space<semaphore_mem>>) src(%arg8 : memref<128x64xf32, #tpu.memory_space<vmem>>) dst(%dma_wait3A_62 : memref<128x64xf32, #tpu.memory_space<vmem_shared>>)
        tpu.yield
      }) : () -> ()
    }
    %scan3A_20 = arith.constant 5 : i32
    %dma_wait3A = arith.constant 0 : i32
    %dma_wait3A_21 = arith.constant 0 : i32
    %dma_wait3A_22 = tpu.memref_slice %arg3[%arg1, %dma_wait3A, %dma_wait3A_21] : memref<16x157x128xi32, #tpu.memory_space<hbm>> -> memref<1x157x128xi32, #tpu.memory_space<hbm>>
    %dma_wait3A_23 = tpu.memref_squeeze %dma_wait3A_22 : memref<1x157x128xi32, #tpu.memory_space<hbm>> -> memref<157x128xi32, #tpu.memory_space<hbm>>
    %dma_wait3A_24 = arith.constant 0 : i32
    %dma_wait3A_25 = arith.constant 0 : i32
    %dma_wait3A_26 = tpu.memref_slice %arg3[%arg1, %dma_wait3A_24, %dma_wait3A_25] : memref<16x157x128xi32, #tpu.memory_space<hbm>> -> memref<1x157x128xi32, #tpu.memory_space<hbm>>
    %dma_wait3A_27 = tpu.memref_squeeze %dma_wait3A_26 : memref<1x157x128xi32, #tpu.memory_space<hbm>> -> memref<157x128xi32, #tpu.memory_space<hbm>>
    tpu.wait_dma2 semaphore(%arg11 : memref<!tpu.dma_semaphore, #tpu.memory_space<semaphore_mem>>) src(%dma_wait3A_27 : memref<157x128xi32, #tpu.memory_space<hbm>>) dst(%arg6 : memref<157x128xi32, #tpu.memory_space<vmem>>)
    %dma_wait3A_28 = arith.constant 0 : i32
    %dma_wait3A_29 = arith.constant 0 : i32
    %dma_wait3A_30 = tpu.memref_slice %arg4[%arg1, %dma_wait3A_28, %dma_wait3A_29] : memref<16x157x128xi32, #tpu.memory_space<hbm>> -> memref<1x157x128xi32, #tpu.memory_space<hbm>>
    %dma_wait3A_31 = tpu.memref_squeeze %dma_wait3A_30 : memref<1x157x128xi32, #tpu.memory_space<hbm>> -> memref<157x128xi32, #tpu.memory_space<hbm>>
    %dma_wait3A_32 = arith.constant 0 : i32
    %dma_wait3A_33 = arith.constant 0 : i32
    %dma_wait3A_34 = tpu.memref_slice %arg4[%arg1, %dma_wait3A_32, %dma_wait3A_33] : memref<16x157x128xi32, #tpu.memory_space<hbm>> -> memref<1x157x128xi32, #tpu.memory_space<hbm>>
    %dma_wait3A_35 = tpu.memref_squeeze %dma_wait3A_34 : memref<1x157x128xi32, #tpu.memory_space<hbm>> -> memref<157x128xi32, #tpu.memory_space<hbm>>
    tpu.wait_dma2 semaphore(%arg11 : memref<!tpu.dma_semaphore, #tpu.memory_space<semaphore_mem>>) src(%dma_wait3A_35 : memref<157x128xi32, #tpu.memory_space<hbm>>) dst(%arg7 : memref<157x128xi32, #tpu.memory_space<vmem>>)
    %barrier3A = arith.constant 0 : index
    tpu.barrier barrier_id(%barrier3A)
    %scan3A_36 = arith.constant 0 : i32
    %scan3A_37 = arith.constant 0 : i32
    %scan3A_38 = arith.constant 157 : i32
    %scan3A_39 = arith.addi %scan3A_37, %scan3A_38 : i32
    %scan3A_40 = arith.constant 1 : i32
    scf.for %scan3A_49 = %scan3A_37 to %scan3A_39 step %scan3A_40  : i32 {
      %dma_start3A_50 = arith.constant 0 : i32
      %dma_start3A_51 = tpu.memref_slice %arg6[%scan3A_49, %dma_start3A_50] : memref<157x128xi32, #tpu.memory_space<vmem>> -> memref<1x128xi32, #tpu.memory_space<vmem>>
      %dma_start3A_52 = tpu.memref_squeeze %dma_start3A_51 : memref<1x128xi32, #tpu.memory_space<vmem>> -> memref<128xi32, #tpu.memory_space<vmem>>
      %dma_start3A_53 = arith.constant 0 : i32
      %dma_start3A_54 = arith.constant 0 : i32
      %dma_start3A_55 = tpu.memref_slice %arg2[%arg0, %dma_start3A_53, %dma_start3A_54] : memref<2x10240x64xf32, #tpu.memory_space<hbm>> -> memref<1x10240x64xf32, #tpu.memory_space<hbm>>
      %dma_start3A_56 = tpu.memref_squeeze %dma_start3A_55 : memref<1x10240x64xf32, #tpu.memory_space<hbm>> -> memref<10240x64xf32, #tpu.memory_space<hbm>>
      %dma_start3A_57 = arith.constant 0 : i32
      %dma_start3A_58 = arith.constant 0 : i32
      %dma_start3A_59 = tpu.memref_slice %dma_start3A_56[%dma_start3A_57, %dma_start3A_58] : memref<10240x64xf32, #tpu.memory_space<hbm>> -> memref<10240x64xf32, #tpu.memory_space<hbm>>
      tpu.enqueue_indirect_dma source(%dma_start3A_59 : memref<10240x64xf32, #tpu.memory_space<hbm>>) target(%arg8 : memref<128x64xf32, #tpu.memory_space<vmem>>) offsets(%dma_start3A_52 : memref<128xi32, #tpu.memory_space<vmem>>) semaphore(%arg10 : memref<!tpu.dma_semaphore, #tpu.memory_space<semaphore_mem>>)
      %dma_wait3A_60 = arith.constant 0 : i32
      %dma_wait3A_61 = tpu.memref_slice %arg6[%scan3A_49, %dma_wait3A_60] : memref<157x128xi32, #tpu.memory_space<vmem>> -> memref<1x128xi32, #tpu.memory_space<vmem>>
      %dma_wait3A_62 = tpu.memref_squeeze %dma_wait3A_61 : memref<1x128xi32, #tpu.memory_space<vmem>> -> memref<128xi32, #tpu.memory_space<vmem>>
      %dma_wait3A_63 = arith.constant 0 : i32
      %dma_wait3A_64 = arith.constant 0 : i32
      %dma_wait3A_65 = tpu.memref_slice %arg2[%arg0, %dma_wait3A_63, %dma_wait3A_64] : memref<2x10240x64xf32, #tpu.memory_space<hbm>> -> memref<1x10240x64xf32, #tpu.memory_space<hbm>>
      %dma_wait3A_66 = tpu.memref_squeeze %dma_wait3A_65 : memref<1x10240x64xf32, #tpu.memory_space<hbm>> -> memref<10240x64xf32, #tpu.memory_space<hbm>>
      %dma_wait3A_67 = arith.constant 0 : i32
      %dma_wait3A_68 = arith.constant 0 : i32
      %dma_wait3A_69 = tpu.memref_slice %dma_wait3A_66[%dma_wait3A_67, %dma_wait3A_68] : memref<10240x64xf32, #tpu.memory_space<hbm>> -> memref<10240x64xf32, #tpu.memory_space<hbm>>
      tpu.wait_indirect_dma semaphore(%arg10 : memref<!tpu.dma_semaphore, #tpu.memory_space<semaphore_mem>>) src(%dma_wait3A_69 : memref<10240x64xf32, #tpu.memory_space<hbm>>) dst(%arg8 : memref<128x64xf32, #tpu.memory_space<vmem>>)
      "tpu.region"() ({
        %run_scoped3A = tpu.sem_alloc : memref<!tpu.dma_semaphore, #tpu.memory_space<semaphore_mem>>
        %dma_start3A_70 = arith.constant 0 : i32
        %dma_start3A_71 = tpu.memref_slice %arg7[%scan3A_49, %dma_start3A_70] : memref<157x128xi32, #tpu.memory_space<vmem>> -> memref<1x128xi32, #tpu.memory_space<vmem>>
        %dma_start3A_72 = tpu.memref_squeeze %dma_start3A_71 : memref<1x128xi32, #tpu.memory_space<vmem>> -> memref<128xi32, #tpu.memory_space<vmem>>
        %dma_start3A_73 = arith.constant 0 : i32
        %dma_start3A_74 = arith.constant 0 : i32
        %dma_start3A_75 = tpu.memref_slice %arg9[%dma_start3A_73, %dma_start3A_74] : memref<10240x64xf32, #tpu.memory_space<vmem_shared>> -> memref<10240x64xf32, #tpu.memory_space<vmem_shared>>
        tpu.enqueue_indirect_dma source(%arg8 : memref<128x64xf32, #tpu.memory_space<vmem>>) target(%dma_start3A_75 : memref<10240x64xf32, #tpu.memory_space<vmem_shared>>) offsets(%dma_start3A_72 : memref<128xi32, #tpu.memory_space<vmem>>) semaphore(%run_scoped3A : memref<!tpu.dma_semaphore, #tpu.memory_space<semaphore_mem>>) {add = true}
        %dma_wait3A_76 = arith.constant 0 : i32
        %dma_wait3A_77 = tpu.memref_slice %arg7[%scan3A_49, %dma_wait3A_76] : memref<157x128xi32, #tpu.memory_space<vmem>> -> memref<1x128xi32, #tpu.memory_space<vmem>>
        %dma_wait3A_78 = tpu.memref_squeeze %dma_wait3A_77 : memref<1x128xi32, #tpu.memory_space<vmem>> -> memref<128xi32, #tpu.memory_space<vmem>>
        %dma_wait3A_79 = arith.constant 0 : i32
        %dma_wait3A_80 = arith.constant 0 : i32
        %dma_wait3A_81 = tpu.memref_slice %arg9[%dma_wait3A_79, %dma_wait3A_80] : memref<10240x64xf32, #tpu.memory_space<vmem_shared>> -> memref<10240x64xf32, #tpu.memory_space<vmem_shared>>
        tpu.wait_indirect_dma semaphore(%run_scoped3A : memref<!tpu.dma_semaphore, #tpu.memory_space<semaphore_mem>>) src(%arg8 : memref<128x64xf32, #tpu.memory_space<vmem>>) dst(%dma_wait3A_81 : memref<10240x64xf32, #tpu.memory_space<vmem_shared>>)
        tpu.yield
      }) : () -> ()
    }
    %scan3A_41 = arith.constant 157 : i32
    %barrier3A_42 = arith.constant 0 : index
    tpu.barrier barrier_id(%barrier3A_42)
    %scan3A_43 = arith.constant 0 : i32
    %scan3A_44 = arith.constant 0 : i32
    %scan3A_45 = arith.constant 5 : i32
    %scan3A_46 = arith.addi %scan3A_44, %scan3A_45 : i32
    %scan3A_47 = arith.constant 1 : i32
    scf.for %scan3A_49 = %scan3A_44 to %scan3A_46 step %scan3A_47  : i32 {
      %mul3A_50 = arith.constant 128 : i32
      %mul3A_51 = arith.muli %scan3A_49, %mul3A_50 : i32
      %add3A = arith.addi %mul3A_15, %mul3A_51 : i32
      "tpu.region"() ({
        %run_scoped3A = tpu.sem_alloc : memref<!tpu.dma_semaphore, #tpu.memory_space<semaphore_mem>>
        %dma_start3A_55 = arith.constant 0 : i32
        %dma_start3A_56 = tpu.memref_slice %arg9[%add3A, %dma_start3A_55] : memref<10240x64xf32, #tpu.memory_space<vmem_shared>> -> memref<128x64xf32, #tpu.memory_space<vmem_shared>>
        %dma_start3A_57 = arith.constant 0 : i32
        %dma_start3A_58 = tpu.memref_slice %arg9[%add3A, %dma_start3A_57] : memref<10240x64xf32, #tpu.memory_space<vmem_shared>> -> memref<128x64xf32, #tpu.memory_space<vmem_shared>>
        tpu.enqueue_dma source(%dma_start3A_58 : memref<128x64xf32, #tpu.memory_space<vmem_shared>>) target(%arg8 : memref<128x64xf32, #tpu.memory_space<vmem>>) target_semaphore(%run_scoped3A : memref<!tpu.dma_semaphore, #tpu.memory_space<semaphore_mem>>)
        %dma_wait3A_59 = arith.constant 0 : i32
        %dma_wait3A_60 = tpu.memref_slice %arg9[%add3A, %dma_wait3A_59] : memref<10240x64xf32, #tpu.memory_space<vmem_shared>> -> memref<128x64xf32, #tpu.memory_space<vmem_shared>>
        %dma_wait3A_61 = arith.constant 0 : i32
        %dma_wait3A_62 = tpu.memref_slice %arg9[%add3A, %dma_wait3A_61] : memref<10240x64xf32, #tpu.memory_space<vmem_shared>> -> memref<128x64xf32, #tpu.memory_space<vmem_shared>>
        tpu.wait_dma2 semaphore(%run_scoped3A : memref<!tpu.dma_semaphore, #tpu.memory_space<semaphore_mem>>) src(%dma_wait3A_62 : memref<128x64xf32, #tpu.memory_space<vmem_shared>>) dst(%arg8 : memref<128x64xf32, #tpu.memory_space<vmem>>)
        tpu.yield
      }) : () -> ()
      %mul3A_52 = arith.constant 128 : i32
      %mul3A_53 = arith.muli %scan3A_49, %mul3A_52 : i32
      %add3A_54 = arith.addi %mul3A_15, %mul3A_53 : i32
      "tpu.region"() ({
        %run_scoped3A = tpu.sem_alloc : memref<!tpu.dma_semaphore, #tpu.memory_space<semaphore_mem>>
        %dma_start3A_55 = arith.constant 0 : i32
        %dma_start3A_56 = arith.constant 0 : i32
        %dma_start3A_57 = tpu.memref_slice %arg5[%arg0, %dma_start3A_55, %dma_start3A_56] : memref<2x10240x64xf32, #tpu.memory_space<hbm>> -> memref<1x10240x64xf32, #tpu.memory_space<hbm>>
        %dma_start3A_58 = tpu.memref_squeeze %dma_start3A_57 : memref<1x10240x64xf32, #tpu.memory_space<hbm>> -> memref<10240x64xf32, #tpu.memory_space<hbm>>
        %dma_start3A_59 = arith.constant 0 : i32
        %dma_start3A_60 = tpu.memref_slice %dma_start3A_58[%add3A_54, %dma_start3A_59] : memref<10240x64xf32, #tpu.memory_space<hbm>> -> memref<128x64xf32, #tpu.memory_space<hbm>>
        %dma_start3A_61 = arith.constant 0 : i32
        %dma_start3A_62 = arith.constant 0 : i32
        %dma_start3A_63 = tpu.memref_slice %arg5[%arg0, %dma_start3A_61, %dma_start3A_62] : memref<2x10240x64xf32, #tpu.memory_space<hbm>> -> memref<1x10240x64xf32, #tpu.memory_space<hbm>>
        %dma_start3A_64 = tpu.memref_squeeze %dma_start3A_63 : memref<1x10240x64xf32, #tpu.memory_space<hbm>> -> memref<10240x64xf32, #tpu.memory_space<hbm>>
        %dma_start3A_65 = arith.constant 0 : i32
        %dma_start3A_66 = tpu.memref_slice %dma_start3A_64[%add3A_54, %dma_start3A_65] : memref<10240x64xf32, #tpu.memory_space<hbm>> -> memref<128x64xf32, #tpu.memory_space<hbm>>
        tpu.enqueue_dma source(%arg8 : memref<128x64xf32, #tpu.memory_space<vmem>>) target(%dma_start3A_66 : memref<128x64xf32, #tpu.memory_space<hbm>>) target_semaphore(%run_scoped3A : memref<!tpu.dma_semaphore, #tpu.memory_space<semaphore_mem>>)
        %dma_wait3A_67 = arith.constant 0 : i32
        %dma_wait3A_68 = arith.constant 0 : i32
        %dma_wait3A_69 = tpu.memref_slice %arg5[%arg0, %dma_wait3A_67, %dma_wait3A_68] : memref<2x10240x64xf32, #tpu.memory_space<hbm>> -> memref<1x10240x64xf32, #tpu.memory_space<hbm>>
        %dma_wait3A_70 = tpu.memref_squeeze %dma_wait3A_69 : memref<1x10240x64xf32, #tpu.memory_space<hbm>> -> memref<10240x64xf32, #tpu.memory_space<hbm>>
        %dma_wait3A_71 = arith.constant 0 : i32
        %dma_wait3A_72 = tpu.memref_slice %dma_wait3A_70[%add3A_54, %dma_wait3A_71] : memref<10240x64xf32, #tpu.memory_space<hbm>> -> memref<128x64xf32, #tpu.memory_space<hbm>>
        %dma_wait3A_73 = arith.constant 0 : i32
        %dma_wait3A_74 = arith.constant 0 : i32
        %dma_wait3A_75 = tpu.memref_slice %arg5[%arg0, %dma_wait3A_73, %dma_wait3A_74] : memref<2x10240x64xf32, #tpu.memory_space<hbm>> -> memref<1x10240x64xf32, #tpu.memory_space<hbm>>
        %dma_wait3A_76 = tpu.memref_squeeze %dma_wait3A_75 : memref<1x10240x64xf32, #tpu.memory_space<hbm>> -> memref<10240x64xf32, #tpu.memory_space<hbm>>
        %dma_wait3A_77 = arith.constant 0 : i32
        %dma_wait3A_78 = tpu.memref_slice %dma_wait3A_76[%add3A_54, %dma_wait3A_77] : memref<10240x64xf32, #tpu.memory_space<hbm>> -> memref<128x64xf32, #tpu.memory_space<hbm>>
        tpu.wait_dma2 semaphore(%run_scoped3A : memref<!tpu.dma_semaphore, #tpu.memory_space<semaphore_mem>>) src(%arg8 : memref<128x64xf32, #tpu.memory_space<vmem>>) dst(%dma_wait3A_78 : memref<128x64xf32, #tpu.memory_space<hbm>>)
        tpu.yield
      }) : () -> ()
    }
    %scan3A_48 = arith.constant 5 : i32
    return
  }
}

module attributes {stable_mosaic.version = 14 : i64} {
  func.func @_k1_body(%arg0: i32, %arg1: i32, %arg2: memref<640x128xf32, #tpu.memory_space<vmem>>, %arg3: memref<1x128x64xf32, #tpu.memory_space<vmem>>, %arg4: memref<640x1xf32, #tpu.memory_space<vmem>>, %arg5: memref<1x640x64xf32, #tpu.memory_space<vmem>>) attributes {dimension_semantics = [#tpu.dimension_semantics<arbitrary>, #tpu.dimension_semantics<arbitrary>], iteration_bounds = array<i64: 16, 2>, scalar_prefetch = 0 : i64, scratch_operands = 0 : i64, tpu.core_type = #tpu.core_type<tc>, window_params = [{transform_indices = @transform_0, window_bounds = array<i64: 640, 128>}, {transform_indices = @transform_1, window_bounds = array<i64: 1, 128, 64>}, {transform_indices = @transform_2, window_bounds = array<i64: 640, 1>}, {transform_indices = @transform_3, window_bounds = array<i64: 1, 640, 64>}]} {
    %get3A = arith.constant 0 : index
    %get3A_0 = arith.constant 0 : index
    %get3A_1 = vector.load %arg4[%get3A, %get3A_0] : memref<640x1xf32, #tpu.memory_space<vmem>>, vector<640x1xf32>
    %add3A = arith.constant 1.000000e+00 : f32
    %add3A_2 = vector.broadcast %add3A : f32 to vector<640x1xf32>
    %add3A_3 = arith.addf %add3A_2, %get3A_1 : vector<640x1xf32>
    %rsqrt3A = math.rsqrt %add3A_3 : vector<640x1xf32>
    %get3A_4 = arith.constant 0 : index
    %get3A_5 = arith.constant 0 : index
    %get3A_6 = vector.load %arg2[%get3A_4, %get3A_5] : memref<640x128xf32, #tpu.memory_space<vmem>>, vector<640x128xf32>
    %get3A_7 = arith.constant 0 : index
    %get3A_8 = arith.constant 0 : index
    %get3A_9 = arith.constant 0 : index
    %get3A_10 = vector.load %arg3[%get3A_7, %get3A_8, %get3A_9] : memref<1x128x64xf32, #tpu.memory_space<vmem>>, vector<1x128x64xf32>
    %get3A_11 = vector.shape_cast %get3A_10 : vector<1x128x64xf32> to vector<128x64xf32>
    %dot_general3A = arith.constant dense<0.000000e+00> : vector<640x64xf32>
    %dot_general3A_12 = tpu.matmul %get3A_6, %get3A_11, %dot_general3A {dimension_numbers = #tpu.dot_dimension_numbers<[1], [0], [0], [1], [0, 0, 1, 1], [], []>, transpose_lhs_hint = false} : vector<640x128xf32>, vector<128x64xf32>, vector<640x64xf32> -> vector<640x64xf32>
    %mul3A = vector.broadcast %rsqrt3A : vector<640x1xf32> to vector<640x64xf32>
    %mul3A_13 = arith.mulf %mul3A, %dot_general3A_12 : vector<640x64xf32>
    %swap3A = arith.constant 0 : index
    %swap3A_14 = arith.constant 0 : index
    %swap3A_15 = arith.constant 0 : index
    %swap3A_16 = vector.load %arg5[%swap3A, %swap3A_14, %swap3A_15] : memref<1x640x64xf32, #tpu.memory_space<vmem>>, vector<1x640x64xf32>
    %swap3A_17 = vector.shape_cast %swap3A_16 : vector<1x640x64xf32> to vector<640x64xf32>
    %swap3A_18 = vector.shape_cast %mul3A_13 : vector<640x64xf32> to vector<1x640x64xf32>
    tpu.vector_store %arg5[%swap3A, %swap3A_14, %swap3A_15], %swap3A_18 {strides = array<i32>} : memref<1x640x64xf32, #tpu.memory_space<vmem>>, vector<1x640x64xf32>,
    return
  }
  func.func @transform_0(%arg0: i32, %arg1: i32) -> (i32, i32) {
    %c0_i32 = arith.constant 0 : i32
    %c0_i32_0 = arith.constant 0 : i32
    return %arg0, %c0_i32 : i32, i32
  }
  func.func @transform_1(%arg0: i32, %arg1: i32) -> (i32, i32, i32) {
    %c0_i32 = arith.constant 0 : i32
    %c0_i32_0 = arith.constant 0 : i32
    %c0_i32_1 = arith.constant 0 : i32
    return %arg1, %c0_i32, %c0_i32_0 : i32, i32, i32
  }
  func.func @transform_2(%arg0: i32, %arg1: i32) -> (i32, i32) {
    %c0_i32 = arith.constant 0 : i32
    %c0_i32_0 = arith.constant 0 : i32
    return %arg0, %c0_i32 : i32, i32
  }
  func.func @transform_3(%arg0: i32, %arg1: i32) -> (i32, i32, i32) {
    %c0_i32 = arith.constant 0 : i32
    %c0_i32_0 = arith.constant 0 : i32
    return %arg1, %arg0, %c0_i32 : i32, i32, i32
  }
}

module attributes {stable_mosaic.version = 14 : i64} {
  func.func @_k2_body(%arg0: i32, %arg1: i32, %arg2: memref<2x640x64xf32, #tpu.memory_space<vmem>>, %arg3: memref<640x1xf32, #tpu.memory_space<vmem>>, %arg4: memref<1x128xf32, #tpu.memory_space<vmem>>, %arg5: memref<1x128x64xf32, #tpu.memory_space<vmem>>, %arg6: memref<1x640x64xf32, #tpu.memory_space<vmem>>) attributes {dimension_semantics = [#tpu.dimension_semantics<arbitrary>, #tpu.dimension_semantics<arbitrary>], iteration_bounds = array<i64: 16, 2>, scalar_prefetch = 0 : i64, scratch_operands = 0 : i64, tpu.core_type = #tpu.core_type<tc>, window_params = [{transform_indices = @transform_0, window_bounds = array<i64: 2, 640, 64>}, {transform_indices = @transform_1, window_bounds = array<i64: 640, 1>}, {pipeline_mode = #tpu.pipeline_mode<synchronous>, transform_indices = @transform_2, window_bounds = array<i64: 1, 128>}, {transform_indices = @transform_3, window_bounds = array<i64: 1, 128, 64>}, {transform_indices = @transform_4, window_bounds = array<i64: 1, 640, 64>}]} {
    %get3A = arith.constant 0 : index
    %get3A_0 = arith.constant 0 : index
    %get3A_1 = arith.constant 0 : index
    %get3A_2 = vector.load %arg2[%get3A, %get3A_0, %get3A_1] : memref<2x640x64xf32, #tpu.memory_space<vmem>>, vector<1x640x64xf32>
    %get3A_3 = vector.shape_cast %get3A_2 : vector<1x640x64xf32> to vector<640x64xf32>
    %get3A_4 = arith.constant 1 : index
    %get3A_5 = arith.constant 0 : index
    %get3A_6 = arith.constant 0 : index
    %get3A_7 = vector.load %arg2[%get3A_4, %get3A_5, %get3A_6] : memref<2x640x64xf32, #tpu.memory_space<vmem>>, vector<1x640x64xf32>
    %get3A_8 = vector.shape_cast %get3A_7 : vector<1x640x64xf32> to vector<640x64xf32>
    %concatenate3A = tpu.concatenate %get3A_3, %get3A_8 in 1 : vector<640x64xf32>, vector<640x64xf32> -> vector<640x128xf32>
    %get3A_9 = arith.constant 0 : index
    %get3A_10 = arith.constant 0 : index
    %get3A_11 = vector.load %arg3[%get3A_9, %get3A_10] : memref<640x1xf32, #tpu.memory_space<vmem>>, vector<640x1xf32>
    %add3A = arith.constant 1.000000e+00 : f32
    %add3A_12 = vector.broadcast %add3A : f32 to vector<640x1xf32>
    %add3A_13 = arith.addf %add3A_12, %get3A_11 : vector<640x1xf32>
    %rsqrt3A = math.rsqrt %add3A_13 : vector<640x1xf32>
    %mul3A = vector.broadcast %rsqrt3A : vector<640x1xf32> to vector<640x128xf32>
    %mul3A_14 = arith.mulf %mul3A, %concatenate3A : vector<640x128xf32>
    %get3A_15 = arith.constant 0 : index
    %get3A_16 = arith.constant 0 : index
    %get3A_17 = vector.load %arg4[%get3A_15, %get3A_16] : memref<1x128xf32, #tpu.memory_space<vmem>>, vector<1x128xf32>
    %add3A_18 = vector.broadcast %get3A_17 : vector<1x128xf32> to vector<640x128xf32>
    %add3A_19 = arith.addf %mul3A_14, %add3A_18 : vector<640x128xf32>
    %max3A = arith.constant 0.000000e+00 : f32
    %max3A_20 = vector.broadcast %max3A : f32 to vector<640x128xf32>
    %max3A_21 = arith.maximumf %add3A_19, %max3A_20 : vector<640x128xf32>
    %mul3A_22 = arith.constant 640 : i32
    %mul3A_23 = arith.muli %arg0, %mul3A_22 : i32
    %iota3A = tpu.iota {dimensions = array<i32: 0>} : vector<640x1xi32>
    %add3A_24 = vector.broadcast %mul3A_23 : i32 to vector<640x1xi32>
    %add3A_25 = arith.addi %add3A_24, %iota3A : vector<640x1xi32>
    %lt3A = arith.constant 10000 : i32
    %lt3A_26 = vector.broadcast %lt3A : i32 to vector<640x1xi32>
    %lt3A_27 = arith.cmpi slt, %add3A_25, %lt3A_26 : vector<640x1xi32>
    %jit3A = arith.constant 0.000000e+00 : f32
    %broadcast_in_dim3A = vector.shape_cast %lt3A_27 : vector<640x1xi1> to vector<640x1xi1>
    %broadcast_in_dim3A_28 = vector.broadcast %broadcast_in_dim3A : vector<640x1xi1> to vector<640x128xi1>
    %broadcast_in_dim3A_29 = vector.broadcast %jit3A : f32 to vector<640x128xf32>
    %select_n3A = arith.select %broadcast_in_dim3A_28, %max3A_21, %broadcast_in_dim3A_29 : vector<640x128xi1>, vector<640x128xf32>
    %get3A_30 = arith.constant 0 : index
    %get3A_31 = arith.constant 0 : index
    %get3A_32 = arith.constant 0 : index
    %get3A_33 = vector.load %arg5[%get3A_30, %get3A_31, %get3A_32] : memref<1x128x64xf32, #tpu.memory_space<vmem>>, vector<1x128x64xf32>
    %get3A_34 = vector.shape_cast %get3A_33 : vector<1x128x64xf32> to vector<128x64xf32>
    %dot_general3A = arith.constant dense<0.000000e+00> : vector<640x64xf32>
    %dot_general3A_35 = tpu.matmul %select_n3A, %get3A_34, %dot_general3A {dimension_numbers = #tpu.dot_dimension_numbers<[1], [0], [0], [1], [0, 0, 1, 1], [], []>, transpose_lhs_hint = false} : vector<640x128xf32>, vector<128x64xf32>, vector<640x64xf32> -> vector<640x64xf32>
    %mul3A_36 = vector.broadcast %rsqrt3A : vector<640x1xf32> to vector<640x64xf32>
    %mul3A_37 = arith.mulf %mul3A_36, %dot_general3A_35 : vector<640x64xf32>
    %swap3A = arith.constant 0 : index
    %swap3A_38 = arith.constant 0 : index
    %swap3A_39 = arith.constant 0 : index
    %swap3A_40 = vector.load %arg6[%swap3A, %swap3A_38, %swap3A_39] : memref<1x640x64xf32, #tpu.memory_space<vmem>>, vector<1x640x64xf32>
    %swap3A_41 = vector.shape_cast %swap3A_40 : vector<1x640x64xf32> to vector<640x64xf32>
    %swap3A_42 = vector.shape_cast %mul3A_37 : vector<640x64xf32> to vector<1x640x64xf32>
    tpu.vector_store %arg6[%swap3A, %swap3A_38, %swap3A_39], %swap3A_42 {strides = array<i32>} : memref<1x640x64xf32, #tpu.memory_space<vmem>>, vector<1x640x64xf32>,
    return
  }
  func.func @transform_0(%arg0: i32, %arg1: i32) -> (i32, i32, i32) {
    %c0_i32 = arith.constant 0 : i32
    %c0_i32_0 = arith.constant 0 : i32
    %c0_i32_1 = arith.constant 0 : i32
    return %c0_i32, %arg0, %c0_i32_0 : i32, i32, i32
  }
  func.func @transform_1(%arg0: i32, %arg1: i32) -> (i32, i32) {
    %c0_i32 = arith.constant 0 : i32
    %c0_i32_0 = arith.constant 0 : i32
    return %arg0, %c0_i32 : i32, i32
  }
  func.func @transform_2(%arg0: i32, %arg1: i32) -> (i32, i32) {
    %c0_i32 = arith.constant 0 : i32
    %c0_i32_0 = arith.constant 0 : i32
    %c0_i32_1 = arith.constant 0 : i32
    return %c0_i32, %c0_i32_0 : i32, i32
  }
  func.func @transform_3(%arg0: i32, %arg1: i32) -> (i32, i32, i32) {
    %c0_i32 = arith.constant 0 : i32
    %c0_i32_0 = arith.constant 0 : i32
    %c0_i32_1 = arith.constant 0 : i32
    return %arg1, %c0_i32, %c0_i32_0 : i32, i32, i32
  }
  func.func @transform_4(%arg0: i32, %arg1: i32) -> (i32, i32, i32) {
    %c0_i32 = arith.constant 0 : i32
    %c0_i32_0 = arith.constant 0 : i32
    return %arg1, %arg0, %c0_i32 : i32, i32, i32
  }
}

module attributes {stable_mosaic.version = 14 : i64} {
  func.func @_k3_body(%arg0: i32, %arg1: memref<2x2000x64xf32, #tpu.memory_space<vmem>>, %arg2: memref<2000x1xf32, #tpu.memory_space<vmem>>, %arg3: memref<1x128xf32, #tpu.memory_space<vmem>>, %arg4: memref<2000x128xf32, #tpu.memory_space<vmem>>) attributes {dimension_semantics = [#tpu.dimension_semantics<arbitrary>], iteration_bounds = array<i64: 5>, scalar_prefetch = 0 : i64, scratch_operands = 0 : i64, tpu.core_type = #tpu.core_type<tc>, window_params = [{transform_indices = @transform_0, window_bounds = array<i64: 2, 2000, 64>}, {transform_indices = @transform_1, window_bounds = array<i64: 2000, 1>}, {pipeline_mode = #tpu.pipeline_mode<synchronous>, transform_indices = @transform_2, window_bounds = array<i64: 1, 128>}, {transform_indices = @transform_3, window_bounds = array<i64: 2000, 128>}]} {
    %get3A = arith.constant 0 : index
    %get3A_0 = arith.constant 0 : index
    %get3A_1 = arith.constant 0 : index
    %get3A_2 = vector.load %arg1[%get3A, %get3A_0, %get3A_1] : memref<2x2000x64xf32, #tpu.memory_space<vmem>>, vector<1x2000x64xf32>
    %get3A_3 = vector.shape_cast %get3A_2 : vector<1x2000x64xf32> to vector<2000x64xf32>
    %get3A_4 = arith.constant 1 : index
    %get3A_5 = arith.constant 0 : index
    %get3A_6 = arith.constant 0 : index
    %get3A_7 = vector.load %arg1[%get3A_4, %get3A_5, %get3A_6] : memref<2x2000x64xf32, #tpu.memory_space<vmem>>, vector<1x2000x64xf32>
    %get3A_8 = vector.shape_cast %get3A_7 : vector<1x2000x64xf32> to vector<2000x64xf32>
    %concatenate3A = tpu.concatenate %get3A_3, %get3A_8 in 1 : vector<2000x64xf32>, vector<2000x64xf32> -> vector<2000x128xf32>
    %get3A_9 = arith.constant 0 : index
    %get3A_10 = arith.constant 0 : index
    %get3A_11 = vector.load %arg2[%get3A_9, %get3A_10] : memref<2000x1xf32, #tpu.memory_space<vmem>>, vector<2000x1xf32>
    %add3A = arith.constant 1.000000e+00 : f32
    %add3A_12 = vector.broadcast %add3A : f32 to vector<2000x1xf32>
    %add3A_13 = arith.addf %add3A_12, %get3A_11 : vector<2000x1xf32>
    %rsqrt3A = math.rsqrt %add3A_13 : vector<2000x1xf32>
    %mul3A = vector.broadcast %rsqrt3A : vector<2000x1xf32> to vector<2000x128xf32>
    %mul3A_14 = arith.mulf %mul3A, %concatenate3A : vector<2000x128xf32>
    %get3A_15 = arith.constant 0 : index
    %get3A_16 = arith.constant 0 : index
    %get3A_17 = vector.load %arg3[%get3A_15, %get3A_16] : memref<1x128xf32, #tpu.memory_space<vmem>>, vector<1x128xf32>
    %add3A_18 = vector.broadcast %get3A_17 : vector<1x128xf32> to vector<2000x128xf32>
    %add3A_19 = arith.addf %mul3A_14, %add3A_18 : vector<2000x128xf32>
    %max3A = arith.constant 0.000000e+00 : f32
    %max3A_20 = vector.broadcast %max3A : f32 to vector<2000x128xf32>
    %max3A_21 = arith.maximumf %add3A_19, %max3A_20 : vector<2000x128xf32>
    %swap3A = arith.constant 0 : index
    %swap3A_22 = arith.constant 0 : index
    %swap3A_23 = vector.load %arg4[%swap3A, %swap3A_22] : memref<2000x128xf32, #tpu.memory_space<vmem>>, vector<2000x128xf32>
    tpu.vector_store %arg4[%swap3A, %swap3A_22], %max3A_21 {strides = array<i32>} : memref<2000x128xf32, #tpu.memory_space<vmem>>, vector<2000x128xf32>,
    return
  }
  func.func @transform_0(%arg0: i32) -> (i32, i32, i32) {
    %c0_i32 = arith.constant 0 : i32
    %c0_i32_0 = arith.constant 0 : i32
    %c0_i32_1 = arith.constant 0 : i32
    return %c0_i32, %arg0, %c0_i32_0 : i32, i32, i32
  }
  func.func @transform_1(%arg0: i32) -> (i32, i32) {
    %c0_i32 = arith.constant 0 : i32
    %c0_i32_0 = arith.constant 0 : i32
    return %arg0, %c0_i32 : i32, i32
  }
  func.func @transform_2(%arg0: i32) -> (i32, i32) {
    %c0_i32 = arith.constant 0 : i32
    %c0_i32_0 = arith.constant 0 : i32
    %c0_i32_1 = arith.constant 0 : i32
    return %c0_i32, %c0_i32_0 : i32, i32
  }
  func.func @transform_3(%arg0: i32) -> (i32, i32) {
    %c0_i32 = arith.constant 0 : i32
    %c0_i32_0 = arith.constant 0 : i32
    return %arg0, %c0_i32 : i32, i32
  }
}

module attributes {stable_mosaic.version = 14 : i64} {
  func.func @_k3b_body(%arg0: memref<128x10000xf32, #tpu.memory_space<vmem>>, %arg1: memref<8x128xf32, #tpu.memory_space<vmem>>, %arg2: memref<8x1xf32, #tpu.memory_space<vmem>>, %arg3: memref<8x10000xf32, #tpu.memory_space<vmem>>, %arg4: memref<1x1xf32, #tpu.memory_space<vmem>>) attributes {dimension_semantics = [], scalar_prefetch = 0 : i64, scratch_operands = 0 : i64, tpu.core_type = #tpu.core_type<tc>} {
    %get3A = arith.constant 0 : index
    %get3A_0 = arith.constant 0 : index
    %get3A_1 = vector.load %arg1[%get3A, %get3A_0] : memref<8x128xf32, #tpu.memory_space<vmem>>, vector<8x128xf32>
    %get3A_2 = arith.constant 0 : index
    %get3A_3 = arith.constant 0 : index
    %get3A_4 = vector.load %arg0[%get3A_2, %get3A_3] : memref<128x10000xf32, #tpu.memory_space<vmem>>, vector<128x10000xf32>
    %dot_general3A = arith.constant dense<0.000000e+00> : vector<8x10000xf32>
    %dot_general3A_5 = tpu.matmul %get3A_1, %get3A_4, %dot_general3A {dimension_numbers = #tpu.dot_dimension_numbers<[1], [0], [0], [1], [0, 0, 1, 1], [], []>, transpose_lhs_hint = false} : vector<8x128xf32>, vector<128x10000xf32>, vector<8x10000xf32> -> vector<8x10000xf32>
    %get3A_6 = arith.constant 0 : index
    %get3A_7 = arith.constant 0 : index
    %get3A_8 = vector.load %arg2[%get3A_6, %get3A_7] : memref<8x1xf32, #tpu.memory_space<vmem>>, vector<8x1xf32>
    %add3A = vector.broadcast %get3A_8 : vector<8x1xf32> to vector<8x10000xf32>
    %add3A_9 = arith.addf %dot_general3A_5, %add3A : vector<8x10000xf32>
    %swap3A = arith.constant 0 : index
    %swap3A_10 = arith.constant 0 : index
    %swap3A_11 = vector.load %arg3[%swap3A, %swap3A_10] : memref<8x10000xf32, #tpu.memory_space<vmem>>, vector<8x10000xf32>
    tpu.vector_store %arg3[%swap3A, %swap3A_10], %add3A_9 {strides = array<i32>} : memref<8x10000xf32, #tpu.memory_space<vmem>>, vector<8x10000xf32>,
    %mul3A = arith.mulf %add3A_9, %add3A_9 : vector<8x10000xf32>
    %reduce_sum3A = vector.shape_cast %mul3A : vector<8x10000xf32> to vector<1x8x10000xf32>
    %reduce_sum3A_12 = arith.constant dense<0.000000e+00> : vector<1xf32>
    %reduce_sum3A_13 = vector.multi_reduction <add>, %reduce_sum3A, %reduce_sum3A_12 [1, 2] : vector<1x8x10000xf32> to vector<1xf32>
    %reduce_sum3A_14 = vector.shape_cast %reduce_sum3A_13 : vector<1xf32> to vector<1x1x1xf32>
    %reduce_sum3A_15 = vector.extract %reduce_sum3A_14[0, 0, 0] : f32 from vector<1x1x1xf32>
    %reshape3A = vector.broadcast %reduce_sum3A_15 : f32 to vector<1x1xf32>
    %swap3A_16 = arith.constant 0 : index
    %swap3A_17 = arith.constant 0 : index
    %swap3A_18 = vector.load %arg4[%swap3A_16, %swap3A_17] : memref<1x1xf32, #tpu.memory_space<vmem>>, vector<1x1xf32>
    tpu.vector_store %arg4[%swap3A_16, %swap3A_17], %reshape3A {strides = array<i32>} : memref<1x1xf32, #tpu.memory_space<vmem>>, vector<1x1xf32>,
    return
  }
}

module attributes {stable_mosaic.version = 14 : i64} {
  func.func @_k4_body(%arg0: memref<1000x80xf32, #tpu.memory_space<vmem>>, %arg1: memref<1x1xf32, #tpu.memory_space<vmem>>, %arg2: memref<10x8x80xf32, #tpu.memory_space<vmem>>, %arg3: memref<1x80xf32, #tpu.memory_space<vmem>>) attributes {dimension_semantics = [], scalar_prefetch = 0 : i64, scratch_operands = 0 : i64, tpu.core_type = #tpu.core_type<tc>} {
    %get3A = arith.constant 0 : index
    %get3A_0 = arith.constant 0 : index
    %get3A_1 = vector.load %arg1[%get3A, %get3A_0] : memref<1x1xf32, #tpu.memory_space<vmem>>, vector<1x1xf32>
    %add3A = arith.constant 1.000000e+00 : f32
    %add3A_2 = vector.broadcast %add3A : f32 to vector<1x1xf32>
    %add3A_3 = arith.addf %add3A_2, %get3A_1 : vector<1x1xf32>
    %div3A = arith.divf %get3A_1, %add3A_3 : vector<1x1xf32>
    %add3A_4 = arith.constant 9.99999996E-13 : f32
    %add3A_5 = vector.broadcast %add3A_4 : f32 to vector<1x1xf32>
    %add3A_6 = arith.addf %get3A_1, %add3A_5 : vector<1x1xf32>
    %rsqrt3A = math.rsqrt %add3A_6 : vector<1x1xf32>
    %mul3A = arith.mulf %div3A, %rsqrt3A : vector<1x1xf32>
    %get3A_7 = arith.constant 0 : index
    %get3A_8 = arith.constant 0 : index
    %get3A_9 = vector.load %arg0[%get3A_7, %get3A_8] : memref<1000x80xf32, #tpu.memory_space<vmem>>, vector<1000x80xf32>
    %mul3A_10 = vector.broadcast %mul3A : vector<1x1xf32> to vector<1000x80xf32>
    %mul3A_11 = arith.mulf %get3A_9, %mul3A_10 : vector<1000x80xf32>
    %iota3A = tpu.iota {dimensions = array<i32: 0>} : vector<80x8xi32>
    %iota3A_12 = tpu.iota {dimensions = array<i32: 1>} : vector<80x8xi32>
    %iota3A_13 = tpu.iota {dimensions = array<i32: 0>} : vector<10x80xi32>
    %iota3A_14 = tpu.iota {dimensions = array<i32: 1>} : vector<10x80xi32>
    %jit3A = arith.constant 8 : i32
    %div3A_15 = vector.broadcast %jit3A : i32 to vector<10x80xi32>
    %div3A_16 = arith.divsi %iota3A_14, %div3A_15 : vector<10x80xi32>
    %sign3A = arith.constant 0 : i32
    %sign3A_17 = vector.broadcast %sign3A : i32 to vector<10x80xi32>
    %sign3A_18 = arith.cmpi sgt, %iota3A_14, %sign3A_17 : vector<10x80xi32>
    %sign3A_19 = arith.extui %sign3A_18 : vector<10x80xi1> to vector<10x80xi32>
    %sign3A_20 = arith.constant 0 : i32
    %sign3A_21 = vector.broadcast %sign3A_20 : i32 to vector<10x80xi32>
    %sign3A_22 = arith.cmpi slt, %iota3A_14, %sign3A_21 : vector<10x80xi32>
    %sign3A_23 = arith.extui %sign3A_22 : vector<10x80xi1> to vector<10x80xi32>
    %sign3A_24 = arith.subi %sign3A_19, %sign3A_23 : vector<10x80xi32>
    %sign3A_25 = arith.constant 0 : i32
    %sign3A_26 = arith.cmpi sgt, %jit3A, %sign3A_25 : i32
    %sign3A_27 = arith.extui %sign3A_26 : i1 to i32
    %sign3A_28 = arith.constant 0 : i32
    %sign3A_29 = arith.cmpi slt, %jit3A, %sign3A_28 : i32
    %sign3A_30 = arith.extui %sign3A_29 : i1 to i32
    %sign3A_31 = arith.subi %sign3A_27, %sign3A_30 : i32
    %ne3A = vector.broadcast %sign3A_31 : i32 to vector<10x80xi32>
    %ne3A_32 = arith.cmpi ne, %sign3A_24, %ne3A : vector<10x80xi32>
    %rem3A = vector.broadcast %jit3A : i32 to vector<10x80xi32>
    %rem3A_33 = arith.remsi %iota3A_14, %rem3A : vector<10x80xi32>
    %ne3A_34 = arith.constant 0 : i32
    %ne3A_35 = vector.broadcast %ne3A_34 : i32 to vector<10x80xi32>
    %ne3A_36 = arith.cmpi ne, %rem3A_33, %ne3A_35 : vector<10x80xi32>
    %and3A = arith.andi %ne3A_32, %ne3A_36 : vector<10x80xi1>
    %sub3A = arith.constant 1 : i32
    %sub3A_37 = vector.broadcast %sub3A : i32 to vector<10x80xi32>
    %sub3A_38 = arith.subi %div3A_16, %sub3A_37 : vector<10x80xi32>
    %select_n3A = arith.select %and3A, %sub3A_38, %div3A_16 : vector<10x80xi1>, vector<10x80xi32>
    %eq3A = arith.cmpi eq, %iota3A_13, %select_n3A : vector<10x80xi32>
    %jit3A_39 = arith.constant 1.000000e+00 : f32
    %jit3A_40 = arith.constant 0.000000e+00 : f32
    %broadcast_in_dim3A = vector.broadcast %jit3A_39 : f32 to vector<10x80xf32>
    %broadcast_in_dim3A_41 = vector.broadcast %jit3A_40 : f32 to vector<10x80xf32>
    %select_n3A_42 = arith.select %eq3A, %broadcast_in_dim3A, %broadcast_in_dim3A_41 : vector<10x80xi1>, vector<10x80xf32>
    %iota3A_43 = tpu.iota {dimensions = array<i32: 0>} : vector<80x10xi32>
    %jit3A_44 = arith.constant 8 : i32
    %div3A_45 = vector.broadcast %jit3A_44 : i32 to vector<80x10xi32>
    %div3A_46 = arith.divsi %iota3A_43, %div3A_45 : vector<80x10xi32>
    %sign3A_47 = arith.constant 0 : i32
    %sign3A_48 = vector.broadcast %sign3A_47 : i32 to vector<80x10xi32>
    %sign3A_49 = arith.cmpi sgt, %iota3A_43, %sign3A_48 : vector<80x10xi32>
    %sign3A_50 = arith.extui %sign3A_49 : vector<80x10xi1> to vector<80x10xi32>
    %sign3A_51 = arith.constant 0 : i32
    %sign3A_52 = vector.broadcast %sign3A_51 : i32 to vector<80x10xi32>
    %sign3A_53 = arith.cmpi slt, %iota3A_43, %sign3A_52 : vector<80x10xi32>
    %sign3A_54 = arith.extui %sign3A_53 : vector<80x10xi1> to vector<80x10xi32>
    %sign3A_55 = arith.subi %sign3A_50, %sign3A_54 : vector<80x10xi32>
    %sign3A_56 = arith.constant 0 : i32
    %sign3A_57 = arith.cmpi sgt, %jit3A_44, %sign3A_56 : i32
    %sign3A_58 = arith.extui %sign3A_57 : i1 to i32
    %sign3A_59 = arith.constant 0 : i32
    %sign3A_60 = arith.cmpi slt, %jit3A_44, %sign3A_59 : i32
    %sign3A_61 = arith.extui %sign3A_60 : i1 to i32
    %sign3A_62 = arith.subi %sign3A_58, %sign3A_61 : i32
    %ne3A_63 = vector.broadcast %sign3A_62 : i32 to vector<80x10xi32>
    %ne3A_64 = arith.cmpi ne, %sign3A_55, %ne3A_63 : vector<80x10xi32>
    %rem3A_65 = vector.broadcast %jit3A_44 : i32 to vector<80x10xi32>
    %rem3A_66 = arith.remsi %iota3A_43, %rem3A_65 : vector<80x10xi32>
    %ne3A_67 = arith.constant 0 : i32
    %ne3A_68 = vector.broadcast %ne3A_67 : i32 to vector<80x10xi32>
    %ne3A_69 = arith.cmpi ne, %rem3A_66, %ne3A_68 : vector<80x10xi32>
    %and3A_70 = arith.andi %ne3A_64, %ne3A_69 : vector<80x10xi1>
    %sub3A_71 = arith.constant 1 : i32
    %sub3A_72 = vector.broadcast %sub3A_71 : i32 to vector<80x10xi32>
    %sub3A_73 = arith.subi %div3A_46, %sub3A_72 : vector<80x10xi32>
    %select_n3A_74 = arith.select %and3A_70, %sub3A_73, %div3A_46 : vector<80x10xi1>, vector<80x10xi32>
    %iota3A_75 = tpu.iota {dimensions = array<i32: 1>} : vector<80x10xi32>
    %eq3A_76 = arith.cmpi eq, %select_n3A_74, %iota3A_75 : vector<80x10xi32>
    %jit3A_77 = arith.constant 1.000000e+00 : f32
    %jit3A_78 = arith.constant 0.000000e+00 : f32
    %broadcast_in_dim3A_79 = vector.broadcast %jit3A_77 : f32 to vector<80x10xf32>
    %broadcast_in_dim3A_80 = vector.broadcast %jit3A_78 : f32 to vector<80x10xf32>
    %select_n3A_81 = arith.select %eq3A_76, %broadcast_in_dim3A_79, %broadcast_in_dim3A_80 : vector<80x10xi1>, vector<80x10xf32>
    %jit3A_82 = arith.constant 10 : i32
    %eq3A_83 = arith.constant 0 : i32
    %eq3A_84 = arith.cmpi eq, %jit3A_82, %eq3A_83 : i32
    %jit3A_85 = arith.constant 1 : i32
    %select_n3A_86 = arith.select %eq3A_84, %jit3A_85, %jit3A_82 : i32
    %rem3A_87 = vector.broadcast %select_n3A_86 : i32 to vector<80x8xi32>
    %rem3A_88 = arith.remsi %iota3A, %rem3A_87 : vector<80x8xi32>
    %ne3A_89 = arith.constant 0 : i32
    %ne3A_90 = vector.broadcast %ne3A_89 : i32 to vector<80x8xi32>
    %ne3A_91 = arith.cmpi ne, %rem3A_88, %ne3A_90 : vector<80x8xi32>
    %lt3A = arith.constant 0 : i32
    %lt3A_92 = vector.broadcast %lt3A : i32 to vector<80x8xi32>
    %lt3A_93 = arith.cmpi slt, %rem3A_88, %lt3A_92 : vector<80x8xi32>
    %lt3A_94 = arith.constant 0 : i32
    %lt3A_95 = arith.cmpi slt, %select_n3A_86, %lt3A_94 : i32
    %ne3A_96 = vector.broadcast %lt3A_95 : i1 to vector<80x8xi1>
    %ne3A_97 = vector.broadcast %ne3A_96 : vector<80x8xi1> to vector<80x8xi1>
    %ne3A_98 = arith.xori %lt3A_93, %ne3A_97 : vector<80x8xi1>
    %and3A_99 = arith.andi %ne3A_98, %ne3A_91 : vector<80x8xi1>
    %add3A_100 = vector.broadcast %select_n3A_86 : i32 to vector<80x8xi32>
    %add3A_101 = arith.addi %rem3A_88, %add3A_100 : vector<80x8xi32>
    %select_n3A_102 = arith.select %and3A_99, %add3A_101, %rem3A_88 : vector<80x8xi1>, vector<80x8xi32>
    %eq3A_103 = arith.constant 0 : i32
    %eq3A_104 = vector.broadcast %eq3A_103 : i32 to vector<80x8xi32>
    %eq3A_105 = arith.cmpi eq, %select_n3A_102, %eq3A_104 : vector<80x8xi32>
    %jit3A_106 = arith.constant 10 : i32
    %div3A_107 = vector.broadcast %jit3A_106 : i32 to vector<80x8xi32>
    %div3A_108 = arith.divsi %iota3A, %div3A_107 : vector<80x8xi32>
    %sign3A_109 = arith.constant 0 : i32
    %sign3A_110 = vector.broadcast %sign3A_109 : i32 to vector<80x8xi32>
    %sign3A_111 = arith.cmpi sgt, %iota3A, %sign3A_110 : vector<80x8xi32>
    %sign3A_112 = arith.extui %sign3A_111 : vector<80x8xi1> to vector<80x8xi32>
    %sign3A_113 = arith.constant 0 : i32
    %sign3A_114 = vector.broadcast %sign3A_113 : i32 to vector<80x8xi32>
    %sign3A_115 = arith.cmpi slt, %iota3A, %sign3A_114 : vector<80x8xi32>
    %sign3A_116 = arith.extui %sign3A_115 : vector<80x8xi1> to vector<80x8xi32>
    %sign3A_117 = arith.subi %sign3A_112, %sign3A_116 : vector<80x8xi32>
    %sign3A_118 = arith.constant 0 : i32
    %sign3A_119 = arith.cmpi sgt, %jit3A_106, %sign3A_118 : i32
    %sign3A_120 = arith.extui %sign3A_119 : i1 to i32
    %sign3A_121 = arith.constant 0 : i32
    %sign3A_122 = arith.cmpi slt, %jit3A_106, %sign3A_121 : i32
    %sign3A_123 = arith.extui %sign3A_122 : i1 to i32
    %sign3A_124 = arith.subi %sign3A_120, %sign3A_123 : i32
    %ne3A_125 = vector.broadcast %sign3A_124 : i32 to vector<80x8xi32>
    %ne3A_126 = arith.cmpi ne, %sign3A_117, %ne3A_125 : vector<80x8xi32>
    %rem3A_127 = vector.broadcast %jit3A_106 : i32 to vector<80x8xi32>
    %rem3A_128 = arith.remsi %iota3A, %rem3A_127 : vector<80x8xi32>
    %ne3A_129 = arith.constant 0 : i32
    %ne3A_130 = vector.broadcast %ne3A_129 : i32 to vector<80x8xi32>
    %ne3A_131 = arith.cmpi ne, %rem3A_128, %ne3A_130 : vector<80x8xi32>
    %and3A_132 = arith.andi %ne3A_126, %ne3A_131 : vector<80x8xi1>
    %sub3A_133 = arith.constant 1 : i32
    %sub3A_134 = vector.broadcast %sub3A_133 : i32 to vector<80x8xi32>
    %sub3A_135 = arith.subi %div3A_108, %sub3A_134 : vector<80x8xi32>
    %select_n3A_136 = arith.select %and3A_132, %sub3A_135, %div3A_108 : vector<80x8xi1>, vector<80x8xi32>
    %eq3A_137 = arith.cmpi eq, %select_n3A_136, %iota3A_12 : vector<80x8xi32>
    %and3A_138 = arith.andi %eq3A_105, %eq3A_137 : vector<80x8xi1>
    %jit3A_139 = arith.constant 1.000000e+00 : f32
    %jit3A_140 = arith.constant 0.000000e+00 : f32
    %broadcast_in_dim3A_141 = vector.broadcast %jit3A_139 : f32 to vector<80x8xf32>
    %broadcast_in_dim3A_142 = vector.broadcast %jit3A_140 : f32 to vector<80x8xf32>
    %select_n3A_143 = arith.select %and3A_138, %broadcast_in_dim3A_141, %broadcast_in_dim3A_142 : vector<80x8xi1>, vector<80x8xf32>
    %dot_general3A = arith.constant dense<0.000000e+00> : vector<1000x8xf32>
    %dot_general3A_144 = tpu.matmul %mul3A_11, %select_n3A_143, %dot_general3A {dimension_numbers = #tpu.dot_dimension_numbers<[1], [0], [0], [1], [0, 0, 1, 1], [], []>, transpose_lhs_hint = false} : vector<1000x80xf32>, vector<80x8xf32>, vector<1000x8xf32> -> vector<1000x8xf32>
    %get3A_145 = arith.constant 0 : index
    %get3A_146 = arith.constant 0 : index
    %get3A_147 = arith.constant 0 : index
    %get3A_148 = vector.load %arg2[%get3A_145, %get3A_146, %get3A_147] : memref<10x8x80xf32, #tpu.memory_space<vmem>>, vector<1x8x80xf32>
    %get3A_149 = vector.shape_cast %get3A_148 : vector<1x8x80xf32> to vector<8x80xf32>
    %dot_general3A_150 = arith.constant dense<0.000000e+00> : vector<1000x80xf32>
    %dot_general3A_151 = tpu.matmul %dot_general3A_144, %get3A_149, %dot_general3A_150 {dimension_numbers = #tpu.dot_dimension_numbers<[1], [0], [0], [1], [0, 0, 1, 1], [], []>, transpose_lhs_hint = false} : vector<1000x8xf32>, vector<8x80xf32>, vector<1000x80xf32> -> vector<1000x80xf32>
    %jit3A_152 = arith.constant 10 : i32
    %eq3A_153 = arith.constant 0 : i32
    %eq3A_154 = arith.cmpi eq, %jit3A_152, %eq3A_153 : i32
    %jit3A_155 = arith.constant 1 : i32
    %select_n3A_156 = arith.select %eq3A_154, %jit3A_155, %jit3A_152 : i32
    %rem3A_157 = vector.broadcast %select_n3A_156 : i32 to vector<80x8xi32>
    %rem3A_158 = arith.remsi %iota3A, %rem3A_157 : vector<80x8xi32>
    %ne3A_159 = arith.constant 0 : i32
    %ne3A_160 = vector.broadcast %ne3A_159 : i32 to vector<80x8xi32>
    %ne3A_161 = arith.cmpi ne, %rem3A_158, %ne3A_160 : vector<80x8xi32>
    %lt3A_162 = arith.constant 0 : i32
    %lt3A_163 = vector.broadcast %lt3A_162 : i32 to vector<80x8xi32>
    %lt3A_164 = arith.cmpi slt, %rem3A_158, %lt3A_163 : vector<80x8xi32>
    %lt3A_165 = arith.constant 0 : i32
    %lt3A_166 = arith.cmpi slt, %select_n3A_156, %lt3A_165 : i32
    %ne3A_167 = vector.broadcast %lt3A_166 : i1 to vector<80x8xi1>
    %ne3A_168 = vector.broadcast %ne3A_167 : vector<80x8xi1> to vector<80x8xi1>
    %ne3A_169 = arith.xori %lt3A_164, %ne3A_168 : vector<80x8xi1>
    %and3A_170 = arith.andi %ne3A_169, %ne3A_161 : vector<80x8xi1>
    %add3A_171 = vector.broadcast %select_n3A_156 : i32 to vector<80x8xi32>
    %add3A_172 = arith.addi %rem3A_158, %add3A_171 : vector<80x8xi32>
    %select_n3A_173 = arith.select %and3A_170, %add3A_172, %rem3A_158 : vector<80x8xi1>, vector<80x8xi32>
    %eq3A_174 = arith.constant 1 : i32
    %eq3A_175 = vector.broadcast %eq3A_174 : i32 to vector<80x8xi32>
    %eq3A_176 = arith.cmpi eq, %select_n3A_173, %eq3A_175 : vector<80x8xi32>
    %jit3A_177 = arith.constant 10 : i32
    %div3A_178 = vector.broadcast %jit3A_177 : i32 to vector<80x8xi32>
    %div3A_179 = arith.divsi %iota3A, %div3A_178 : vector<80x8xi32>
    %sign3A_180 = arith.constant 0 : i32
    %sign3A_181 = vector.broadcast %sign3A_180 : i32 to vector<80x8xi32>
    %sign3A_182 = arith.cmpi sgt, %iota3A, %sign3A_181 : vector<80x8xi32>
    %sign3A_183 = arith.extui %sign3A_182 : vector<80x8xi1> to vector<80x8xi32>
    %sign3A_184 = arith.constant 0 : i32
    %sign3A_185 = vector.broadcast %sign3A_184 : i32 to vector<80x8xi32>
    %sign3A_186 = arith.cmpi slt, %iota3A, %sign3A_185 : vector<80x8xi32>
    %sign3A_187 = arith.extui %sign3A_186 : vector<80x8xi1> to vector<80x8xi32>
    %sign3A_188 = arith.subi %sign3A_183, %sign3A_187 : vector<80x8xi32>
    %sign3A_189 = arith.constant 0 : i32
    %sign3A_190 = arith.cmpi sgt, %jit3A_177, %sign3A_189 : i32
    %sign3A_191 = arith.extui %sign3A_190 : i1 to i32
    %sign3A_192 = arith.constant 0 : i32
    %sign3A_193 = arith.cmpi slt, %jit3A_177, %sign3A_192 : i32
    %sign3A_194 = arith.extui %sign3A_193 : i1 to i32
    %sign3A_195 = arith.subi %sign3A_191, %sign3A_194 : i32
    %ne3A_196 = vector.broadcast %sign3A_195 : i32 to vector<80x8xi32>
    %ne3A_197 = arith.cmpi ne, %sign3A_188, %ne3A_196 : vector<80x8xi32>
    %rem3A_198 = vector.broadcast %jit3A_177 : i32 to vector<80x8xi32>
    %rem3A_199 = arith.remsi %iota3A, %rem3A_198 : vector<80x8xi32>
    %ne3A_200 = arith.constant 0 : i32
    %ne3A_201 = vector.broadcast %ne3A_200 : i32 to vector<80x8xi32>
    %ne3A_202 = arith.cmpi ne, %rem3A_199, %ne3A_201 : vector<80x8xi32>
    %and3A_203 = arith.andi %ne3A_197, %ne3A_202 : vector<80x8xi1>
    %sub3A_204 = arith.constant 1 : i32
    %sub3A_205 = vector.broadcast %sub3A_204 : i32 to vector<80x8xi32>
    %sub3A_206 = arith.subi %div3A_179, %sub3A_205 : vector<80x8xi32>
    %select_n3A_207 = arith.select %and3A_203, %sub3A_206, %div3A_179 : vector<80x8xi1>, vector<80x8xi32>
    %eq3A_208 = arith.cmpi eq, %select_n3A_207, %iota3A_12 : vector<80x8xi32>
    %and3A_209 = arith.andi %eq3A_176, %eq3A_208 : vector<80x8xi1>
    %jit3A_210 = arith.constant 1.000000e+00 : f32
    %jit3A_211 = arith.constant 0.000000e+00 : f32
    %broadcast_in_dim3A_212 = vector.broadcast %jit3A_210 : f32 to vector<80x8xf32>
    %broadcast_in_dim3A_213 = vector.broadcast %jit3A_211 : f32 to vector<80x8xf32>
    %select_n3A_214 = arith.select %and3A_209, %broadcast_in_dim3A_212, %broadcast_in_dim3A_213 : vector<80x8xi1>, vector<80x8xf32>
    %dot_general3A_215 = arith.constant dense<0.000000e+00> : vector<1000x8xf32>
    %dot_general3A_216 = tpu.matmul %mul3A_11, %select_n3A_214, %dot_general3A_215 {dimension_numbers = #tpu.dot_dimension_numbers<[1], [0], [0], [1], [0, 0, 1, 1], [], []>, transpose_lhs_hint = false} : vector<1000x80xf32>, vector<80x8xf32>, vector<1000x8xf32> -> vector<1000x8xf32>
    %get3A_217 = arith.constant 1 : index
    %get3A_218 = arith.constant 0 : index
    %get3A_219 = arith.constant 0 : index
    %get3A_220 = vector.load %arg2[%get3A_217, %get3A_218, %get3A_219] : memref<10x8x80xf32, #tpu.memory_space<vmem>>, vector<1x8x80xf32>
    %get3A_221 = vector.shape_cast %get3A_220 : vector<1x8x80xf32> to vector<8x80xf32>
    %dot_general3A_222 = arith.constant dense<0.000000e+00> : vector<1000x80xf32>
    %dot_general3A_223 = tpu.matmul %dot_general3A_216, %get3A_221, %dot_general3A_222 {dimension_numbers = #tpu.dot_dimension_numbers<[1], [0], [0], [1], [0, 0, 1, 1], [], []>, transpose_lhs_hint = false} : vector<1000x8xf32>, vector<8x80xf32>, vector<1000x80xf32> -> vector<1000x80xf32>
    %jit3A_224 = arith.constant 10 : i32
    %eq3A_225 = arith.constant 0 : i32
    %eq3A_226 = arith.cmpi eq, %jit3A_224, %eq3A_225 : i32
    %jit3A_227 = arith.constant 1 : i32
    %select_n3A_228 = arith.select %eq3A_226, %jit3A_227, %jit3A_224 : i32
    %rem3A_229 = vector.broadcast %select_n3A_228 : i32 to vector<80x8xi32>
    %rem3A_230 = arith.remsi %iota3A, %rem3A_229 : vector<80x8xi32>
    %ne3A_231 = arith.constant 0 : i32
    %ne3A_232 = vector.broadcast %ne3A_231 : i32 to vector<80x8xi32>
    %ne3A_233 = arith.cmpi ne, %rem3A_230, %ne3A_232 : vector<80x8xi32>
    %lt3A_234 = arith.constant 0 : i32
    %lt3A_235 = vector.broadcast %lt3A_234 : i32 to vector<80x8xi32>
    %lt3A_236 = arith.cmpi slt, %rem3A_230, %lt3A_235 : vector<80x8xi32>
    %lt3A_237 = arith.constant 0 : i32
    %lt3A_238 = arith.cmpi slt, %select_n3A_228, %lt3A_237 : i32
    %ne3A_239 = vector.broadcast %lt3A_238 : i1 to vector<80x8xi1>
    %ne3A_240 = vector.broadcast %ne3A_239 : vector<80x8xi1> to vector<80x8xi1>
    %ne3A_241 = arith.xori %lt3A_236, %ne3A_240 : vector<80x8xi1>
    %and3A_242 = arith.andi %ne3A_241, %ne3A_233 : vector<80x8xi1>
    %add3A_243 = vector.broadcast %select_n3A_228 : i32 to vector<80x8xi32>
    %add3A_244 = arith.addi %rem3A_230, %add3A_243 : vector<80x8xi32>
    %select_n3A_245 = arith.select %and3A_242, %add3A_244, %rem3A_230 : vector<80x8xi1>, vector<80x8xi32>
    %eq3A_246 = arith.constant 2 : i32
    %eq3A_247 = vector.broadcast %eq3A_246 : i32 to vector<80x8xi32>
    %eq3A_248 = arith.cmpi eq, %select_n3A_245, %eq3A_247 : vector<80x8xi32>
    %jit3A_249 = arith.constant 10 : i32
    %div3A_250 = vector.broadcast %jit3A_249 : i32 to vector<80x8xi32>
    %div3A_251 = arith.divsi %iota3A, %div3A_250 : vector<80x8xi32>
    %sign3A_252 = arith.constant 0 : i32
    %sign3A_253 = vector.broadcast %sign3A_252 : i32 to vector<80x8xi32>
    %sign3A_254 = arith.cmpi sgt, %iota3A, %sign3A_253 : vector<80x8xi32>
    %sign3A_255 = arith.extui %sign3A_254 : vector<80x8xi1> to vector<80x8xi32>
    %sign3A_256 = arith.constant 0 : i32
    %sign3A_257 = vector.broadcast %sign3A_256 : i32 to vector<80x8xi32>
    %sign3A_258 = arith.cmpi slt, %iota3A, %sign3A_257 : vector<80x8xi32>
    %sign3A_259 = arith.extui %sign3A_258 : vector<80x8xi1> to vector<80x8xi32>
    %sign3A_260 = arith.subi %sign3A_255, %sign3A_259 : vector<80x8xi32>
    %sign3A_261 = arith.constant 0 : i32
    %sign3A_262 = arith.cmpi sgt, %jit3A_249, %sign3A_261 : i32
    %sign3A_263 = arith.extui %sign3A_262 : i1 to i32
    %sign3A_264 = arith.constant 0 : i32
    %sign3A_265 = arith.cmpi slt, %jit3A_249, %sign3A_264 : i32
    %sign3A_266 = arith.extui %sign3A_265 : i1 to i32
    %sign3A_267 = arith.subi %sign3A_263, %sign3A_266 : i32
    %ne3A_268 = vector.broadcast %sign3A_267 : i32 to vector<80x8xi32>
    %ne3A_269 = arith.cmpi ne, %sign3A_260, %ne3A_268 : vector<80x8xi32>
    %rem3A_270 = vector.broadcast %jit3A_249 : i32 to vector<80x8xi32>
    %rem3A_271 = arith.remsi %iota3A, %rem3A_270 : vector<80x8xi32>
    %ne3A_272 = arith.constant 0 : i32
    %ne3A_273 = vector.broadcast %ne3A_272 : i32 to vector<80x8xi32>
    %ne3A_274 = arith.cmpi ne, %rem3A_271, %ne3A_273 : vector<80x8xi32>
    %and3A_275 = arith.andi %ne3A_269, %ne3A_274 : vector<80x8xi1>
    %sub3A_276 = arith.constant 1 : i32
    %sub3A_277 = vector.broadcast %sub3A_276 : i32 to vector<80x8xi32>
    %sub3A_278 = arith.subi %div3A_251, %sub3A_277 : vector<80x8xi32>
    %select_n3A_279 = arith.select %and3A_275, %sub3A_278, %div3A_251 : vector<80x8xi1>, vector<80x8xi32>
    %eq3A_280 = arith.cmpi eq, %select_n3A_279, %iota3A_12 : vector<80x8xi32>
    %and3A_281 = arith.andi %eq3A_248, %eq3A_280 : vector<80x8xi1>
    %jit3A_282 = arith.constant 1.000000e+00 : f32
    %jit3A_283 = arith.constant 0.000000e+00 : f32
    %broadcast_in_dim3A_284 = vector.broadcast %jit3A_282 : f32 to vector<80x8xf32>
    %broadcast_in_dim3A_285 = vector.broadcast %jit3A_283 : f32 to vector<80x8xf32>
    %select_n3A_286 = arith.select %and3A_281, %broadcast_in_dim3A_284, %broadcast_in_dim3A_285 : vector<80x8xi1>, vector<80x8xf32>
    %dot_general3A_287 = arith.constant dense<0.000000e+00> : vector<1000x8xf32>
    %dot_general3A_288 = tpu.matmul %mul3A_11, %select_n3A_286, %dot_general3A_287 {dimension_numbers = #tpu.dot_dimension_numbers<[1], [0], [0], [1], [0, 0, 1, 1], [], []>, transpose_lhs_hint = false} : vector<1000x80xf32>, vector<80x8xf32>, vector<1000x8xf32> -> vector<1000x8xf32>
    %get3A_289 = arith.constant 2 : index
    %get3A_290 = arith.constant 0 : index
    %get3A_291 = arith.constant 0 : index
    %get3A_292 = vector.load %arg2[%get3A_289, %get3A_290, %get3A_291] : memref<10x8x80xf32, #tpu.memory_space<vmem>>, vector<1x8x80xf32>
    %get3A_293 = vector.shape_cast %get3A_292 : vector<1x8x80xf32> to vector<8x80xf32>
    %dot_general3A_294 = arith.constant dense<0.000000e+00> : vector<1000x80xf32>
    %dot_general3A_295 = tpu.matmul %dot_general3A_288, %get3A_293, %dot_general3A_294 {dimension_numbers = #tpu.dot_dimension_numbers<[1], [0], [0], [1], [0, 0, 1, 1], [], []>, transpose_lhs_hint = false} : vector<1000x8xf32>, vector<8x80xf32>, vector<1000x80xf32> -> vector<1000x80xf32>
    %jit3A_296 = arith.constant 10 : i32
    %eq3A_297 = arith.constant 0 : i32
    %eq3A_298 = arith.cmpi eq, %jit3A_296, %eq3A_297 : i32
    %jit3A_299 = arith.constant 1 : i32
    %select_n3A_300 = arith.select %eq3A_298, %jit3A_299, %jit3A_296 : i32
    %rem3A_301 = vector.broadcast %select_n3A_300 : i32 to vector<80x8xi32>
    %rem3A_302 = arith.remsi %iota3A, %rem3A_301 : vector<80x8xi32>
    %ne3A_303 = arith.constant 0 : i32
    %ne3A_304 = vector.broadcast %ne3A_303 : i32 to vector<80x8xi32>
    %ne3A_305 = arith.cmpi ne, %rem3A_302, %ne3A_304 : vector<80x8xi32>
    %lt3A_306 = arith.constant 0 : i32
    %lt3A_307 = vector.broadcast %lt3A_306 : i32 to vector<80x8xi32>
    %lt3A_308 = arith.cmpi slt, %rem3A_302, %lt3A_307 : vector<80x8xi32>
    %lt3A_309 = arith.constant 0 : i32
    %lt3A_310 = arith.cmpi slt, %select_n3A_300, %lt3A_309 : i32
    %ne3A_311 = vector.broadcast %lt3A_310 : i1 to vector<80x8xi1>
    %ne3A_312 = vector.broadcast %ne3A_311 : vector<80x8xi1> to vector<80x8xi1>
    %ne3A_313 = arith.xori %lt3A_308, %ne3A_312 : vector<80x8xi1>
    %and3A_314 = arith.andi %ne3A_313, %ne3A_305 : vector<80x8xi1>
    %add3A_315 = vector.broadcast %select_n3A_300 : i32 to vector<80x8xi32>
    %add3A_316 = arith.addi %rem3A_302, %add3A_315 : vector<80x8xi32>
    %select_n3A_317 = arith.select %and3A_314, %add3A_316, %rem3A_302 : vector<80x8xi1>, vector<80x8xi32>
    %eq3A_318 = arith.constant 3 : i32
    %eq3A_319 = vector.broadcast %eq3A_318 : i32 to vector<80x8xi32>
    %eq3A_320 = arith.cmpi eq, %select_n3A_317, %eq3A_319 : vector<80x8xi32>
    %jit3A_321 = arith.constant 10 : i32
    %div3A_322 = vector.broadcast %jit3A_321 : i32 to vector<80x8xi32>
    %div3A_323 = arith.divsi %iota3A, %div3A_322 : vector<80x8xi32>
    %sign3A_324 = arith.constant 0 : i32
    %sign3A_325 = vector.broadcast %sign3A_324 : i32 to vector<80x8xi32>
    %sign3A_326 = arith.cmpi sgt, %iota3A, %sign3A_325 : vector<80x8xi32>
    %sign3A_327 = arith.extui %sign3A_326 : vector<80x8xi1> to vector<80x8xi32>
    %sign3A_328 = arith.constant 0 : i32
    %sign3A_329 = vector.broadcast %sign3A_328 : i32 to vector<80x8xi32>
    %sign3A_330 = arith.cmpi slt, %iota3A, %sign3A_329 : vector<80x8xi32>
    %sign3A_331 = arith.extui %sign3A_330 : vector<80x8xi1> to vector<80x8xi32>
    %sign3A_332 = arith.subi %sign3A_327, %sign3A_331 : vector<80x8xi32>
    %sign3A_333 = arith.constant 0 : i32
    %sign3A_334 = arith.cmpi sgt, %jit3A_321, %sign3A_333 : i32
    %sign3A_335 = arith.extui %sign3A_334 : i1 to i32
    %sign3A_336 = arith.constant 0 : i32
    %sign3A_337 = arith.cmpi slt, %jit3A_321, %sign3A_336 : i32
    %sign3A_338 = arith.extui %sign3A_337 : i1 to i32
    %sign3A_339 = arith.subi %sign3A_335, %sign3A_338 : i32
    %ne3A_340 = vector.broadcast %sign3A_339 : i32 to vector<80x8xi32>
    %ne3A_341 = arith.cmpi ne, %sign3A_332, %ne3A_340 : vector<80x8xi32>
    %rem3A_342 = vector.broadcast %jit3A_321 : i32 to vector<80x8xi32>
    %rem3A_343 = arith.remsi %iota3A, %rem3A_342 : vector<80x8xi32>
    %ne3A_344 = arith.constant 0 : i32
    %ne3A_345 = vector.broadcast %ne3A_344 : i32 to vector<80x8xi32>
    %ne3A_346 = arith.cmpi ne, %rem3A_343, %ne3A_345 : vector<80x8xi32>
    %and3A_347 = arith.andi %ne3A_341, %ne3A_346 : vector<80x8xi1>
    %sub3A_348 = arith.constant 1 : i32
    %sub3A_349 = vector.broadcast %sub3A_348 : i32 to vector<80x8xi32>
    %sub3A_350 = arith.subi %div3A_323, %sub3A_349 : vector<80x8xi32>
    %select_n3A_351 = arith.select %and3A_347, %sub3A_350, %div3A_323 : vector<80x8xi1>, vector<80x8xi32>
    %eq3A_352 = arith.cmpi eq, %select_n3A_351, %iota3A_12 : vector<80x8xi32>
    %and3A_353 = arith.andi %eq3A_320, %eq3A_352 : vector<80x8xi1>
    %jit3A_354 = arith.constant 1.000000e+00 : f32
    %jit3A_355 = arith.constant 0.000000e+00 : f32
    %broadcast_in_dim3A_356 = vector.broadcast %jit3A_354 : f32 to vector<80x8xf32>
    %broadcast_in_dim3A_357 = vector.broadcast %jit3A_355 : f32 to vector<80x8xf32>
    %select_n3A_358 = arith.select %and3A_353, %broadcast_in_dim3A_356, %broadcast_in_dim3A_357 : vector<80x8xi1>, vector<80x8xf32>
    %dot_general3A_359 = arith.constant dense<0.000000e+00> : vector<1000x8xf32>
    %dot_general3A_360 = tpu.matmul %mul3A_11, %select_n3A_358, %dot_general3A_359 {dimension_numbers = #tpu.dot_dimension_numbers<[1], [0], [0], [1], [0, 0, 1, 1], [], []>, transpose_lhs_hint = false} : vector<1000x80xf32>, vector<80x8xf32>, vector<1000x8xf32> -> vector<1000x8xf32>
    %get3A_361 = arith.constant 3 : index
    %get3A_362 = arith.constant 0 : index
    %get3A_363 = arith.constant 0 : index
    %get3A_364 = vector.load %arg2[%get3A_361, %get3A_362, %get3A_363] : memref<10x8x80xf32, #tpu.memory_space<vmem>>, vector<1x8x80xf32>
    %get3A_365 = vector.shape_cast %get3A_364 : vector<1x8x80xf32> to vector<8x80xf32>
    %dot_general3A_366 = arith.constant dense<0.000000e+00> : vector<1000x80xf32>
    %dot_general3A_367 = tpu.matmul %dot_general3A_360, %get3A_365, %dot_general3A_366 {dimension_numbers = #tpu.dot_dimension_numbers<[1], [0], [0], [1], [0, 0, 1, 1], [], []>, transpose_lhs_hint = false} : vector<1000x8xf32>, vector<8x80xf32>, vector<1000x80xf32> -> vector<1000x80xf32>
    %jit3A_368 = arith.constant 10 : i32
    %eq3A_369 = arith.constant 0 : i32
    %eq3A_370 = arith.cmpi eq, %jit3A_368, %eq3A_369 : i32
    %jit3A_371 = arith.constant 1 : i32
    %select_n3A_372 = arith.select %eq3A_370, %jit3A_371, %jit3A_368 : i32
    %rem3A_373 = vector.broadcast %select_n3A_372 : i32 to vector<80x8xi32>
    %rem3A_374 = arith.remsi %iota3A, %rem3A_373 : vector<80x8xi32>
    %ne3A_375 = arith.constant 0 : i32
    %ne3A_376 = vector.broadcast %ne3A_375 : i32 to vector<80x8xi32>
    %ne3A_377 = arith.cmpi ne, %rem3A_374, %ne3A_376 : vector<80x8xi32>
    %lt3A_378 = arith.constant 0 : i32
    %lt3A_379 = vector.broadcast %lt3A_378 : i32 to vector<80x8xi32>
    %lt3A_380 = arith.cmpi slt, %rem3A_374, %lt3A_379 : vector<80x8xi32>
    %lt3A_381 = arith.constant 0 : i32
    %lt3A_382 = arith.cmpi slt, %select_n3A_372, %lt3A_381 : i32
    %ne3A_383 = vector.broadcast %lt3A_382 : i1 to vector<80x8xi1>
    %ne3A_384 = vector.broadcast %ne3A_383 : vector<80x8xi1> to vector<80x8xi1>
    %ne3A_385 = arith.xori %lt3A_380, %ne3A_384 : vector<80x8xi1>
    %and3A_386 = arith.andi %ne3A_385, %ne3A_377 : vector<80x8xi1>
    %add3A_387 = vector.broadcast %select_n3A_372 : i32 to vector<80x8xi32>
    %add3A_388 = arith.addi %rem3A_374, %add3A_387 : vector<80x8xi32>
    %select_n3A_389 = arith.select %and3A_386, %add3A_388, %rem3A_374 : vector<80x8xi1>, vector<80x8xi32>
    %eq3A_390 = arith.constant 4 : i32
    %eq3A_391 = vector.broadcast %eq3A_390 : i32 to vector<80x8xi32>
    %eq3A_392 = arith.cmpi eq, %select_n3A_389, %eq3A_391 : vector<80x8xi32>
    %jit3A_393 = arith.constant 10 : i32
    %div3A_394 = vector.broadcast %jit3A_393 : i32 to vector<80x8xi32>
    %div3A_395 = arith.divsi %iota3A, %div3A_394 : vector<80x8xi32>
    %sign3A_396 = arith.constant 0 : i32
    %sign3A_397 = vector.broadcast %sign3A_396 : i32 to vector<80x8xi32>
    %sign3A_398 = arith.cmpi sgt, %iota3A, %sign3A_397 : vector<80x8xi32>
    %sign3A_399 = arith.extui %sign3A_398 : vector<80x8xi1> to vector<80x8xi32>
    %sign3A_400 = arith.constant 0 : i32
    %sign3A_401 = vector.broadcast %sign3A_400 : i32 to vector<80x8xi32>
    %sign3A_402 = arith.cmpi slt, %iota3A, %sign3A_401 : vector<80x8xi32>
    %sign3A_403 = arith.extui %sign3A_402 : vector<80x8xi1> to vector<80x8xi32>
    %sign3A_404 = arith.subi %sign3A_399, %sign3A_403 : vector<80x8xi32>
    %sign3A_405 = arith.constant 0 : i32
    %sign3A_406 = arith.cmpi sgt, %jit3A_393, %sign3A_405 : i32
    %sign3A_407 = arith.extui %sign3A_406 : i1 to i32
    %sign3A_408 = arith.constant 0 : i32
    %sign3A_409 = arith.cmpi slt, %jit3A_393, %sign3A_408 : i32
    %sign3A_410 = arith.extui %sign3A_409 : i1 to i32
    %sign3A_411 = arith.subi %sign3A_407, %sign3A_410 : i32
    %ne3A_412 = vector.broadcast %sign3A_411 : i32 to vector<80x8xi32>
    %ne3A_413 = arith.cmpi ne, %sign3A_404, %ne3A_412 : vector<80x8xi32>
    %rem3A_414 = vector.broadcast %jit3A_393 : i32 to vector<80x8xi32>
    %rem3A_415 = arith.remsi %iota3A, %rem3A_414 : vector<80x8xi32>
    %ne3A_416 = arith.constant 0 : i32
    %ne3A_417 = vector.broadcast %ne3A_416 : i32 to vector<80x8xi32>
    %ne3A_418 = arith.cmpi ne, %rem3A_415, %ne3A_417 : vector<80x8xi32>
    %and3A_419 = arith.andi %ne3A_413, %ne3A_418 : vector<80x8xi1>
    %sub3A_420 = arith.constant 1 : i32
    %sub3A_421 = vector.broadcast %sub3A_420 : i32 to vector<80x8xi32>
    %sub3A_422 = arith.subi %div3A_395, %sub3A_421 : vector<80x8xi32>
    %select_n3A_423 = arith.select %and3A_419, %sub3A_422, %div3A_395 : vector<80x8xi1>, vector<80x8xi32>
    %eq3A_424 = arith.cmpi eq, %select_n3A_423, %iota3A_12 : vector<80x8xi32>
    %and3A_425 = arith.andi %eq3A_392, %eq3A_424 : vector<80x8xi1>
    %jit3A_426 = arith.constant 1.000000e+00 : f32
    %jit3A_427 = arith.constant 0.000000e+00 : f32
    %broadcast_in_dim3A_428 = vector.broadcast %jit3A_426 : f32 to vector<80x8xf32>
    %broadcast_in_dim3A_429 = vector.broadcast %jit3A_427 : f32 to vector<80x8xf32>
    %select_n3A_430 = arith.select %and3A_425, %broadcast_in_dim3A_428, %broadcast_in_dim3A_429 : vector<80x8xi1>, vector<80x8xf32>
    %dot_general3A_431 = arith.constant dense<0.000000e+00> : vector<1000x8xf32>
    %dot_general3A_432 = tpu.matmul %mul3A_11, %select_n3A_430, %dot_general3A_431 {dimension_numbers = #tpu.dot_dimension_numbers<[1], [0], [0], [1], [0, 0, 1, 1], [], []>, transpose_lhs_hint = false} : vector<1000x80xf32>, vector<80x8xf32>, vector<1000x8xf32> -> vector<1000x8xf32>
    %get3A_433 = arith.constant 4 : index
    %get3A_434 = arith.constant 0 : index
    %get3A_435 = arith.constant 0 : index
    %get3A_436 = vector.load %arg2[%get3A_433, %get3A_434, %get3A_435] : memref<10x8x80xf32, #tpu.memory_space<vmem>>, vector<1x8x80xf32>
    %get3A_437 = vector.shape_cast %get3A_436 : vector<1x8x80xf32> to vector<8x80xf32>
    %dot_general3A_438 = arith.constant dense<0.000000e+00> : vector<1000x80xf32>
    %dot_general3A_439 = tpu.matmul %dot_general3A_432, %get3A_437, %dot_general3A_438 {dimension_numbers = #tpu.dot_dimension_numbers<[1], [0], [0], [1], [0, 0, 1, 1], [], []>, transpose_lhs_hint = false} : vector<1000x8xf32>, vector<8x80xf32>, vector<1000x80xf32> -> vector<1000x80xf32>
    %jit3A_440 = arith.constant 10 : i32
    %eq3A_441 = arith.constant 0 : i32
    %eq3A_442 = arith.cmpi eq, %jit3A_440, %eq3A_441 : i32
    %jit3A_443 = arith.constant 1 : i32
    %select_n3A_444 = arith.select %eq3A_442, %jit3A_443, %jit3A_440 : i32
    %rem3A_445 = vector.broadcast %select_n3A_444 : i32 to vector<80x8xi32>
    %rem3A_446 = arith.remsi %iota3A, %rem3A_445 : vector<80x8xi32>
    %ne3A_447 = arith.constant 0 : i32
    %ne3A_448 = vector.broadcast %ne3A_447 : i32 to vector<80x8xi32>
    %ne3A_449 = arith.cmpi ne, %rem3A_446, %ne3A_448 : vector<80x8xi32>
    %lt3A_450 = arith.constant 0 : i32
    %lt3A_451 = vector.broadcast %lt3A_450 : i32 to vector<80x8xi32>
    %lt3A_452 = arith.cmpi slt, %rem3A_446, %lt3A_451 : vector<80x8xi32>
    %lt3A_453 = arith.constant 0 : i32
    %lt3A_454 = arith.cmpi slt, %select_n3A_444, %lt3A_453 : i32
    %ne3A_455 = vector.broadcast %lt3A_454 : i1 to vector<80x8xi1>
    %ne3A_456 = vector.broadcast %ne3A_455 : vector<80x8xi1> to vector<80x8xi1>
    %ne3A_457 = arith.xori %lt3A_452, %ne3A_456 : vector<80x8xi1>
    %and3A_458 = arith.andi %ne3A_457, %ne3A_449 : vector<80x8xi1>
    %add3A_459 = vector.broadcast %select_n3A_444 : i32 to vector<80x8xi32>
    %add3A_460 = arith.addi %rem3A_446, %add3A_459 : vector<80x8xi32>
    %select_n3A_461 = arith.select %and3A_458, %add3A_460, %rem3A_446 : vector<80x8xi1>, vector<80x8xi32>
    %eq3A_462 = arith.constant 5 : i32
    %eq3A_463 = vector.broadcast %eq3A_462 : i32 to vector<80x8xi32>
    %eq3A_464 = arith.cmpi eq, %select_n3A_461, %eq3A_463 : vector<80x8xi32>
    %jit3A_465 = arith.constant 10 : i32
    %div3A_466 = vector.broadcast %jit3A_465 : i32 to vector<80x8xi32>
    %div3A_467 = arith.divsi %iota3A, %div3A_466 : vector<80x8xi32>
    %sign3A_468 = arith.constant 0 : i32
    %sign3A_469 = vector.broadcast %sign3A_468 : i32 to vector<80x8xi32>
    %sign3A_470 = arith.cmpi sgt, %iota3A, %sign3A_469 : vector<80x8xi32>
    %sign3A_471 = arith.extui %sign3A_470 : vector<80x8xi1> to vector<80x8xi32>
    %sign3A_472 = arith.constant 0 : i32
    %sign3A_473 = vector.broadcast %sign3A_472 : i32 to vector<80x8xi32>
    %sign3A_474 = arith.cmpi slt, %iota3A, %sign3A_473 : vector<80x8xi32>
    %sign3A_475 = arith.extui %sign3A_474 : vector<80x8xi1> to vector<80x8xi32>
    %sign3A_476 = arith.subi %sign3A_471, %sign3A_475 : vector<80x8xi32>
    %sign3A_477 = arith.constant 0 : i32
    %sign3A_478 = arith.cmpi sgt, %jit3A_465, %sign3A_477 : i32
    %sign3A_479 = arith.extui %sign3A_478 : i1 to i32
    %sign3A_480 = arith.constant 0 : i32
    %sign3A_481 = arith.cmpi slt, %jit3A_465, %sign3A_480 : i32
    %sign3A_482 = arith.extui %sign3A_481 : i1 to i32
    %sign3A_483 = arith.subi %sign3A_479, %sign3A_482 : i32
    %ne3A_484 = vector.broadcast %sign3A_483 : i32 to vector<80x8xi32>
    %ne3A_485 = arith.cmpi ne, %sign3A_476, %ne3A_484 : vector<80x8xi32>
    %rem3A_486 = vector.broadcast %jit3A_465 : i32 to vector<80x8xi32>
    %rem3A_487 = arith.remsi %iota3A, %rem3A_486 : vector<80x8xi32>
    %ne3A_488 = arith.constant 0 : i32
    %ne3A_489 = vector.broadcast %ne3A_488 : i32 to vector<80x8xi32>
    %ne3A_490 = arith.cmpi ne, %rem3A_487, %ne3A_489 : vector<80x8xi32>
    %and3A_491 = arith.andi %ne3A_485, %ne3A_490 : vector<80x8xi1>
    %sub3A_492 = arith.constant 1 : i32
    %sub3A_493 = vector.broadcast %sub3A_492 : i32 to vector<80x8xi32>
    %sub3A_494 = arith.subi %div3A_467, %sub3A_493 : vector<80x8xi32>
    %select_n3A_495 = arith.select %and3A_491, %sub3A_494, %div3A_467 : vector<80x8xi1>, vector<80x8xi32>
    %eq3A_496 = arith.cmpi eq, %select_n3A_495, %iota3A_12 : vector<80x8xi32>
    %and3A_497 = arith.andi %eq3A_464, %eq3A_496 : vector<80x8xi1>
    %jit3A_498 = arith.constant 1.000000e+00 : f32
    %jit3A_499 = arith.constant 0.000000e+00 : f32
    %broadcast_in_dim3A_500 = vector.broadcast %jit3A_498 : f32 to vector<80x8xf32>
    %broadcast_in_dim3A_501 = vector.broadcast %jit3A_499 : f32 to vector<80x8xf32>
    %select_n3A_502 = arith.select %and3A_497, %broadcast_in_dim3A_500, %broadcast_in_dim3A_501 : vector<80x8xi1>, vector<80x8xf32>
    %dot_general3A_503 = arith.constant dense<0.000000e+00> : vector<1000x8xf32>
    %dot_general3A_504 = tpu.matmul %mul3A_11, %select_n3A_502, %dot_general3A_503 {dimension_numbers = #tpu.dot_dimension_numbers<[1], [0], [0], [1], [0, 0, 1, 1], [], []>, transpose_lhs_hint = false} : vector<1000x80xf32>, vector<80x8xf32>, vector<1000x8xf32> -> vector<1000x8xf32>
    %get3A_505 = arith.constant 5 : index
    %get3A_506 = arith.constant 0 : index
    %get3A_507 = arith.constant 0 : index
    %get3A_508 = vector.load %arg2[%get3A_505, %get3A_506, %get3A_507] : memref<10x8x80xf32, #tpu.memory_space<vmem>>, vector<1x8x80xf32>
    %get3A_509 = vector.shape_cast %get3A_508 : vector<1x8x80xf32> to vector<8x80xf32>
    %dot_general3A_510 = arith.constant dense<0.000000e+00> : vector<1000x80xf32>
    %dot_general3A_511 = tpu.matmul %dot_general3A_504, %get3A_509, %dot_general3A_510 {dimension_numbers = #tpu.dot_dimension_numbers<[1], [0], [0], [1], [0, 0, 1, 1], [], []>, transpose_lhs_hint = false} : vector<1000x8xf32>, vector<8x80xf32>, vector<1000x80xf32> -> vector<1000x80xf32>
    %jit3A_512 = arith.constant 10 : i32
    %eq3A_513 = arith.constant 0 : i32
    %eq3A_514 = arith.cmpi eq, %jit3A_512, %eq3A_513 : i32
    %jit3A_515 = arith.constant 1 : i32
    %select_n3A_516 = arith.select %eq3A_514, %jit3A_515, %jit3A_512 : i32
    %rem3A_517 = vector.broadcast %select_n3A_516 : i32 to vector<80x8xi32>
    %rem3A_518 = arith.remsi %iota3A, %rem3A_517 : vector<80x8xi32>
    %ne3A_519 = arith.constant 0 : i32
    %ne3A_520 = vector.broadcast %ne3A_519 : i32 to vector<80x8xi32>
    %ne3A_521 = arith.cmpi ne, %rem3A_518, %ne3A_520 : vector<80x8xi32>
    %lt3A_522 = arith.constant 0 : i32
    %lt3A_523 = vector.broadcast %lt3A_522 : i32 to vector<80x8xi32>
    %lt3A_524 = arith.cmpi slt, %rem3A_518, %lt3A_523 : vector<80x8xi32>
    %lt3A_525 = arith.constant 0 : i32
    %lt3A_526 = arith.cmpi slt, %select_n3A_516, %lt3A_525 : i32
    %ne3A_527 = vector.broadcast %lt3A_526 : i1 to vector<80x8xi1>
    %ne3A_528 = vector.broadcast %ne3A_527 : vector<80x8xi1> to vector<80x8xi1>
    %ne3A_529 = arith.xori %lt3A_524, %ne3A_528 : vector<80x8xi1>
    %and3A_530 = arith.andi %ne3A_529, %ne3A_521 : vector<80x8xi1>
    %add3A_531 = vector.broadcast %select_n3A_516 : i32 to vector<80x8xi32>
    %add3A_532 = arith.addi %rem3A_518, %add3A_531 : vector<80x8xi32>
    %select_n3A_533 = arith.select %and3A_530, %add3A_532, %rem3A_518 : vector<80x8xi1>, vector<80x8xi32>
    %eq3A_534 = arith.constant 6 : i32
    %eq3A_535 = vector.broadcast %eq3A_534 : i32 to vector<80x8xi32>
    %eq3A_536 = arith.cmpi eq, %select_n3A_533, %eq3A_535 : vector<80x8xi32>
    %jit3A_537 = arith.constant 10 : i32
    %div3A_538 = vector.broadcast %jit3A_537 : i32 to vector<80x8xi32>
    %div3A_539 = arith.divsi %iota3A, %div3A_538 : vector<80x8xi32>
    %sign3A_540 = arith.constant 0 : i32
    %sign3A_541 = vector.broadcast %sign3A_540 : i32 to vector<80x8xi32>
    %sign3A_542 = arith.cmpi sgt, %iota3A, %sign3A_541 : vector<80x8xi32>
    %sign3A_543 = arith.extui %sign3A_542 : vector<80x8xi1> to vector<80x8xi32>
    %sign3A_544 = arith.constant 0 : i32
    %sign3A_545 = vector.broadcast %sign3A_544 : i32 to vector<80x8xi32>
    %sign3A_546 = arith.cmpi slt, %iota3A, %sign3A_545 : vector<80x8xi32>
    %sign3A_547 = arith.extui %sign3A_546 : vector<80x8xi1> to vector<80x8xi32>
    %sign3A_548 = arith.subi %sign3A_543, %sign3A_547 : vector<80x8xi32>
    %sign3A_549 = arith.constant 0 : i32
    %sign3A_550 = arith.cmpi sgt, %jit3A_537, %sign3A_549 : i32
    %sign3A_551 = arith.extui %sign3A_550 : i1 to i32
    %sign3A_552 = arith.constant 0 : i32
    %sign3A_553 = arith.cmpi slt, %jit3A_537, %sign3A_552 : i32
    %sign3A_554 = arith.extui %sign3A_553 : i1 to i32
    %sign3A_555 = arith.subi %sign3A_551, %sign3A_554 : i32
    %ne3A_556 = vector.broadcast %sign3A_555 : i32 to vector<80x8xi32>
    %ne3A_557 = arith.cmpi ne, %sign3A_548, %ne3A_556 : vector<80x8xi32>
    %rem3A_558 = vector.broadcast %jit3A_537 : i32 to vector<80x8xi32>
    %rem3A_559 = arith.remsi %iota3A, %rem3A_558 : vector<80x8xi32>
    %ne3A_560 = arith.constant 0 : i32
    %ne3A_561 = vector.broadcast %ne3A_560 : i32 to vector<80x8xi32>
    %ne3A_562 = arith.cmpi ne, %rem3A_559, %ne3A_561 : vector<80x8xi32>
    %and3A_563 = arith.andi %ne3A_557, %ne3A_562 : vector<80x8xi1>
    %sub3A_564 = arith.constant 1 : i32
    %sub3A_565 = vector.broadcast %sub3A_564 : i32 to vector<80x8xi32>
    %sub3A_566 = arith.subi %div3A_539, %sub3A_565 : vector<80x8xi32>
    %select_n3A_567 = arith.select %and3A_563, %sub3A_566, %div3A_539 : vector<80x8xi1>, vector<80x8xi32>
    %eq3A_568 = arith.cmpi eq, %select_n3A_567, %iota3A_12 : vector<80x8xi32>
    %and3A_569 = arith.andi %eq3A_536, %eq3A_568 : vector<80x8xi1>
    %jit3A_570 = arith.constant 1.000000e+00 : f32
    %jit3A_571 = arith.constant 0.000000e+00 : f32
    %broadcast_in_dim3A_572 = vector.broadcast %jit3A_570 : f32 to vector<80x8xf32>
    %broadcast_in_dim3A_573 = vector.broadcast %jit3A_571 : f32 to vector<80x8xf32>
    %select_n3A_574 = arith.select %and3A_569, %broadcast_in_dim3A_572, %broadcast_in_dim3A_573 : vector<80x8xi1>, vector<80x8xf32>
    %dot_general3A_575 = arith.constant dense<0.000000e+00> : vector<1000x8xf32>
    %dot_general3A_576 = tpu.matmul %mul3A_11, %select_n3A_574, %dot_general3A_575 {dimension_numbers = #tpu.dot_dimension_numbers<[1], [0], [0], [1], [0, 0, 1, 1], [], []>, transpose_lhs_hint = false} : vector<1000x80xf32>, vector<80x8xf32>, vector<1000x8xf32> -> vector<1000x8xf32>
    %get3A_577 = arith.constant 6 : index
    %get3A_578 = arith.constant 0 : index
    %get3A_579 = arith.constant 0 : index
    %get3A_580 = vector.load %arg2[%get3A_577, %get3A_578, %get3A_579] : memref<10x8x80xf32, #tpu.memory_space<vmem>>, vector<1x8x80xf32>
    %get3A_581 = vector.shape_cast %get3A_580 : vector<1x8x80xf32> to vector<8x80xf32>
    %dot_general3A_582 = arith.constant dense<0.000000e+00> : vector<1000x80xf32>
    %dot_general3A_583 = tpu.matmul %dot_general3A_576, %get3A_581, %dot_general3A_582 {dimension_numbers = #tpu.dot_dimension_numbers<[1], [0], [0], [1], [0, 0, 1, 1], [], []>, transpose_lhs_hint = false} : vector<1000x8xf32>, vector<8x80xf32>, vector<1000x80xf32> -> vector<1000x80xf32>
    %jit3A_584 = arith.constant 10 : i32
    %eq3A_585 = arith.constant 0 : i32
    %eq3A_586 = arith.cmpi eq, %jit3A_584, %eq3A_585 : i32
    %jit3A_587 = arith.constant 1 : i32
    %select_n3A_588 = arith.select %eq3A_586, %jit3A_587, %jit3A_584 : i32
    %rem3A_589 = vector.broadcast %select_n3A_588 : i32 to vector<80x8xi32>
    %rem3A_590 = arith.remsi %iota3A, %rem3A_589 : vector<80x8xi32>
    %ne3A_591 = arith.constant 0 : i32
    %ne3A_592 = vector.broadcast %ne3A_591 : i32 to vector<80x8xi32>
    %ne3A_593 = arith.cmpi ne, %rem3A_590, %ne3A_592 : vector<80x8xi32>
    %lt3A_594 = arith.constant 0 : i32
    %lt3A_595 = vector.broadcast %lt3A_594 : i32 to vector<80x8xi32>
    %lt3A_596 = arith.cmpi slt, %rem3A_590, %lt3A_595 : vector<80x8xi32>
    %lt3A_597 = arith.constant 0 : i32
    %lt3A_598 = arith.cmpi slt, %select_n3A_588, %lt3A_597 : i32
    %ne3A_599 = vector.broadcast %lt3A_598 : i1 to vector<80x8xi1>
    %ne3A_600 = vector.broadcast %ne3A_599 : vector<80x8xi1> to vector<80x8xi1>
    %ne3A_601 = arith.xori %lt3A_596, %ne3A_600 : vector<80x8xi1>
    %and3A_602 = arith.andi %ne3A_601, %ne3A_593 : vector<80x8xi1>
    %add3A_603 = vector.broadcast %select_n3A_588 : i32 to vector<80x8xi32>
    %add3A_604 = arith.addi %rem3A_590, %add3A_603 : vector<80x8xi32>
    %select_n3A_605 = arith.select %and3A_602, %add3A_604, %rem3A_590 : vector<80x8xi1>, vector<80x8xi32>
    %eq3A_606 = arith.constant 7 : i32
    %eq3A_607 = vector.broadcast %eq3A_606 : i32 to vector<80x8xi32>
    %eq3A_608 = arith.cmpi eq, %select_n3A_605, %eq3A_607 : vector<80x8xi32>
    %jit3A_609 = arith.constant 10 : i32
    %div3A_610 = vector.broadcast %jit3A_609 : i32 to vector<80x8xi32>
    %div3A_611 = arith.divsi %iota3A, %div3A_610 : vector<80x8xi32>
    %sign3A_612 = arith.constant 0 : i32
    %sign3A_613 = vector.broadcast %sign3A_612 : i32 to vector<80x8xi32>
    %sign3A_614 = arith.cmpi sgt, %iota3A, %sign3A_613 : vector<80x8xi32>
    %sign3A_615 = arith.extui %sign3A_614 : vector<80x8xi1> to vector<80x8xi32>
    %sign3A_616 = arith.constant 0 : i32
    %sign3A_617 = vector.broadcast %sign3A_616 : i32 to vector<80x8xi32>
    %sign3A_618 = arith.cmpi slt, %iota3A, %sign3A_617 : vector<80x8xi32>
    %sign3A_619 = arith.extui %sign3A_618 : vector<80x8xi1> to vector<80x8xi32>
    %sign3A_620 = arith.subi %sign3A_615, %sign3A_619 : vector<80x8xi32>
    %sign3A_621 = arith.constant 0 : i32
    %sign3A_622 = arith.cmpi sgt, %jit3A_609, %sign3A_621 : i32
    %sign3A_623 = arith.extui %sign3A_622 : i1 to i32
    %sign3A_624 = arith.constant 0 : i32
    %sign3A_625 = arith.cmpi slt, %jit3A_609, %sign3A_624 : i32
    %sign3A_626 = arith.extui %sign3A_625 : i1 to i32
    %sign3A_627 = arith.subi %sign3A_623, %sign3A_626 : i32
    %ne3A_628 = vector.broadcast %sign3A_627 : i32 to vector<80x8xi32>
    %ne3A_629 = arith.cmpi ne, %sign3A_620, %ne3A_628 : vector<80x8xi32>
    %rem3A_630 = vector.broadcast %jit3A_609 : i32 to vector<80x8xi32>
    %rem3A_631 = arith.remsi %iota3A, %rem3A_630 : vector<80x8xi32>
    %ne3A_632 = arith.constant 0 : i32
    %ne3A_633 = vector.broadcast %ne3A_632 : i32 to vector<80x8xi32>
    %ne3A_634 = arith.cmpi ne, %rem3A_631, %ne3A_633 : vector<80x8xi32>
    %and3A_635 = arith.andi %ne3A_629, %ne3A_634 : vector<80x8xi1>
    %sub3A_636 = arith.constant 1 : i32
    %sub3A_637 = vector.broadcast %sub3A_636 : i32 to vector<80x8xi32>
    %sub3A_638 = arith.subi %div3A_611, %sub3A_637 : vector<80x8xi32>
    %select_n3A_639 = arith.select %and3A_635, %sub3A_638, %div3A_611 : vector<80x8xi1>, vector<80x8xi32>
    %eq3A_640 = arith.cmpi eq, %select_n3A_639, %iota3A_12 : vector<80x8xi32>
    %and3A_641 = arith.andi %eq3A_608, %eq3A_640 : vector<80x8xi1>
    %jit3A_642 = arith.constant 1.000000e+00 : f32
    %jit3A_643 = arith.constant 0.000000e+00 : f32
    %broadcast_in_dim3A_644 = vector.broadcast %jit3A_642 : f32 to vector<80x8xf32>
    %broadcast_in_dim3A_645 = vector.broadcast %jit3A_643 : f32 to vector<80x8xf32>
    %select_n3A_646 = arith.select %and3A_641, %broadcast_in_dim3A_644, %broadcast_in_dim3A_645 : vector<80x8xi1>, vector<80x8xf32>
    %dot_general3A_647 = arith.constant dense<0.000000e+00> : vector<1000x8xf32>
    %dot_general3A_648 = tpu.matmul %mul3A_11, %select_n3A_646, %dot_general3A_647 {dimension_numbers = #tpu.dot_dimension_numbers<[1], [0], [0], [1], [0, 0, 1, 1], [], []>, transpose_lhs_hint = false} : vector<1000x80xf32>, vector<80x8xf32>, vector<1000x8xf32> -> vector<1000x8xf32>
    %get3A_649 = arith.constant 7 : index
    %get3A_650 = arith.constant 0 : index
    %get3A_651 = arith.constant 0 : index
    %get3A_652 = vector.load %arg2[%get3A_649, %get3A_650, %get3A_651] : memref<10x8x80xf32, #tpu.memory_space<vmem>>, vector<1x8x80xf32>
    %get3A_653 = vector.shape_cast %get3A_652 : vector<1x8x80xf32> to vector<8x80xf32>
    %dot_general3A_654 = arith.constant dense<0.000000e+00> : vector<1000x80xf32>
    %dot_general3A_655 = tpu.matmul %dot_general3A_648, %get3A_653, %dot_general3A_654 {dimension_numbers = #tpu.dot_dimension_numbers<[1], [0], [0], [1], [0, 0, 1, 1], [], []>, transpose_lhs_hint = false} : vector<1000x8xf32>, vector<8x80xf32>, vector<1000x80xf32> -> vector<1000x80xf32>
    %jit3A_656 = arith.constant 10 : i32
    %eq3A_657 = arith.constant 0 : i32
    %eq3A_658 = arith.cmpi eq, %jit3A_656, %eq3A_657 : i32
    %jit3A_659 = arith.constant 1 : i32
    %select_n3A_660 = arith.select %eq3A_658, %jit3A_659, %jit3A_656 : i32
    %rem3A_661 = vector.broadcast %select_n3A_660 : i32 to vector<80x8xi32>
    %rem3A_662 = arith.remsi %iota3A, %rem3A_661 : vector<80x8xi32>
    %ne3A_663 = arith.constant 0 : i32
    %ne3A_664 = vector.broadcast %ne3A_663 : i32 to vector<80x8xi32>
    %ne3A_665 = arith.cmpi ne, %rem3A_662, %ne3A_664 : vector<80x8xi32>
    %lt3A_666 = arith.constant 0 : i32
    %lt3A_667 = vector.broadcast %lt3A_666 : i32 to vector<80x8xi32>
    %lt3A_668 = arith.cmpi slt, %rem3A_662, %lt3A_667 : vector<80x8xi32>
    %lt3A_669 = arith.constant 0 : i32
    %lt3A_670 = arith.cmpi slt, %select_n3A_660, %lt3A_669 : i32
    %ne3A_671 = vector.broadcast %lt3A_670 : i1 to vector<80x8xi1>
    %ne3A_672 = vector.broadcast %ne3A_671 : vector<80x8xi1> to vector<80x8xi1>
    %ne3A_673 = arith.xori %lt3A_668, %ne3A_672 : vector<80x8xi1>
    %and3A_674 = arith.andi %ne3A_673, %ne3A_665 : vector<80x8xi1>
    %add3A_675 = vector.broadcast %select_n3A_660 : i32 to vector<80x8xi32>
    %add3A_676 = arith.addi %rem3A_662, %add3A_675 : vector<80x8xi32>
    %select_n3A_677 = arith.select %and3A_674, %add3A_676, %rem3A_662 : vector<80x8xi1>, vector<80x8xi32>
    %eq3A_678 = arith.constant 8 : i32
    %eq3A_679 = vector.broadcast %eq3A_678 : i32 to vector<80x8xi32>
    %eq3A_680 = arith.cmpi eq, %select_n3A_677, %eq3A_679 : vector<80x8xi32>
    %jit3A_681 = arith.constant 10 : i32
    %div3A_682 = vector.broadcast %jit3A_681 : i32 to vector<80x8xi32>
    %div3A_683 = arith.divsi %iota3A, %div3A_682 : vector<80x8xi32>
    %sign3A_684 = arith.constant 0 : i32
    %sign3A_685 = vector.broadcast %sign3A_684 : i32 to vector<80x8xi32>
    %sign3A_686 = arith.cmpi sgt, %iota3A, %sign3A_685 : vector<80x8xi32>
    %sign3A_687 = arith.extui %sign3A_686 : vector<80x8xi1> to vector<80x8xi32>
    %sign3A_688 = arith.constant 0 : i32
    %sign3A_689 = vector.broadcast %sign3A_688 : i32 to vector<80x8xi32>
    %sign3A_690 = arith.cmpi slt, %iota3A, %sign3A_689 : vector<80x8xi32>
    %sign3A_691 = arith.extui %sign3A_690 : vector<80x8xi1> to vector<80x8xi32>
    %sign3A_692 = arith.subi %sign3A_687, %sign3A_691 : vector<80x8xi32>
    %sign3A_693 = arith.constant 0 : i32
    %sign3A_694 = arith.cmpi sgt, %jit3A_681, %sign3A_693 : i32
    %sign3A_695 = arith.extui %sign3A_694 : i1 to i32
    %sign3A_696 = arith.constant 0 : i32
    %sign3A_697 = arith.cmpi slt, %jit3A_681, %sign3A_696 : i32
    %sign3A_698 = arith.extui %sign3A_697 : i1 to i32
    %sign3A_699 = arith.subi %sign3A_695, %sign3A_698 : i32
    %ne3A_700 = vector.broadcast %sign3A_699 : i32 to vector<80x8xi32>
    %ne3A_701 = arith.cmpi ne, %sign3A_692, %ne3A_700 : vector<80x8xi32>
    %rem3A_702 = vector.broadcast %jit3A_681 : i32 to vector<80x8xi32>
    %rem3A_703 = arith.remsi %iota3A, %rem3A_702 : vector<80x8xi32>
    %ne3A_704 = arith.constant 0 : i32
    %ne3A_705 = vector.broadcast %ne3A_704 : i32 to vector<80x8xi32>
    %ne3A_706 = arith.cmpi ne, %rem3A_703, %ne3A_705 : vector<80x8xi32>
    %and3A_707 = arith.andi %ne3A_701, %ne3A_706 : vector<80x8xi1>
    %sub3A_708 = arith.constant 1 : i32
    %sub3A_709 = vector.broadcast %sub3A_708 : i32 to vector<80x8xi32>
    %sub3A_710 = arith.subi %div3A_683, %sub3A_709 : vector<80x8xi32>
    %select_n3A_711 = arith.select %and3A_707, %sub3A_710, %div3A_683 : vector<80x8xi1>, vector<80x8xi32>
    %eq3A_712 = arith.cmpi eq, %select_n3A_711, %iota3A_12 : vector<80x8xi32>
    %and3A_713 = arith.andi %eq3A_680, %eq3A_712 : vector<80x8xi1>
    %jit3A_714 = arith.constant 1.000000e+00 : f32
    %jit3A_715 = arith.constant 0.000000e+00 : f32
    %broadcast_in_dim3A_716 = vector.broadcast %jit3A_714 : f32 to vector<80x8xf32>
    %broadcast_in_dim3A_717 = vector.broadcast %jit3A_715 : f32 to vector<80x8xf32>
    %select_n3A_718 = arith.select %and3A_713, %broadcast_in_dim3A_716, %broadcast_in_dim3A_717 : vector<80x8xi1>, vector<80x8xf32>
    %dot_general3A_719 = arith.constant dense<0.000000e+00> : vector<1000x8xf32>
    %dot_general3A_720 = tpu.matmul %mul3A_11, %select_n3A_718, %dot_general3A_719 {dimension_numbers = #tpu.dot_dimension_numbers<[1], [0], [0], [1], [0, 0, 1, 1], [], []>, transpose_lhs_hint = false} : vector<1000x80xf32>, vector<80x8xf32>, vector<1000x8xf32> -> vector<1000x8xf32>
    %get3A_721 = arith.constant 8 : index
    %get3A_722 = arith.constant 0 : index
    %get3A_723 = arith.constant 0 : index
    %get3A_724 = vector.load %arg2[%get3A_721, %get3A_722, %get3A_723] : memref<10x8x80xf32, #tpu.memory_space<vmem>>, vector<1x8x80xf32>
    %get3A_725 = vector.shape_cast %get3A_724 : vector<1x8x80xf32> to vector<8x80xf32>
    %dot_general3A_726 = arith.constant dense<0.000000e+00> : vector<1000x80xf32>
    %dot_general3A_727 = tpu.matmul %dot_general3A_720, %get3A_725, %dot_general3A_726 {dimension_numbers = #tpu.dot_dimension_numbers<[1], [0], [0], [1], [0, 0, 1, 1], [], []>, transpose_lhs_hint = false} : vector<1000x8xf32>, vector<8x80xf32>, vector<1000x80xf32> -> vector<1000x80xf32>
    %jit3A_728 = arith.constant 10 : i32
    %eq3A_729 = arith.constant 0 : i32
    %eq3A_730 = arith.cmpi eq, %jit3A_728, %eq3A_729 : i32
    %jit3A_731 = arith.constant 1 : i32
    %select_n3A_732 = arith.select %eq3A_730, %jit3A_731, %jit3A_728 : i32
    %rem3A_733 = vector.broadcast %select_n3A_732 : i32 to vector<80x8xi32>
    %rem3A_734 = arith.remsi %iota3A, %rem3A_733 : vector<80x8xi32>
    %ne3A_735 = arith.constant 0 : i32
    %ne3A_736 = vector.broadcast %ne3A_735 : i32 to vector<80x8xi32>
    %ne3A_737 = arith.cmpi ne, %rem3A_734, %ne3A_736 : vector<80x8xi32>
    %lt3A_738 = arith.constant 0 : i32
    %lt3A_739 = vector.broadcast %lt3A_738 : i32 to vector<80x8xi32>
    %lt3A_740 = arith.cmpi slt, %rem3A_734, %lt3A_739 : vector<80x8xi32>
    %lt3A_741 = arith.constant 0 : i32
    %lt3A_742 = arith.cmpi slt, %select_n3A_732, %lt3A_741 : i32
    %ne3A_743 = vector.broadcast %lt3A_742 : i1 to vector<80x8xi1>
    %ne3A_744 = vector.broadcast %ne3A_743 : vector<80x8xi1> to vector<80x8xi1>
    %ne3A_745 = arith.xori %lt3A_740, %ne3A_744 : vector<80x8xi1>
    %and3A_746 = arith.andi %ne3A_745, %ne3A_737 : vector<80x8xi1>
    %add3A_747 = vector.broadcast %select_n3A_732 : i32 to vector<80x8xi32>
    %add3A_748 = arith.addi %rem3A_734, %add3A_747 : vector<80x8xi32>
    %select_n3A_749 = arith.select %and3A_746, %add3A_748, %rem3A_734 : vector<80x8xi1>, vector<80x8xi32>
    %eq3A_750 = arith.constant 9 : i32
    %eq3A_751 = vector.broadcast %eq3A_750 : i32 to vector<80x8xi32>
    %eq3A_752 = arith.cmpi eq, %select_n3A_749, %eq3A_751 : vector<80x8xi32>
    %jit3A_753 = arith.constant 10 : i32
    %div3A_754 = vector.broadcast %jit3A_753 : i32 to vector<80x8xi32>
    %div3A_755 = arith.divsi %iota3A, %div3A_754 : vector<80x8xi32>
    %sign3A_756 = arith.constant 0 : i32
    %sign3A_757 = vector.broadcast %sign3A_756 : i32 to vector<80x8xi32>
    %sign3A_758 = arith.cmpi sgt, %iota3A, %sign3A_757 : vector<80x8xi32>
    %sign3A_759 = arith.extui %sign3A_758 : vector<80x8xi1> to vector<80x8xi32>
    %sign3A_760 = arith.constant 0 : i32
    %sign3A_761 = vector.broadcast %sign3A_760 : i32 to vector<80x8xi32>
    %sign3A_762 = arith.cmpi slt, %iota3A, %sign3A_761 : vector<80x8xi32>
    %sign3A_763 = arith.extui %sign3A_762 : vector<80x8xi1> to vector<80x8xi32>
    %sign3A_764 = arith.subi %sign3A_759, %sign3A_763 : vector<80x8xi32>
    %sign3A_765 = arith.constant 0 : i32
    %sign3A_766 = arith.cmpi sgt, %jit3A_753, %sign3A_765 : i32
    %sign3A_767 = arith.extui %sign3A_766 : i1 to i32
    %sign3A_768 = arith.constant 0 : i32
    %sign3A_769 = arith.cmpi slt, %jit3A_753, %sign3A_768 : i32
    %sign3A_770 = arith.extui %sign3A_769 : i1 to i32
    %sign3A_771 = arith.subi %sign3A_767, %sign3A_770 : i32
    %ne3A_772 = vector.broadcast %sign3A_771 : i32 to vector<80x8xi32>
    %ne3A_773 = arith.cmpi ne, %sign3A_764, %ne3A_772 : vector<80x8xi32>
    %rem3A_774 = vector.broadcast %jit3A_753 : i32 to vector<80x8xi32>
    %rem3A_775 = arith.remsi %iota3A, %rem3A_774 : vector<80x8xi32>
    %ne3A_776 = arith.constant 0 : i32
    %ne3A_777 = vector.broadcast %ne3A_776 : i32 to vector<80x8xi32>
    %ne3A_778 = arith.cmpi ne, %rem3A_775, %ne3A_777 : vector<80x8xi32>
    %and3A_779 = arith.andi %ne3A_773, %ne3A_778 : vector<80x8xi1>
    %sub3A_780 = arith.constant 1 : i32
    %sub3A_781 = vector.broadcast %sub3A_780 : i32 to vector<80x8xi32>
    %sub3A_782 = arith.subi %div3A_755, %sub3A_781 : vector<80x8xi32>
    %select_n3A_783 = arith.select %and3A_779, %sub3A_782, %div3A_755 : vector<80x8xi1>, vector<80x8xi32>
    %eq3A_784 = arith.cmpi eq, %select_n3A_783, %iota3A_12 : vector<80x8xi32>
    %and3A_785 = arith.andi %eq3A_752, %eq3A_784 : vector<80x8xi1>
    %jit3A_786 = arith.constant 1.000000e+00 : f32
    %jit3A_787 = arith.constant 0.000000e+00 : f32
    %broadcast_in_dim3A_788 = vector.broadcast %jit3A_786 : f32 to vector<80x8xf32>
    %broadcast_in_dim3A_789 = vector.broadcast %jit3A_787 : f32 to vector<80x8xf32>
    %select_n3A_790 = arith.select %and3A_785, %broadcast_in_dim3A_788, %broadcast_in_dim3A_789 : vector<80x8xi1>, vector<80x8xf32>
    %dot_general3A_791 = arith.constant dense<0.000000e+00> : vector<1000x8xf32>
    %dot_general3A_792 = tpu.matmul %mul3A_11, %select_n3A_790, %dot_general3A_791 {dimension_numbers = #tpu.dot_dimension_numbers<[1], [0], [0], [1], [0, 0, 1, 1], [], []>, transpose_lhs_hint = false} : vector<1000x80xf32>, vector<80x8xf32>, vector<1000x8xf32> -> vector<1000x8xf32>
    %get3A_793 = arith.constant 9 : index
    %get3A_794 = arith.constant 0 : index
    %get3A_795 = arith.constant 0 : index
    %get3A_796 = vector.load %arg2[%get3A_793, %get3A_794, %get3A_795] : memref<10x8x80xf32, #tpu.memory_space<vmem>>, vector<1x8x80xf32>
    %get3A_797 = vector.shape_cast %get3A_796 : vector<1x8x80xf32> to vector<8x80xf32>
    %dot_general3A_798 = arith.constant dense<0.000000e+00> : vector<1000x80xf32>
    %dot_general3A_799 = tpu.matmul %dot_general3A_792, %get3A_797, %dot_general3A_798 {dimension_numbers = #tpu.dot_dimension_numbers<[1], [0], [0], [1], [0, 0, 1, 1], [], []>, transpose_lhs_hint = false} : vector<1000x8xf32>, vector<8x80xf32>, vector<1000x80xf32> -> vector<1000x80xf32>
    %broadcast_in_dim3A_800 = arith.constant 0.000000e+00 : f32
    %broadcast_in_dim3A_801 = vector.broadcast %broadcast_in_dim3A_800 : f32 to vector<1x10xf32>
    %broadcast_in_dim3A_802 = arith.constant 0.000000e+00 : f32
    %broadcast_in_dim3A_803 = vector.broadcast %broadcast_in_dim3A_802 : f32 to vector<1x10xf32>
    %broadcast_in_dim3A_804 = arith.constant 0.000000e+00 : f32
    %broadcast_in_dim3A_805 = vector.broadcast %broadcast_in_dim3A_804 : f32 to vector<1x10xf32>
    %broadcast_in_dim3A_806 = arith.constant 0.000000e+00 : f32
    %broadcast_in_dim3A_807 = vector.broadcast %broadcast_in_dim3A_806 : f32 to vector<1x10xf32>
    %broadcast_in_dim3A_808 = arith.constant 0.000000e+00 : f32
    %broadcast_in_dim3A_809 = vector.broadcast %broadcast_in_dim3A_808 : f32 to vector<1x10xf32>
    %broadcast_in_dim3A_810 = arith.constant 0.000000e+00 : f32
    %broadcast_in_dim3A_811 = vector.broadcast %broadcast_in_dim3A_810 : f32 to vector<1x10xf32>
    %broadcast_in_dim3A_812 = arith.constant 0.000000e+00 : f32
    %broadcast_in_dim3A_813 = vector.broadcast %broadcast_in_dim3A_812 : f32 to vector<1x10xf32>
    %broadcast_in_dim3A_814 = arith.constant 0.000000e+00 : f32
    %broadcast_in_dim3A_815 = vector.broadcast %broadcast_in_dim3A_814 : f32 to vector<1x10xf32>
    %broadcast_in_dim3A_816 = arith.constant 0.000000e+00 : f32
    %broadcast_in_dim3A_817 = vector.broadcast %broadcast_in_dim3A_816 : f32 to vector<1x10xf32>
    %broadcast_in_dim3A_818 = arith.constant 0.000000e+00 : f32
    %broadcast_in_dim3A_819 = vector.broadcast %broadcast_in_dim3A_818 : f32 to vector<1x10xf32>
    %broadcast_in_dim3A_820 = arith.constant 0.000000e+00 : f32
    %broadcast_in_dim3A_821 = vector.broadcast %broadcast_in_dim3A_820 : f32 to vector<1000x80xf32>
    %reduce_max3A = arith.constant dense<0xFF800000> : vector<1xf32>
    %reduce_max3A_822 = vector.multi_reduction <maximumf>, %broadcast_in_dim3A_801, %reduce_max3A [1] : vector<1x10xf32> to vector<1xf32>
    %broadcast_in_dim3A_823 = vector.shape_cast %reduce_max3A_822 : vector<1xf32> to vector<1x1xf32>
    %sub3A_824 = vector.broadcast %broadcast_in_dim3A_823 : vector<1x1xf32> to vector<1x10xf32>
    %sub3A_825 = arith.subf %broadcast_in_dim3A_801, %sub3A_824 : vector<1x10xf32>
    %exp3A = math.exp %sub3A_825 : vector<1x10xf32>
    %reduce_sum3A = arith.constant dense<0.000000e+00> : vector<1xf32>
    %reduce_sum3A_826 = vector.multi_reduction <add>, %exp3A, %reduce_sum3A [1] : vector<1x10xf32> to vector<1xf32>
    %broadcast_in_dim3A_827 = vector.shape_cast %reduce_sum3A_826 : vector<1xf32> to vector<1x1xf32>
    %div3A_828 = vector.broadcast %broadcast_in_dim3A_827 : vector<1x1xf32> to vector<1x10xf32>
    %div3A_829 = arith.divf %exp3A, %div3A_828 : vector<1x10xf32>
    %dot_general3A_830 = arith.constant dense<0.000000e+00> : vector<1x80xf32>
    %dot_general3A_831 = tpu.matmul %div3A_829, %select_n3A_42, %dot_general3A_830 {dimension_numbers = #tpu.dot_dimension_numbers<[1], [0], [0], [1], [0, 0, 1, 1], [], []>, transpose_lhs_hint = false} : vector<1x10xf32>, vector<10x80xf32>, vector<1x80xf32> -> vector<1x80xf32>
    %mul3A_832 = vector.broadcast %dot_general3A_831 : vector<1x80xf32> to vector<1000x80xf32>
    %mul3A_833 = arith.mulf %dot_general3A_151, %mul3A_832 : vector<1000x80xf32>
    %add3A_834 = arith.addf %broadcast_in_dim3A_821, %mul3A_833 : vector<1000x80xf32>
    %reduce_max3A_835 = arith.constant dense<0xFF800000> : vector<1xf32>
    %reduce_max3A_836 = vector.multi_reduction <maximumf>, %broadcast_in_dim3A_803, %reduce_max3A_835 [1] : vector<1x10xf32> to vector<1xf32>
    %broadcast_in_dim3A_837 = vector.shape_cast %reduce_max3A_836 : vector<1xf32> to vector<1x1xf32>
    %sub3A_838 = vector.broadcast %broadcast_in_dim3A_837 : vector<1x1xf32> to vector<1x10xf32>
    %sub3A_839 = arith.subf %broadcast_in_dim3A_803, %sub3A_838 : vector<1x10xf32>
    %exp3A_840 = math.exp %sub3A_839 : vector<1x10xf32>
    %reduce_sum3A_841 = arith.constant dense<0.000000e+00> : vector<1xf32>
    %reduce_sum3A_842 = vector.multi_reduction <add>, %exp3A_840, %reduce_sum3A_841 [1] : vector<1x10xf32> to vector<1xf32>
    %broadcast_in_dim3A_843 = vector.shape_cast %reduce_sum3A_842 : vector<1xf32> to vector<1x1xf32>
    %div3A_844 = vector.broadcast %broadcast_in_dim3A_843 : vector<1x1xf32> to vector<1x10xf32>
    %div3A_845 = arith.divf %exp3A_840, %div3A_844 : vector<1x10xf32>
    %dot_general3A_846 = arith.constant dense<0.000000e+00> : vector<1x80xf32>
    %dot_general3A_847 = tpu.matmul %div3A_845, %select_n3A_42, %dot_general3A_846 {dimension_numbers = #tpu.dot_dimension_numbers<[1], [0], [0], [1], [0, 0, 1, 1], [], []>, transpose_lhs_hint = false} : vector<1x10xf32>, vector<10x80xf32>, vector<1x80xf32> -> vector<1x80xf32>
    %mul3A_848 = vector.broadcast %dot_general3A_847 : vector<1x80xf32> to vector<1000x80xf32>
    %mul3A_849 = arith.mulf %dot_general3A_223, %mul3A_848 : vector<1000x80xf32>
    %add3A_850 = arith.addf %add3A_834, %mul3A_849 : vector<1000x80xf32>
    %reduce_max3A_851 = arith.constant dense<0xFF800000> : vector<1xf32>
    %reduce_max3A_852 = vector.multi_reduction <maximumf>, %broadcast_in_dim3A_805, %reduce_max3A_851 [1] : vector<1x10xf32> to vector<1xf32>
    %broadcast_in_dim3A_853 = vector.shape_cast %reduce_max3A_852 : vector<1xf32> to vector<1x1xf32>
    %sub3A_854 = vector.broadcast %broadcast_in_dim3A_853 : vector<1x1xf32> to vector<1x10xf32>
    %sub3A_855 = arith.subf %broadcast_in_dim3A_805, %sub3A_854 : vector<1x10xf32>
    %exp3A_856 = math.exp %sub3A_855 : vector<1x10xf32>
    %reduce_sum3A_857 = arith.constant dense<0.000000e+00> : vector<1xf32>
    %reduce_sum3A_858 = vector.multi_reduction <add>, %exp3A_856, %reduce_sum3A_857 [1] : vector<1x10xf32> to vector<1xf32>
    %broadcast_in_dim3A_859 = vector.shape_cast %reduce_sum3A_858 : vector<1xf32> to vector<1x1xf32>
    %div3A_860 = vector.broadcast %broadcast_in_dim3A_859 : vector<1x1xf32> to vector<1x10xf32>
    %div3A_861 = arith.divf %exp3A_856, %div3A_860 : vector<1x10xf32>
    %dot_general3A_862 = arith.constant dense<0.000000e+00> : vector<1x80xf32>
    %dot_general3A_863 = tpu.matmul %div3A_861, %select_n3A_42, %dot_general3A_862 {dimension_numbers = #tpu.dot_dimension_numbers<[1], [0], [0], [1], [0, 0, 1, 1], [], []>, transpose_lhs_hint = false} : vector<1x10xf32>, vector<10x80xf32>, vector<1x80xf32> -> vector<1x80xf32>
    %mul3A_864 = vector.broadcast %dot_general3A_863 : vector<1x80xf32> to vector<1000x80xf32>
    %mul3A_865 = arith.mulf %dot_general3A_295, %mul3A_864 : vector<1000x80xf32>
    %add3A_866 = arith.addf %add3A_850, %mul3A_865 : vector<1000x80xf32>
    %reduce_max3A_867 = arith.constant dense<0xFF800000> : vector<1xf32>
    %reduce_max3A_868 = vector.multi_reduction <maximumf>, %broadcast_in_dim3A_807, %reduce_max3A_867 [1] : vector<1x10xf32> to vector<1xf32>
    %broadcast_in_dim3A_869 = vector.shape_cast %reduce_max3A_868 : vector<1xf32> to vector<1x1xf32>
    %sub3A_870 = vector.broadcast %broadcast_in_dim3A_869 : vector<1x1xf32> to vector<1x10xf32>
    %sub3A_871 = arith.subf %broadcast_in_dim3A_807, %sub3A_870 : vector<1x10xf32>
    %exp3A_872 = math.exp %sub3A_871 : vector<1x10xf32>
    %reduce_sum3A_873 = arith.constant dense<0.000000e+00> : vector<1xf32>
    %reduce_sum3A_874 = vector.multi_reduction <add>, %exp3A_872, %reduce_sum3A_873 [1] : vector<1x10xf32> to vector<1xf32>
    %broadcast_in_dim3A_875 = vector.shape_cast %reduce_sum3A_874 : vector<1xf32> to vector<1x1xf32>
    %div3A_876 = vector.broadcast %broadcast_in_dim3A_875 : vector<1x1xf32> to vector<1x10xf32>
    %div3A_877 = arith.divf %exp3A_872, %div3A_876 : vector<1x10xf32>
    %dot_general3A_878 = arith.constant dense<0.000000e+00> : vector<1x80xf32>
    %dot_general3A_879 = tpu.matmul %div3A_877, %select_n3A_42, %dot_general3A_878 {dimension_numbers = #tpu.dot_dimension_numbers<[1], [0], [0], [1], [0, 0, 1, 1], [], []>, transpose_lhs_hint = false} : vector<1x10xf32>, vector<10x80xf32>, vector<1x80xf32> -> vector<1x80xf32>
    %mul3A_880 = vector.broadcast %dot_general3A_879 : vector<1x80xf32> to vector<1000x80xf32>
    %mul3A_881 = arith.mulf %dot_general3A_367, %mul3A_880 : vector<1000x80xf32>
    %add3A_882 = arith.addf %add3A_866, %mul3A_881 : vector<1000x80xf32>
    %reduce_max3A_883 = arith.constant dense<0xFF800000> : vector<1xf32>
    %reduce_max3A_884 = vector.multi_reduction <maximumf>, %broadcast_in_dim3A_809, %reduce_max3A_883 [1] : vector<1x10xf32> to vector<1xf32>
    %broadcast_in_dim3A_885 = vector.shape_cast %reduce_max3A_884 : vector<1xf32> to vector<1x1xf32>
    %sub3A_886 = vector.broadcast %broadcast_in_dim3A_885 : vector<1x1xf32> to vector<1x10xf32>
    %sub3A_887 = arith.subf %broadcast_in_dim3A_809, %sub3A_886 : vector<1x10xf32>
    %exp3A_888 = math.exp %sub3A_887 : vector<1x10xf32>
    %reduce_sum3A_889 = arith.constant dense<0.000000e+00> : vector<1xf32>
    %reduce_sum3A_890 = vector.multi_reduction <add>, %exp3A_888, %reduce_sum3A_889 [1] : vector<1x10xf32> to vector<1xf32>
    %broadcast_in_dim3A_891 = vector.shape_cast %reduce_sum3A_890 : vector<1xf32> to vector<1x1xf32>
    %div3A_892 = vector.broadcast %broadcast_in_dim3A_891 : vector<1x1xf32> to vector<1x10xf32>
    %div3A_893 = arith.divf %exp3A_888, %div3A_892 : vector<1x10xf32>
    %dot_general3A_894 = arith.constant dense<0.000000e+00> : vector<1x80xf32>
    %dot_general3A_895 = tpu.matmul %div3A_893, %select_n3A_42, %dot_general3A_894 {dimension_numbers = #tpu.dot_dimension_numbers<[1], [0], [0], [1], [0, 0, 1, 1], [], []>, transpose_lhs_hint = false} : vector<1x10xf32>, vector<10x80xf32>, vector<1x80xf32> -> vector<1x80xf32>
    %mul3A_896 = vector.broadcast %dot_general3A_895 : vector<1x80xf32> to vector<1000x80xf32>
    %mul3A_897 = arith.mulf %dot_general3A_439, %mul3A_896 : vector<1000x80xf32>
    %add3A_898 = arith.addf %add3A_882, %mul3A_897 : vector<1000x80xf32>
    %reduce_max3A_899 = arith.constant dense<0xFF800000> : vector<1xf32>
    %reduce_max3A_900 = vector.multi_reduction <maximumf>, %broadcast_in_dim3A_811, %reduce_max3A_899 [1] : vector<1x10xf32> to vector<1xf32>
    %broadcast_in_dim3A_901 = vector.shape_cast %reduce_max3A_900 : vector<1xf32> to vector<1x1xf32>
    %sub3A_902 = vector.broadcast %broadcast_in_dim3A_901 : vector<1x1xf32> to vector<1x10xf32>
    %sub3A_903 = arith.subf %broadcast_in_dim3A_811, %sub3A_902 : vector<1x10xf32>
    %exp3A_904 = math.exp %sub3A_903 : vector<1x10xf32>
    %reduce_sum3A_905 = arith.constant dense<0.000000e+00> : vector<1xf32>
    %reduce_sum3A_906 = vector.multi_reduction <add>, %exp3A_904, %reduce_sum3A_905 [1] : vector<1x10xf32> to vector<1xf32>
    %broadcast_in_dim3A_907 = vector.shape_cast %reduce_sum3A_906 : vector<1xf32> to vector<1x1xf32>
    %div3A_908 = vector.broadcast %broadcast_in_dim3A_907 : vector<1x1xf32> to vector<1x10xf32>
    %div3A_909 = arith.divf %exp3A_904, %div3A_908 : vector<1x10xf32>
    %dot_general3A_910 = arith.constant dense<0.000000e+00> : vector<1x80xf32>
    %dot_general3A_911 = tpu.matmul %div3A_909, %select_n3A_42, %dot_general3A_910 {dimension_numbers = #tpu.dot_dimension_numbers<[1], [0], [0], [1], [0, 0, 1, 1], [], []>, transpose_lhs_hint = false} : vector<1x10xf32>, vector<10x80xf32>, vector<1x80xf32> -> vector<1x80xf32>
    %mul3A_912 = vector.broadcast %dot_general3A_911 : vector<1x80xf32> to vector<1000x80xf32>
    %mul3A_913 = arith.mulf %dot_general3A_511, %mul3A_912 : vector<1000x80xf32>
    %add3A_914 = arith.addf %add3A_898, %mul3A_913 : vector<1000x80xf32>
    %reduce_max3A_915 = arith.constant dense<0xFF800000> : vector<1xf32>
    %reduce_max3A_916 = vector.multi_reduction <maximumf>, %broadcast_in_dim3A_813, %reduce_max3A_915 [1] : vector<1x10xf32> to vector<1xf32>
    %broadcast_in_dim3A_917 = vector.shape_cast %reduce_max3A_916 : vector<1xf32> to vector<1x1xf32>
    %sub3A_918 = vector.broadcast %broadcast_in_dim3A_917 : vector<1x1xf32> to vector<1x10xf32>
    %sub3A_919 = arith.subf %broadcast_in_dim3A_813, %sub3A_918 : vector<1x10xf32>
    %exp3A_920 = math.exp %sub3A_919 : vector<1x10xf32>
    %reduce_sum3A_921 = arith.constant dense<0.000000e+00> : vector<1xf32>
    %reduce_sum3A_922 = vector.multi_reduction <add>, %exp3A_920, %reduce_sum3A_921 [1] : vector<1x10xf32> to vector<1xf32>
    %broadcast_in_dim3A_923 = vector.shape_cast %reduce_sum3A_922 : vector<1xf32> to vector<1x1xf32>
    %div3A_924 = vector.broadcast %broadcast_in_dim3A_923 : vector<1x1xf32> to vector<1x10xf32>
    %div3A_925 = arith.divf %exp3A_920, %div3A_924 : vector<1x10xf32>
    %dot_general3A_926 = arith.constant dense<0.000000e+00> : vector<1x80xf32>
    %dot_general3A_927 = tpu.matmul %div3A_925, %select_n3A_42, %dot_general3A_926 {dimension_numbers = #tpu.dot_dimension_numbers<[1], [0], [0], [1], [0, 0, 1, 1], [], []>, transpose_lhs_hint = false} : vector<1x10xf32>, vector<10x80xf32>, vector<1x80xf32> -> vector<1x80xf32>
    %mul3A_928 = vector.broadcast %dot_general3A_927 : vector<1x80xf32> to vector<1000x80xf32>
    %mul3A_929 = arith.mulf %dot_general3A_583, %mul3A_928 : vector<1000x80xf32>
    %add3A_930 = arith.addf %add3A_914, %mul3A_929 : vector<1000x80xf32>
    %reduce_max3A_931 = arith.constant dense<0xFF800000> : vector<1xf32>
    %reduce_max3A_932 = vector.multi_reduction <maximumf>, %broadcast_in_dim3A_815, %reduce_max3A_931 [1] : vector<1x10xf32> to vector<1xf32>
    %broadcast_in_dim3A_933 = vector.shape_cast %reduce_max3A_932 : vector<1xf32> to vector<1x1xf32>
    %sub3A_934 = vector.broadcast %broadcast_in_dim3A_933 : vector<1x1xf32> to vector<1x10xf32>
    %sub3A_935 = arith.subf %broadcast_in_dim3A_815, %sub3A_934 : vector<1x10xf32>
    %exp3A_936 = math.exp %sub3A_935 : vector<1x10xf32>
    %reduce_sum3A_937 = arith.constant dense<0.000000e+00> : vector<1xf32>
    %reduce_sum3A_938 = vector.multi_reduction <add>, %exp3A_936, %reduce_sum3A_937 [1] : vector<1x10xf32> to vector<1xf32>
    %broadcast_in_dim3A_939 = vector.shape_cast %reduce_sum3A_938 : vector<1xf32> to vector<1x1xf32>
    %div3A_940 = vector.broadcast %broadcast_in_dim3A_939 : vector<1x1xf32> to vector<1x10xf32>
    %div3A_941 = arith.divf %exp3A_936, %div3A_940 : vector<1x10xf32>
    %dot_general3A_942 = arith.constant dense<0.000000e+00> : vector<1x80xf32>
    %dot_general3A_943 = tpu.matmul %div3A_941, %select_n3A_42, %dot_general3A_942 {dimension_numbers = #tpu.dot_dimension_numbers<[1], [0], [0], [1], [0, 0, 1, 1], [], []>, transpose_lhs_hint = false} : vector<1x10xf32>, vector<10x80xf32>, vector<1x80xf32> -> vector<1x80xf32>
    %mul3A_944 = vector.broadcast %dot_general3A_943 : vector<1x80xf32> to vector<1000x80xf32>
    %mul3A_945 = arith.mulf %dot_general3A_655, %mul3A_944 : vector<1000x80xf32>
    %add3A_946 = arith.addf %add3A_930, %mul3A_945 : vector<1000x80xf32>
    %reduce_max3A_947 = arith.constant dense<0xFF800000> : vector<1xf32>
    %reduce_max3A_948 = vector.multi_reduction <maximumf>, %broadcast_in_dim3A_817, %reduce_max3A_947 [1] : vector<1x10xf32> to vector<1xf32>
    %broadcast_in_dim3A_949 = vector.shape_cast %reduce_max3A_948 : vector<1xf32> to vector<1x1xf32>
    %sub3A_950 = vector.broadcast %broadcast_in_dim3A_949 : vector<1x1xf32> to vector<1x10xf32>
    %sub3A_951 = arith.subf %broadcast_in_dim3A_817, %sub3A_950 : vector<1x10xf32>
    %exp3A_952 = math.exp %sub3A_951 : vector<1x10xf32>
    %reduce_sum3A_953 = arith.constant dense<0.000000e+00> : vector<1xf32>
    %reduce_sum3A_954 = vector.multi_reduction <add>, %exp3A_952, %reduce_sum3A_953 [1] : vector<1x10xf32> to vector<1xf32>
    %broadcast_in_dim3A_955 = vector.shape_cast %reduce_sum3A_954 : vector<1xf32> to vector<1x1xf32>
    %div3A_956 = vector.broadcast %broadcast_in_dim3A_955 : vector<1x1xf32> to vector<1x10xf32>
    %div3A_957 = arith.divf %exp3A_952, %div3A_956 : vector<1x10xf32>
    %dot_general3A_958 = arith.constant dense<0.000000e+00> : vector<1x80xf32>
    %dot_general3A_959 = tpu.matmul %div3A_957, %select_n3A_42, %dot_general3A_958 {dimension_numbers = #tpu.dot_dimension_numbers<[1], [0], [0], [1], [0, 0, 1, 1], [], []>, transpose_lhs_hint = false} : vector<1x10xf32>, vector<10x80xf32>, vector<1x80xf32> -> vector<1x80xf32>
    %mul3A_960 = vector.broadcast %dot_general3A_959 : vector<1x80xf32> to vector<1000x80xf32>
    %mul3A_961 = arith.mulf %dot_general3A_727, %mul3A_960 : vector<1000x80xf32>
    %add3A_962 = arith.addf %add3A_946, %mul3A_961 : vector<1000x80xf32>
    %reduce_max3A_963 = arith.constant dense<0xFF800000> : vector<1xf32>
    %reduce_max3A_964 = vector.multi_reduction <maximumf>, %broadcast_in_dim3A_819, %reduce_max3A_963 [1] : vector<1x10xf32> to vector<1xf32>
    %broadcast_in_dim3A_965 = vector.shape_cast %reduce_max3A_964 : vector<1xf32> to vector<1x1xf32>
    %sub3A_966 = vector.broadcast %broadcast_in_dim3A_965 : vector<1x1xf32> to vector<1x10xf32>
    %sub3A_967 = arith.subf %broadcast_in_dim3A_819, %sub3A_966 : vector<1x10xf32>
    %exp3A_968 = math.exp %sub3A_967 : vector<1x10xf32>
    %reduce_sum3A_969 = arith.constant dense<0.000000e+00> : vector<1xf32>
    %reduce_sum3A_970 = vector.multi_reduction <add>, %exp3A_968, %reduce_sum3A_969 [1] : vector<1x10xf32> to vector<1xf32>
    %broadcast_in_dim3A_971 = vector.shape_cast %reduce_sum3A_970 : vector<1xf32> to vector<1x1xf32>
    %div3A_972 = vector.broadcast %broadcast_in_dim3A_971 : vector<1x1xf32> to vector<1x10xf32>
    %div3A_973 = arith.divf %exp3A_968, %div3A_972 : vector<1x10xf32>
    %dot_general3A_974 = arith.constant dense<0.000000e+00> : vector<1x80xf32>
    %dot_general3A_975 = tpu.matmul %div3A_973, %select_n3A_42, %dot_general3A_974 {dimension_numbers = #tpu.dot_dimension_numbers<[1], [0], [0], [1], [0, 0, 1, 1], [], []>, transpose_lhs_hint = false} : vector<1x10xf32>, vector<10x80xf32>, vector<1x80xf32> -> vector<1x80xf32>
    %mul3A_976 = vector.broadcast %dot_general3A_975 : vector<1x80xf32> to vector<1000x80xf32>
    %mul3A_977 = arith.mulf %dot_general3A_799, %mul3A_976 : vector<1000x80xf32>
    %add3A_978 = arith.addf %add3A_962, %mul3A_977 : vector<1000x80xf32>
    %mul3A_979 = arith.mulf %add3A_978, %add3A_978 : vector<1000x80xf32>
    %dot_general3A_980 = arith.constant dense<0.000000e+00> : vector<1000x10xf32>
    %dot_general3A_981 = tpu.matmul %mul3A_979, %select_n3A_81, %dot_general3A_980 {dimension_numbers = #tpu.dot_dimension_numbers<[1], [0], [0], [1], [0, 0, 1, 1], [], []>, transpose_lhs_hint = false} : vector<1000x80xf32>, vector<80x10xf32>, vector<1000x10xf32> -> vector<1000x10xf32>
    %add3A_982 = arith.constant 1.000000e+00 : f32
    %add3A_983 = vector.broadcast %add3A_982 : f32 to vector<1000x10xf32>
    %add3A_984 = arith.addf %add3A_983, %dot_general3A_981 : vector<1000x10xf32>
    %div3A_985 = arith.divf %dot_general3A_981, %add3A_984 : vector<1000x10xf32>
    %add3A_986 = arith.constant 9.99999996E-13 : f32
    %add3A_987 = vector.broadcast %add3A_986 : f32 to vector<1000x10xf32>
    %add3A_988 = arith.addf %dot_general3A_981, %add3A_987 : vector<1000x10xf32>
    %rsqrt3A_989 = math.rsqrt %add3A_988 : vector<1000x10xf32>
    %mul3A_990 = arith.mulf %div3A_985, %rsqrt3A_989 : vector<1000x10xf32>
    %dot_general3A_991 = arith.constant dense<0.000000e+00> : vector<1000x80xf32>
    %dot_general3A_992 = tpu.matmul %mul3A_990, %select_n3A_42, %dot_general3A_991 {dimension_numbers = #tpu.dot_dimension_numbers<[1], [0], [0], [1], [0, 0, 1, 1], [], []>, transpose_lhs_hint = false} : vector<1000x10xf32>, vector<10x80xf32>, vector<1000x80xf32> -> vector<1000x80xf32>
    %mul3A_993 = arith.mulf %add3A_978, %dot_general3A_992 : vector<1000x80xf32>
    %mul3A_994 = arith.mulf %dot_general3A_151, %mul3A_993 : vector<1000x80xf32>
    %dot_general3A_995 = arith.constant dense<0.000000e+00> : vector<1000x10xf32>
    %dot_general3A_996 = tpu.matmul %mul3A_994, %select_n3A_81, %dot_general3A_995 {dimension_numbers = #tpu.dot_dimension_numbers<[1], [0], [0], [1], [0, 0, 1, 1], [], []>, transpose_lhs_hint = false} : vector<1000x80xf32>, vector<80x10xf32>, vector<1000x10xf32> -> vector<1000x10xf32>
    %reduce_sum3A_997 = arith.constant dense<0.000000e+00> : vector<10xf32>
    %reduce_sum3A_998 = vector.multi_reduction <add>, %dot_general3A_996, %reduce_sum3A_997 [0] : vector<1000x10xf32> to vector<10xf32>
    %broadcast_in_dim3A_999 = vector.shape_cast %reduce_sum3A_998 : vector<10xf32> to vector<1x10xf32>
    %mul3A_1000 = arith.constant 1.000000e-03 : f32
    %mul3A_1001 = vector.broadcast %mul3A_1000 : f32 to vector<1x10xf32>
    %mul3A_1002 = arith.mulf %broadcast_in_dim3A_999, %mul3A_1001 : vector<1x10xf32>
    %add3A_1003 = arith.addf %broadcast_in_dim3A_801, %mul3A_1002 : vector<1x10xf32>
    %mul3A_1004 = arith.mulf %dot_general3A_223, %mul3A_993 : vector<1000x80xf32>
    %dot_general3A_1005 = arith.constant dense<0.000000e+00> : vector<1000x10xf32>
    %dot_general3A_1006 = tpu.matmul %mul3A_1004, %select_n3A_81, %dot_general3A_1005 {dimension_numbers = #tpu.dot_dimension_numbers<[1], [0], [0], [1], [0, 0, 1, 1], [], []>, transpose_lhs_hint = false} : vector<1000x80xf32>, vector<80x10xf32>, vector<1000x10xf32> -> vector<1000x10xf32>
    %reduce_sum3A_1007 = arith.constant dense<0.000000e+00> : vector<10xf32>
    %reduce_sum3A_1008 = vector.multi_reduction <add>, %dot_general3A_1006, %reduce_sum3A_1007 [0] : vector<1000x10xf32> to vector<10xf32>
    %broadcast_in_dim3A_1009 = vector.shape_cast %reduce_sum3A_1008 : vector<10xf32> to vector<1x10xf32>
    %mul3A_1010 = arith.constant 1.000000e-03 : f32
    %mul3A_1011 = vector.broadcast %mul3A_1010 : f32 to vector<1x10xf32>
    %mul3A_1012 = arith.mulf %broadcast_in_dim3A_1009, %mul3A_1011 : vector<1x10xf32>
    %add3A_1013 = arith.addf %broadcast_in_dim3A_803, %mul3A_1012 : vector<1x10xf32>
    %mul3A_1014 = arith.mulf %dot_general3A_295, %mul3A_993 : vector<1000x80xf32>
    %dot_general3A_1015 = arith.constant dense<0.000000e+00> : vector<1000x10xf32>
    %dot_general3A_1016 = tpu.matmul %mul3A_1014, %select_n3A_81, %dot_general3A_1015 {dimension_numbers = #tpu.dot_dimension_numbers<[1], [0], [0], [1], [0, 0, 1, 1], [], []>, transpose_lhs_hint = false} : vector<1000x80xf32>, vector<80x10xf32>, vector<1000x10xf32> -> vector<1000x10xf32>
    %reduce_sum3A_1017 = arith.constant dense<0.000000e+00> : vector<10xf32>
    %reduce_sum3A_1018 = vector.multi_reduction <add>, %dot_general3A_1016, %reduce_sum3A_1017 [0] : vector<1000x10xf32> to vector<10xf32>
    %broadcast_in_dim3A_1019 = vector.shape_cast %reduce_sum3A_1018 : vector<10xf32> to vector<1x10xf32>
    %mul3A_1020 = arith.constant 1.000000e-03 : f32
    %mul3A_1021 = vector.broadcast %mul3A_1020 : f32 to vector<1x10xf32>
    %mul3A_1022 = arith.mulf %broadcast_in_dim3A_1019, %mul3A_1021 : vector<1x10xf32>
    %add3A_1023 = arith.addf %broadcast_in_dim3A_805, %mul3A_1022 : vector<1x10xf32>
    %mul3A_1024 = arith.mulf %dot_general3A_367, %mul3A_993 : vector<1000x80xf32>
    %dot_general3A_1025 = arith.constant dense<0.000000e+00> : vector<1000x10xf32>
    %dot_general3A_1026 = tpu.matmul %mul3A_1024, %select_n3A_81, %dot_general3A_1025 {dimension_numbers = #tpu.dot_dimension_numbers<[1], [0], [0], [1], [0, 0, 1, 1], [], []>, transpose_lhs_hint = false} : vector<1000x80xf32>, vector<80x10xf32>, vector<1000x10xf32> -> vector<1000x10xf32>
    %reduce_sum3A_1027 = arith.constant dense<0.000000e+00> : vector<10xf32>
    %reduce_sum3A_1028 = vector.multi_reduction <add>, %dot_general3A_1026, %reduce_sum3A_1027 [0] : vector<1000x10xf32> to vector<10xf32>
    %broadcast_in_dim3A_1029 = vector.shape_cast %reduce_sum3A_1028 : vector<10xf32> to vector<1x10xf32>
    %mul3A_1030 = arith.constant 1.000000e-03 : f32
    %mul3A_1031 = vector.broadcast %mul3A_1030 : f32 to vector<1x10xf32>
    %mul3A_1032 = arith.mulf %broadcast_in_dim3A_1029, %mul3A_1031 : vector<1x10xf32>
    %add3A_1033 = arith.addf %broadcast_in_dim3A_807, %mul3A_1032 : vector<1x10xf32>
    %mul3A_1034 = arith.mulf %dot_general3A_439, %mul3A_993 : vector<1000x80xf32>
    %dot_general3A_1035 = arith.constant dense<0.000000e+00> : vector<1000x10xf32>
    %dot_general3A_1036 = tpu.matmul %mul3A_1034, %select_n3A_81, %dot_general3A_1035 {dimension_numbers = #tpu.dot_dimension_numbers<[1], [0], [0], [1], [0, 0, 1, 1], [], []>, transpose_lhs_hint = false} : vector<1000x80xf32>, vector<80x10xf32>, vector<1000x10xf32> -> vector<1000x10xf32>
    %reduce_sum3A_1037 = arith.constant dense<0.000000e+00> : vector<10xf32>
    %reduce_sum3A_1038 = vector.multi_reduction <add>, %dot_general3A_1036, %reduce_sum3A_1037 [0] : vector<1000x10xf32> to vector<10xf32>
    %broadcast_in_dim3A_1039 = vector.shape_cast %reduce_sum3A_1038 : vector<10xf32> to vector<1x10xf32>
    %mul3A_1040 = arith.constant 1.000000e-03 : f32
    %mul3A_1041 = vector.broadcast %mul3A_1040 : f32 to vector<1x10xf32>
    %mul3A_1042 = arith.mulf %broadcast_in_dim3A_1039, %mul3A_1041 : vector<1x10xf32>
    %add3A_1043 = arith.addf %broadcast_in_dim3A_809, %mul3A_1042 : vector<1x10xf32>
    %mul3A_1044 = arith.mulf %dot_general3A_511, %mul3A_993 : vector<1000x80xf32>
    %dot_general3A_1045 = arith.constant dense<0.000000e+00> : vector<1000x10xf32>
    %dot_general3A_1046 = tpu.matmul %mul3A_1044, %select_n3A_81, %dot_general3A_1045 {dimension_numbers = #tpu.dot_dimension_numbers<[1], [0], [0], [1], [0, 0, 1, 1], [], []>, transpose_lhs_hint = false} : vector<1000x80xf32>, vector<80x10xf32>, vector<1000x10xf32> -> vector<1000x10xf32>
    %reduce_sum3A_1047 = arith.constant dense<0.000000e+00> : vector<10xf32>
    %reduce_sum3A_1048 = vector.multi_reduction <add>, %dot_general3A_1046, %reduce_sum3A_1047 [0] : vector<1000x10xf32> to vector<10xf32>
    %broadcast_in_dim3A_1049 = vector.shape_cast %reduce_sum3A_1048 : vector<10xf32> to vector<1x10xf32>
    %mul3A_1050 = arith.constant 1.000000e-03 : f32
    %mul3A_1051 = vector.broadcast %mul3A_1050 : f32 to vector<1x10xf32>
    %mul3A_1052 = arith.mulf %broadcast_in_dim3A_1049, %mul3A_1051 : vector<1x10xf32>
    %add3A_1053 = arith.addf %broadcast_in_dim3A_811, %mul3A_1052 : vector<1x10xf32>
    %mul3A_1054 = arith.mulf %dot_general3A_583, %mul3A_993 : vector<1000x80xf32>
    %dot_general3A_1055 = arith.constant dense<0.000000e+00> : vector<1000x10xf32>
    %dot_general3A_1056 = tpu.matmul %mul3A_1054, %select_n3A_81, %dot_general3A_1055 {dimension_numbers = #tpu.dot_dimension_numbers<[1], [0], [0], [1], [0, 0, 1, 1], [], []>, transpose_lhs_hint = false} : vector<1000x80xf32>, vector<80x10xf32>, vector<1000x10xf32> -> vector<1000x10xf32>
    %reduce_sum3A_1057 = arith.constant dense<0.000000e+00> : vector<10xf32>
    %reduce_sum3A_1058 = vector.multi_reduction <add>, %dot_general3A_1056, %reduce_sum3A_1057 [0] : vector<1000x10xf32> to vector<10xf32>
    %broadcast_in_dim3A_1059 = vector.shape_cast %reduce_sum3A_1058 : vector<10xf32> to vector<1x10xf32>
    %mul3A_1060 = arith.constant 1.000000e-03 : f32
    %mul3A_1061 = vector.broadcast %mul3A_1060 : f32 to vector<1x10xf32>
    %mul3A_1062 = arith.mulf %broadcast_in_dim3A_1059, %mul3A_1061 : vector<1x10xf32>
    %add3A_1063 = arith.addf %broadcast_in_dim3A_813, %mul3A_1062 : vector<1x10xf32>
    %mul3A_1064 = arith.mulf %dot_general3A_655, %mul3A_993 : vector<1000x80xf32>
    %dot_general3A_1065 = arith.constant dense<0.000000e+00> : vector<1000x10xf32>
    %dot_general3A_1066 = tpu.matmul %mul3A_1064, %select_n3A_81, %dot_general3A_1065 {dimension_numbers = #tpu.dot_dimension_numbers<[1], [0], [0], [1], [0, 0, 1, 1], [], []>, transpose_lhs_hint = false} : vector<1000x80xf32>, vector<80x10xf32>, vector<1000x10xf32> -> vector<1000x10xf32>
    %reduce_sum3A_1067 = arith.constant dense<0.000000e+00> : vector<10xf32>
    %reduce_sum3A_1068 = vector.multi_reduction <add>, %dot_general3A_1066, %reduce_sum3A_1067 [0] : vector<1000x10xf32> to vector<10xf32>
    %broadcast_in_dim3A_1069 = vector.shape_cast %reduce_sum3A_1068 : vector<10xf32> to vector<1x10xf32>
    %mul3A_1070 = arith.constant 1.000000e-03 : f32
    %mul3A_1071 = vector.broadcast %mul3A_1070 : f32 to vector<1x10xf32>
    %mul3A_1072 = arith.mulf %broadcast_in_dim3A_1069, %mul3A_1071 : vector<1x10xf32>
    %add3A_1073 = arith.addf %broadcast_in_dim3A_815, %mul3A_1072 : vector<1x10xf32>
    %mul3A_1074 = arith.mulf %dot_general3A_727, %mul3A_993 : vector<1000x80xf32>
    %dot_general3A_1075 = arith.constant dense<0.000000e+00> : vector<1000x10xf32>
    %dot_general3A_1076 = tpu.matmul %mul3A_1074, %select_n3A_81, %dot_general3A_1075 {dimension_numbers = #tpu.dot_dimension_numbers<[1], [0], [0], [1], [0, 0, 1, 1], [], []>, transpose_lhs_hint = false} : vector<1000x80xf32>, vector<80x10xf32>, vector<1000x10xf32> -> vector<1000x10xf32>
    %reduce_sum3A_1077 = arith.constant dense<0.000000e+00> : vector<10xf32>
    %reduce_sum3A_1078 = vector.multi_reduction <add>, %dot_general3A_1076, %reduce_sum3A_1077 [0] : vector<1000x10xf32> to vector<10xf32>
    %broadcast_in_dim3A_1079 = vector.shape_cast %reduce_sum3A_1078 : vector<10xf32> to vector<1x10xf32>
    %mul3A_1080 = arith.constant 1.000000e-03 : f32
    %mul3A_1081 = vector.broadcast %mul3A_1080 : f32 to vector<1x10xf32>
    %mul3A_1082 = arith.mulf %broadcast_in_dim3A_1079, %mul3A_1081 : vector<1x10xf32>
    %add3A_1083 = arith.addf %broadcast_in_dim3A_817, %mul3A_1082 : vector<1x10xf32>
    %mul3A_1084 = arith.mulf %dot_general3A_799, %mul3A_993 : vector<1000x80xf32>
    %dot_general3A_1085 = arith.constant dense<0.000000e+00> : vector<1000x10xf32>
    %dot_general3A_1086 = tpu.matmul %mul3A_1084, %select_n3A_81, %dot_general3A_1085 {dimension_numbers = #tpu.dot_dimension_numbers<[1], [0], [0], [1], [0, 0, 1, 1], [], []>, transpose_lhs_hint = false} : vector<1000x80xf32>, vector<80x10xf32>, vector<1000x10xf32> -> vector<1000x10xf32>
    %reduce_sum3A_1087 = arith.constant dense<0.000000e+00> : vector<10xf32>
    %reduce_sum3A_1088 = vector.multi_reduction <add>, %dot_general3A_1086, %reduce_sum3A_1087 [0] : vector<1000x10xf32> to vector<10xf32>
    %broadcast_in_dim3A_1089 = vector.shape_cast %reduce_sum3A_1088 : vector<10xf32> to vector<1x10xf32>
    %mul3A_1090 = arith.constant 1.000000e-03 : f32
    %mul3A_1091 = vector.broadcast %mul3A_1090 : f32 to vector<1x10xf32>
    %mul3A_1092 = arith.mulf %broadcast_in_dim3A_1089, %mul3A_1091 : vector<1x10xf32>
    %add3A_1093 = arith.addf %broadcast_in_dim3A_819, %mul3A_1092 : vector<1x10xf32>
    %broadcast_in_dim3A_1094 = arith.constant 0.000000e+00 : f32
    %broadcast_in_dim3A_1095 = vector.broadcast %broadcast_in_dim3A_1094 : f32 to vector<1000x80xf32>
    %reduce_max3A_1096 = arith.constant dense<0xFF800000> : vector<1xf32>
    %reduce_max3A_1097 = vector.multi_reduction <maximumf>, %add3A_1003, %reduce_max3A_1096 [1] : vector<1x10xf32> to vector<1xf32>
    %broadcast_in_dim3A_1098 = vector.shape_cast %reduce_max3A_1097 : vector<1xf32> to vector<1x1xf32>
    %sub3A_1099 = vector.broadcast %broadcast_in_dim3A_1098 : vector<1x1xf32> to vector<1x10xf32>
    %sub3A_1100 = arith.subf %add3A_1003, %sub3A_1099 : vector<1x10xf32>
    %exp3A_1101 = math.exp %sub3A_1100 : vector<1x10xf32>
    %reduce_sum3A_1102 = arith.constant dense<0.000000e+00> : vector<1xf32>
    %reduce_sum3A_1103 = vector.multi_reduction <add>, %exp3A_1101, %reduce_sum3A_1102 [1] : vector<1x10xf32> to vector<1xf32>
    %broadcast_in_dim3A_1104 = vector.shape_cast %reduce_sum3A_1103 : vector<1xf32> to vector<1x1xf32>
    %div3A_1105 = vector.broadcast %broadcast_in_dim3A_1104 : vector<1x1xf32> to vector<1x10xf32>
    %div3A_1106 = arith.divf %exp3A_1101, %div3A_1105 : vector<1x10xf32>
    %dot_general3A_1107 = arith.constant dense<0.000000e+00> : vector<1x80xf32>
    %dot_general3A_1108 = tpu.matmul %div3A_1106, %select_n3A_42, %dot_general3A_1107 {dimension_numbers = #tpu.dot_dimension_numbers<[1], [0], [0], [1], [0, 0, 1, 1], [], []>, transpose_lhs_hint = false} : vector<1x10xf32>, vector<10x80xf32>, vector<1x80xf32> -> vector<1x80xf32>
    %mul3A_1109 = vector.broadcast %dot_general3A_1108 : vector<1x80xf32> to vector<1000x80xf32>
    %mul3A_1110 = arith.mulf %dot_general3A_151, %mul3A_1109 : vector<1000x80xf32>
    %add3A_1111 = arith.addf %broadcast_in_dim3A_1095, %mul3A_1110 : vector<1000x80xf32>
    %reduce_max3A_1112 = arith.constant dense<0xFF800000> : vector<1xf32>
    %reduce_max3A_1113 = vector.multi_reduction <maximumf>, %add3A_1013, %reduce_max3A_1112 [1] : vector<1x10xf32> to vector<1xf32>
    %broadcast_in_dim3A_1114 = vector.shape_cast %reduce_max3A_1113 : vector<1xf32> to vector<1x1xf32>
    %sub3A_1115 = vector.broadcast %broadcast_in_dim3A_1114 : vector<1x1xf32> to vector<1x10xf32>
    %sub3A_1116 = arith.subf %add3A_1013, %sub3A_1115 : vector<1x10xf32>
    %exp3A_1117 = math.exp %sub3A_1116 : vector<1x10xf32>
    %reduce_sum3A_1118 = arith.constant dense<0.000000e+00> : vector<1xf32>
    %reduce_sum3A_1119 = vector.multi_reduction <add>, %exp3A_1117, %reduce_sum3A_1118 [1] : vector<1x10xf32> to vector<1xf32>
    %broadcast_in_dim3A_1120 = vector.shape_cast %reduce_sum3A_1119 : vector<1xf32> to vector<1x1xf32>
    %div3A_1121 = vector.broadcast %broadcast_in_dim3A_1120 : vector<1x1xf32> to vector<1x10xf32>
    %div3A_1122 = arith.divf %exp3A_1117, %div3A_1121 : vector<1x10xf32>
    %dot_general3A_1123 = arith.constant dense<0.000000e+00> : vector<1x80xf32>
    %dot_general3A_1124 = tpu.matmul %div3A_1122, %select_n3A_42, %dot_general3A_1123 {dimension_numbers = #tpu.dot_dimension_numbers<[1], [0], [0], [1], [0, 0, 1, 1], [], []>, transpose_lhs_hint = false} : vector<1x10xf32>, vector<10x80xf32>, vector<1x80xf32> -> vector<1x80xf32>
    %mul3A_1125 = vector.broadcast %dot_general3A_1124 : vector<1x80xf32> to vector<1000x80xf32>
    %mul3A_1126 = arith.mulf %dot_general3A_223, %mul3A_1125 : vector<1000x80xf32>
    %add3A_1127 = arith.addf %add3A_1111, %mul3A_1126 : vector<1000x80xf32>
    %reduce_max3A_1128 = arith.constant dense<0xFF800000> : vector<1xf32>
    %reduce_max3A_1129 = vector.multi_reduction <maximumf>, %add3A_1023, %reduce_max3A_1128 [1] : vector<1x10xf32> to vector<1xf32>
    %broadcast_in_dim3A_1130 = vector.shape_cast %reduce_max3A_1129 : vector<1xf32> to vector<1x1xf32>
    %sub3A_1131 = vector.broadcast %broadcast_in_dim3A_1130 : vector<1x1xf32> to vector<1x10xf32>
    %sub3A_1132 = arith.subf %add3A_1023, %sub3A_1131 : vector<1x10xf32>
    %exp3A_1133 = math.exp %sub3A_1132 : vector<1x10xf32>
    %reduce_sum3A_1134 = arith.constant dense<0.000000e+00> : vector<1xf32>
    %reduce_sum3A_1135 = vector.multi_reduction <add>, %exp3A_1133, %reduce_sum3A_1134 [1] : vector<1x10xf32> to vector<1xf32>
    %broadcast_in_dim3A_1136 = vector.shape_cast %reduce_sum3A_1135 : vector<1xf32> to vector<1x1xf32>
    %div3A_1137 = vector.broadcast %broadcast_in_dim3A_1136 : vector<1x1xf32> to vector<1x10xf32>
    %div3A_1138 = arith.divf %exp3A_1133, %div3A_1137 : vector<1x10xf32>
    %dot_general3A_1139 = arith.constant dense<0.000000e+00> : vector<1x80xf32>
    %dot_general3A_1140 = tpu.matmul %div3A_1138, %select_n3A_42, %dot_general3A_1139 {dimension_numbers = #tpu.dot_dimension_numbers<[1], [0], [0], [1], [0, 0, 1, 1], [], []>, transpose_lhs_hint = false} : vector<1x10xf32>, vector<10x80xf32>, vector<1x80xf32> -> vector<1x80xf32>
    %mul3A_1141 = vector.broadcast %dot_general3A_1140 : vector<1x80xf32> to vector<1000x80xf32>
    %mul3A_1142 = arith.mulf %dot_general3A_295, %mul3A_1141 : vector<1000x80xf32>
    %add3A_1143 = arith.addf %add3A_1127, %mul3A_1142 : vector<1000x80xf32>
    %reduce_max3A_1144 = arith.constant dense<0xFF800000> : vector<1xf32>
    %reduce_max3A_1145 = vector.multi_reduction <maximumf>, %add3A_1033, %reduce_max3A_1144 [1] : vector<1x10xf32> to vector<1xf32>
    %broadcast_in_dim3A_1146 = vector.shape_cast %reduce_max3A_1145 : vector<1xf32> to vector<1x1xf32>
    %sub3A_1147 = vector.broadcast %broadcast_in_dim3A_1146 : vector<1x1xf32> to vector<1x10xf32>
    %sub3A_1148 = arith.subf %add3A_1033, %sub3A_1147 : vector<1x10xf32>
    %exp3A_1149 = math.exp %sub3A_1148 : vector<1x10xf32>
    %reduce_sum3A_1150 = arith.constant dense<0.000000e+00> : vector<1xf32>
    %reduce_sum3A_1151 = vector.multi_reduction <add>, %exp3A_1149, %reduce_sum3A_1150 [1] : vector<1x10xf32> to vector<1xf32>
    %broadcast_in_dim3A_1152 = vector.shape_cast %reduce_sum3A_1151 : vector<1xf32> to vector<1x1xf32>
    %div3A_1153 = vector.broadcast %broadcast_in_dim3A_1152 : vector<1x1xf32> to vector<1x10xf32>
    %div3A_1154 = arith.divf %exp3A_1149, %div3A_1153 : vector<1x10xf32>
    %dot_general3A_1155 = arith.constant dense<0.000000e+00> : vector<1x80xf32>
    %dot_general3A_1156 = tpu.matmul %div3A_1154, %select_n3A_42, %dot_general3A_1155 {dimension_numbers = #tpu.dot_dimension_numbers<[1], [0], [0], [1], [0, 0, 1, 1], [], []>, transpose_lhs_hint = false} : vector<1x10xf32>, vector<10x80xf32>, vector<1x80xf32> -> vector<1x80xf32>
    %mul3A_1157 = vector.broadcast %dot_general3A_1156 : vector<1x80xf32> to vector<1000x80xf32>
    %mul3A_1158 = arith.mulf %dot_general3A_367, %mul3A_1157 : vector<1000x80xf32>
    %add3A_1159 = arith.addf %add3A_1143, %mul3A_1158 : vector<1000x80xf32>
    %reduce_max3A_1160 = arith.constant dense<0xFF800000> : vector<1xf32>
    %reduce_max3A_1161 = vector.multi_reduction <maximumf>, %add3A_1043, %reduce_max3A_1160 [1] : vector<1x10xf32> to vector<1xf32>
    %broadcast_in_dim3A_1162 = vector.shape_cast %reduce_max3A_1161 : vector<1xf32> to vector<1x1xf32>
    %sub3A_1163 = vector.broadcast %broadcast_in_dim3A_1162 : vector<1x1xf32> to vector<1x10xf32>
    %sub3A_1164 = arith.subf %add3A_1043, %sub3A_1163 : vector<1x10xf32>
    %exp3A_1165 = math.exp %sub3A_1164 : vector<1x10xf32>
    %reduce_sum3A_1166 = arith.constant dense<0.000000e+00> : vector<1xf32>
    %reduce_sum3A_1167 = vector.multi_reduction <add>, %exp3A_1165, %reduce_sum3A_1166 [1] : vector<1x10xf32> to vector<1xf32>
    %broadcast_in_dim3A_1168 = vector.shape_cast %reduce_sum3A_1167 : vector<1xf32> to vector<1x1xf32>
    %div3A_1169 = vector.broadcast %broadcast_in_dim3A_1168 : vector<1x1xf32> to vector<1x10xf32>
    %div3A_1170 = arith.divf %exp3A_1165, %div3A_1169 : vector<1x10xf32>
    %dot_general3A_1171 = arith.constant dense<0.000000e+00> : vector<1x80xf32>
    %dot_general3A_1172 = tpu.matmul %div3A_1170, %select_n3A_42, %dot_general3A_1171 {dimension_numbers = #tpu.dot_dimension_numbers<[1], [0], [0], [1], [0, 0, 1, 1], [], []>, transpose_lhs_hint = false} : vector<1x10xf32>, vector<10x80xf32>, vector<1x80xf32> -> vector<1x80xf32>
    %mul3A_1173 = vector.broadcast %dot_general3A_1172 : vector<1x80xf32> to vector<1000x80xf32>
    %mul3A_1174 = arith.mulf %dot_general3A_439, %mul3A_1173 : vector<1000x80xf32>
    %add3A_1175 = arith.addf %add3A_1159, %mul3A_1174 : vector<1000x80xf32>
    %reduce_max3A_1176 = arith.constant dense<0xFF800000> : vector<1xf32>
    %reduce_max3A_1177 = vector.multi_reduction <maximumf>, %add3A_1053, %reduce_max3A_1176 [1] : vector<1x10xf32> to vector<1xf32>
    %broadcast_in_dim3A_1178 = vector.shape_cast %reduce_max3A_1177 : vector<1xf32> to vector<1x1xf32>
    %sub3A_1179 = vector.broadcast %broadcast_in_dim3A_1178 : vector<1x1xf32> to vector<1x10xf32>
    %sub3A_1180 = arith.subf %add3A_1053, %sub3A_1179 : vector<1x10xf32>
    %exp3A_1181 = math.exp %sub3A_1180 : vector<1x10xf32>
    %reduce_sum3A_1182 = arith.constant dense<0.000000e+00> : vector<1xf32>
    %reduce_sum3A_1183 = vector.multi_reduction <add>, %exp3A_1181, %reduce_sum3A_1182 [1] : vector<1x10xf32> to vector<1xf32>
    %broadcast_in_dim3A_1184 = vector.shape_cast %reduce_sum3A_1183 : vector<1xf32> to vector<1x1xf32>
    %div3A_1185 = vector.broadcast %broadcast_in_dim3A_1184 : vector<1x1xf32> to vector<1x10xf32>
    %div3A_1186 = arith.divf %exp3A_1181, %div3A_1185 : vector<1x10xf32>
    %dot_general3A_1187 = arith.constant dense<0.000000e+00> : vector<1x80xf32>
    %dot_general3A_1188 = tpu.matmul %div3A_1186, %select_n3A_42, %dot_general3A_1187 {dimension_numbers = #tpu.dot_dimension_numbers<[1], [0], [0], [1], [0, 0, 1, 1], [], []>, transpose_lhs_hint = false} : vector<1x10xf32>, vector<10x80xf32>, vector<1x80xf32> -> vector<1x80xf32>
    %mul3A_1189 = vector.broadcast %dot_general3A_1188 : vector<1x80xf32> to vector<1000x80xf32>
    %mul3A_1190 = arith.mulf %dot_general3A_511, %mul3A_1189 : vector<1000x80xf32>
    %add3A_1191 = arith.addf %add3A_1175, %mul3A_1190 : vector<1000x80xf32>
    %reduce_max3A_1192 = arith.constant dense<0xFF800000> : vector<1xf32>
    %reduce_max3A_1193 = vector.multi_reduction <maximumf>, %add3A_1063, %reduce_max3A_1192 [1] : vector<1x10xf32> to vector<1xf32>
    %broadcast_in_dim3A_1194 = vector.shape_cast %reduce_max3A_1193 : vector<1xf32> to vector<1x1xf32>
    %sub3A_1195 = vector.broadcast %broadcast_in_dim3A_1194 : vector<1x1xf32> to vector<1x10xf32>
    %sub3A_1196 = arith.subf %add3A_1063, %sub3A_1195 : vector<1x10xf32>
    %exp3A_1197 = math.exp %sub3A_1196 : vector<1x10xf32>
    %reduce_sum3A_1198 = arith.constant dense<0.000000e+00> : vector<1xf32>
    %reduce_sum3A_1199 = vector.multi_reduction <add>, %exp3A_1197, %reduce_sum3A_1198 [1] : vector<1x10xf32> to vector<1xf32>
    %broadcast_in_dim3A_1200 = vector.shape_cast %reduce_sum3A_1199 : vector<1xf32> to vector<1x1xf32>
    %div3A_1201 = vector.broadcast %broadcast_in_dim3A_1200 : vector<1x1xf32> to vector<1x10xf32>
    %div3A_1202 = arith.divf %exp3A_1197, %div3A_1201 : vector<1x10xf32>
    %dot_general3A_1203 = arith.constant dense<0.000000e+00> : vector<1x80xf32>
    %dot_general3A_1204 = tpu.matmul %div3A_1202, %select_n3A_42, %dot_general3A_1203 {dimension_numbers = #tpu.dot_dimension_numbers<[1], [0], [0], [1], [0, 0, 1, 1], [], []>, transpose_lhs_hint = false} : vector<1x10xf32>, vector<10x80xf32>, vector<1x80xf32> -> vector<1x80xf32>
    %mul3A_1205 = vector.broadcast %dot_general3A_1204 : vector<1x80xf32> to vector<1000x80xf32>
    %mul3A_1206 = arith.mulf %dot_general3A_583, %mul3A_1205 : vector<1000x80xf32>
    %add3A_1207 = arith.addf %add3A_1191, %mul3A_1206 : vector<1000x80xf32>
    %reduce_max3A_1208 = arith.constant dense<0xFF800000> : vector<1xf32>
    %reduce_max3A_1209 = vector.multi_reduction <maximumf>, %add3A_1073, %reduce_max3A_1208 [1] : vector<1x10xf32> to vector<1xf32>
    %broadcast_in_dim3A_1210 = vector.shape_cast %reduce_max3A_1209 : vector<1xf32> to vector<1x1xf32>
    %sub3A_1211 = vector.broadcast %broadcast_in_dim3A_1210 : vector<1x1xf32> to vector<1x10xf32>
    %sub3A_1212 = arith.subf %add3A_1073, %sub3A_1211 : vector<1x10xf32>
    %exp3A_1213 = math.exp %sub3A_1212 : vector<1x10xf32>
    %reduce_sum3A_1214 = arith.constant dense<0.000000e+00> : vector<1xf32>
    %reduce_sum3A_1215 = vector.multi_reduction <add>, %exp3A_1213, %reduce_sum3A_1214 [1] : vector<1x10xf32> to vector<1xf32>
    %broadcast_in_dim3A_1216 = vector.shape_cast %reduce_sum3A_1215 : vector<1xf32> to vector<1x1xf32>
    %div3A_1217 = vector.broadcast %broadcast_in_dim3A_1216 : vector<1x1xf32> to vector<1x10xf32>
    %div3A_1218 = arith.divf %exp3A_1213, %div3A_1217 : vector<1x10xf32>
    %dot_general3A_1219 = arith.constant dense<0.000000e+00> : vector<1x80xf32>
    %dot_general3A_1220 = tpu.matmul %div3A_1218, %select_n3A_42, %dot_general3A_1219 {dimension_numbers = #tpu.dot_dimension_numbers<[1], [0], [0], [1], [0, 0, 1, 1], [], []>, transpose_lhs_hint = false} : vector<1x10xf32>, vector<10x80xf32>, vector<1x80xf32> -> vector<1x80xf32>
    %mul3A_1221 = vector.broadcast %dot_general3A_1220 : vector<1x80xf32> to vector<1000x80xf32>
    %mul3A_1222 = arith.mulf %dot_general3A_655, %mul3A_1221 : vector<1000x80xf32>
    %add3A_1223 = arith.addf %add3A_1207, %mul3A_1222 : vector<1000x80xf32>
    %reduce_max3A_1224 = arith.constant dense<0xFF800000> : vector<1xf32>
    %reduce_max3A_1225 = vector.multi_reduction <maximumf>, %add3A_1083, %reduce_max3A_1224 [1] : vector<1x10xf32> to vector<1xf32>
    %broadcast_in_dim3A_1226 = vector.shape_cast %reduce_max3A_1225 : vector<1xf32> to vector<1x1xf32>
    %sub3A_1227 = vector.broadcast %broadcast_in_dim3A_1226 : vector<1x1xf32> to vector<1x10xf32>
    %sub3A_1228 = arith.subf %add3A_1083, %sub3A_1227 : vector<1x10xf32>
    %exp3A_1229 = math.exp %sub3A_1228 : vector<1x10xf32>
    %reduce_sum3A_1230 = arith.constant dense<0.000000e+00> : vector<1xf32>
    %reduce_sum3A_1231 = vector.multi_reduction <add>, %exp3A_1229, %reduce_sum3A_1230 [1] : vector<1x10xf32> to vector<1xf32>
    %broadcast_in_dim3A_1232 = vector.shape_cast %reduce_sum3A_1231 : vector<1xf32> to vector<1x1xf32>
    %div3A_1233 = vector.broadcast %broadcast_in_dim3A_1232 : vector<1x1xf32> to vector<1x10xf32>
    %div3A_1234 = arith.divf %exp3A_1229, %div3A_1233 : vector<1x10xf32>
    %dot_general3A_1235 = arith.constant dense<0.000000e+00> : vector<1x80xf32>
    %dot_general3A_1236 = tpu.matmul %div3A_1234, %select_n3A_42, %dot_general3A_1235 {dimension_numbers = #tpu.dot_dimension_numbers<[1], [0], [0], [1], [0, 0, 1, 1], [], []>, transpose_lhs_hint = false} : vector<1x10xf32>, vector<10x80xf32>, vector<1x80xf32> -> vector<1x80xf32>
    %mul3A_1237 = vector.broadcast %dot_general3A_1236 : vector<1x80xf32> to vector<1000x80xf32>
    %mul3A_1238 = arith.mulf %dot_general3A_727, %mul3A_1237 : vector<1000x80xf32>
    %add3A_1239 = arith.addf %add3A_1223, %mul3A_1238 : vector<1000x80xf32>
    %reduce_max3A_1240 = arith.constant dense<0xFF800000> : vector<1xf32>
    %reduce_max3A_1241 = vector.multi_reduction <maximumf>, %add3A_1093, %reduce_max3A_1240 [1] : vector<1x10xf32> to vector<1xf32>
    %broadcast_in_dim3A_1242 = vector.shape_cast %reduce_max3A_1241 : vector<1xf32> to vector<1x1xf32>
    %sub3A_1243 = vector.broadcast %broadcast_in_dim3A_1242 : vector<1x1xf32> to vector<1x10xf32>
    %sub3A_1244 = arith.subf %add3A_1093, %sub3A_1243 : vector<1x10xf32>
    %exp3A_1245 = math.exp %sub3A_1244 : vector<1x10xf32>
    %reduce_sum3A_1246 = arith.constant dense<0.000000e+00> : vector<1xf32>
    %reduce_sum3A_1247 = vector.multi_reduction <add>, %exp3A_1245, %reduce_sum3A_1246 [1] : vector<1x10xf32> to vector<1xf32>
    %broadcast_in_dim3A_1248 = vector.shape_cast %reduce_sum3A_1247 : vector<1xf32> to vector<1x1xf32>
    %div3A_1249 = vector.broadcast %broadcast_in_dim3A_1248 : vector<1x1xf32> to vector<1x10xf32>
    %div3A_1250 = arith.divf %exp3A_1245, %div3A_1249 : vector<1x10xf32>
    %dot_general3A_1251 = arith.constant dense<0.000000e+00> : vector<1x80xf32>
    %dot_general3A_1252 = tpu.matmul %div3A_1250, %select_n3A_42, %dot_general3A_1251 {dimension_numbers = #tpu.dot_dimension_numbers<[1], [0], [0], [1], [0, 0, 1, 1], [], []>, transpose_lhs_hint = false} : vector<1x10xf32>, vector<10x80xf32>, vector<1x80xf32> -> vector<1x80xf32>
    %mul3A_1253 = vector.broadcast %dot_general3A_1252 : vector<1x80xf32> to vector<1000x80xf32>
    %mul3A_1254 = arith.mulf %dot_general3A_799, %mul3A_1253 : vector<1000x80xf32>
    %add3A_1255 = arith.addf %add3A_1239, %mul3A_1254 : vector<1000x80xf32>
    %mul3A_1256 = arith.mulf %add3A_1255, %add3A_1255 : vector<1000x80xf32>
    %dot_general3A_1257 = arith.constant dense<0.000000e+00> : vector<1000x10xf32>
    %dot_general3A_1258 = tpu.matmul %mul3A_1256, %select_n3A_81, %dot_general3A_1257 {dimension_numbers = #tpu.dot_dimension_numbers<[1], [0], [0], [1], [0, 0, 1, 1], [], []>, transpose_lhs_hint = false} : vector<1000x80xf32>, vector<80x10xf32>, vector<1000x10xf32> -> vector<1000x10xf32>
    %add3A_1259 = arith.constant 1.000000e+00 : f32
    %add3A_1260 = vector.broadcast %add3A_1259 : f32 to vector<1000x10xf32>
    %add3A_1261 = arith.addf %add3A_1260, %dot_general3A_1258 : vector<1000x10xf32>
    %div3A_1262 = arith.divf %dot_general3A_1258, %add3A_1261 : vector<1000x10xf32>
    %add3A_1263 = arith.constant 9.99999996E-13 : f32
    %add3A_1264 = vector.broadcast %add3A_1263 : f32 to vector<1000x10xf32>
    %add3A_1265 = arith.addf %dot_general3A_1258, %add3A_1264 : vector<1000x10xf32>
    %rsqrt3A_1266 = math.rsqrt %add3A_1265 : vector<1000x10xf32>
    %mul3A_1267 = arith.mulf %div3A_1262, %rsqrt3A_1266 : vector<1000x10xf32>
    %dot_general3A_1268 = arith.constant dense<0.000000e+00> : vector<1000x80xf32>
    %dot_general3A_1269 = tpu.matmul %mul3A_1267, %select_n3A_42, %dot_general3A_1268 {dimension_numbers = #tpu.dot_dimension_numbers<[1], [0], [0], [1], [0, 0, 1, 1], [], []>, transpose_lhs_hint = false} : vector<1000x10xf32>, vector<10x80xf32>, vector<1000x80xf32> -> vector<1000x80xf32>
    %mul3A_1270 = arith.mulf %add3A_1255, %dot_general3A_1269 : vector<1000x80xf32>
    %mul3A_1271 = arith.mulf %dot_general3A_151, %mul3A_1270 : vector<1000x80xf32>
    %dot_general3A_1272 = arith.constant dense<0.000000e+00> : vector<1000x10xf32>
    %dot_general3A_1273 = tpu.matmul %mul3A_1271, %select_n3A_81, %dot_general3A_1272 {dimension_numbers = #tpu.dot_dimension_numbers<[1], [0], [0], [1], [0, 0, 1, 1], [], []>, transpose_lhs_hint = false} : vector<1000x80xf32>, vector<80x10xf32>, vector<1000x10xf32> -> vector<1000x10xf32>
    %reduce_sum3A_1274 = arith.constant dense<0.000000e+00> : vector<10xf32>
    %reduce_sum3A_1275 = vector.multi_reduction <add>, %dot_general3A_1273, %reduce_sum3A_1274 [0] : vector<1000x10xf32> to vector<10xf32>
    %broadcast_in_dim3A_1276 = vector.shape_cast %reduce_sum3A_1275 : vector<10xf32> to vector<1x10xf32>
    %mul3A_1277 = arith.constant 1.000000e-03 : f32
    %mul3A_1278 = vector.broadcast %mul3A_1277 : f32 to vector<1x10xf32>
    %mul3A_1279 = arith.mulf %broadcast_in_dim3A_1276, %mul3A_1278 : vector<1x10xf32>
    %add3A_1280 = arith.addf %add3A_1003, %mul3A_1279 : vector<1x10xf32>
    %mul3A_1281 = arith.mulf %dot_general3A_223, %mul3A_1270 : vector<1000x80xf32>
    %dot_general3A_1282 = arith.constant dense<0.000000e+00> : vector<1000x10xf32>
    %dot_general3A_1283 = tpu.matmul %mul3A_1281, %select_n3A_81, %dot_general3A_1282 {dimension_numbers = #tpu.dot_dimension_numbers<[1], [0], [0], [1], [0, 0, 1, 1], [], []>, transpose_lhs_hint = false} : vector<1000x80xf32>, vector<80x10xf32>, vector<1000x10xf32> -> vector<1000x10xf32>
    %reduce_sum3A_1284 = arith.constant dense<0.000000e+00> : vector<10xf32>
    %reduce_sum3A_1285 = vector.multi_reduction <add>, %dot_general3A_1283, %reduce_sum3A_1284 [0] : vector<1000x10xf32> to vector<10xf32>
    %broadcast_in_dim3A_1286 = vector.shape_cast %reduce_sum3A_1285 : vector<10xf32> to vector<1x10xf32>
    %mul3A_1287 = arith.constant 1.000000e-03 : f32
    %mul3A_1288 = vector.broadcast %mul3A_1287 : f32 to vector<1x10xf32>
    %mul3A_1289 = arith.mulf %broadcast_in_dim3A_1286, %mul3A_1288 : vector<1x10xf32>
    %add3A_1290 = arith.addf %add3A_1013, %mul3A_1289 : vector<1x10xf32>
    %mul3A_1291 = arith.mulf %dot_general3A_295, %mul3A_1270 : vector<1000x80xf32>
    %dot_general3A_1292 = arith.constant dense<0.000000e+00> : vector<1000x10xf32>
    %dot_general3A_1293 = tpu.matmul %mul3A_1291, %select_n3A_81, %dot_general3A_1292 {dimension_numbers = #tpu.dot_dimension_numbers<[1], [0], [0], [1], [0, 0, 1, 1], [], []>, transpose_lhs_hint = false} : vector<1000x80xf32>, vector<80x10xf32>, vector<1000x10xf32> -> vector<1000x10xf32>
    %reduce_sum3A_1294 = arith.constant dense<0.000000e+00> : vector<10xf32>
    %reduce_sum3A_1295 = vector.multi_reduction <add>, %dot_general3A_1293, %reduce_sum3A_1294 [0] : vector<1000x10xf32> to vector<10xf32>
    %broadcast_in_dim3A_1296 = vector.shape_cast %reduce_sum3A_1295 : vector<10xf32> to vector<1x10xf32>
    %mul3A_1297 = arith.constant 1.000000e-03 : f32
    %mul3A_1298 = vector.broadcast %mul3A_1297 : f32 to vector<1x10xf32>
    %mul3A_1299 = arith.mulf %broadcast_in_dim3A_1296, %mul3A_1298 : vector<1x10xf32>
    %add3A_1300 = arith.addf %add3A_1023, %mul3A_1299 : vector<1x10xf32>
    %mul3A_1301 = arith.mulf %dot_general3A_367, %mul3A_1270 : vector<1000x80xf32>
    %dot_general3A_1302 = arith.constant dense<0.000000e+00> : vector<1000x10xf32>
    %dot_general3A_1303 = tpu.matmul %mul3A_1301, %select_n3A_81, %dot_general3A_1302 {dimension_numbers = #tpu.dot_dimension_numbers<[1], [0], [0], [1], [0, 0, 1, 1], [], []>, transpose_lhs_hint = false} : vector<1000x80xf32>, vector<80x10xf32>, vector<1000x10xf32> -> vector<1000x10xf32>
    %reduce_sum3A_1304 = arith.constant dense<0.000000e+00> : vector<10xf32>
    %reduce_sum3A_1305 = vector.multi_reduction <add>, %dot_general3A_1303, %reduce_sum3A_1304 [0] : vector<1000x10xf32> to vector<10xf32>
    %broadcast_in_dim3A_1306 = vector.shape_cast %reduce_sum3A_1305 : vector<10xf32> to vector<1x10xf32>
    %mul3A_1307 = arith.constant 1.000000e-03 : f32
    %mul3A_1308 = vector.broadcast %mul3A_1307 : f32 to vector<1x10xf32>
    %mul3A_1309 = arith.mulf %broadcast_in_dim3A_1306, %mul3A_1308 : vector<1x10xf32>
    %add3A_1310 = arith.addf %add3A_1033, %mul3A_1309 : vector<1x10xf32>
    %mul3A_1311 = arith.mulf %dot_general3A_439, %mul3A_1270 : vector<1000x80xf32>
    %dot_general3A_1312 = arith.constant dense<0.000000e+00> : vector<1000x10xf32>
    %dot_general3A_1313 = tpu.matmul %mul3A_1311, %select_n3A_81, %dot_general3A_1312 {dimension_numbers = #tpu.dot_dimension_numbers<[1], [0], [0], [1], [0, 0, 1, 1], [], []>, transpose_lhs_hint = false} : vector<1000x80xf32>, vector<80x10xf32>, vector<1000x10xf32> -> vector<1000x10xf32>
    %reduce_sum3A_1314 = arith.constant dense<0.000000e+00> : vector<10xf32>
    %reduce_sum3A_1315 = vector.multi_reduction <add>, %dot_general3A_1313, %reduce_sum3A_1314 [0] : vector<1000x10xf32> to vector<10xf32>
    %broadcast_in_dim3A_1316 = vector.shape_cast %reduce_sum3A_1315 : vector<10xf32> to vector<1x10xf32>
    %mul3A_1317 = arith.constant 1.000000e-03 : f32
    %mul3A_1318 = vector.broadcast %mul3A_1317 : f32 to vector<1x10xf32>
    %mul3A_1319 = arith.mulf %broadcast_in_dim3A_1316, %mul3A_1318 : vector<1x10xf32>
    %add3A_1320 = arith.addf %add3A_1043, %mul3A_1319 : vector<1x10xf32>
    %mul3A_1321 = arith.mulf %dot_general3A_511, %mul3A_1270 : vector<1000x80xf32>
    %dot_general3A_1322 = arith.constant dense<0.000000e+00> : vector<1000x10xf32>
    %dot_general3A_1323 = tpu.matmul %mul3A_1321, %select_n3A_81, %dot_general3A_1322 {dimension_numbers = #tpu.dot_dimension_numbers<[1], [0], [0], [1], [0, 0, 1, 1], [], []>, transpose_lhs_hint = false} : vector<1000x80xf32>, vector<80x10xf32>, vector<1000x10xf32> -> vector<1000x10xf32>
    %reduce_sum3A_1324 = arith.constant dense<0.000000e+00> : vector<10xf32>
    %reduce_sum3A_1325 = vector.multi_reduction <add>, %dot_general3A_1323, %reduce_sum3A_1324 [0] : vector<1000x10xf32> to vector<10xf32>
    %broadcast_in_dim3A_1326 = vector.shape_cast %reduce_sum3A_1325 : vector<10xf32> to vector<1x10xf32>
    %mul3A_1327 = arith.constant 1.000000e-03 : f32
    %mul3A_1328 = vector.broadcast %mul3A_1327 : f32 to vector<1x10xf32>
    %mul3A_1329 = arith.mulf %broadcast_in_dim3A_1326, %mul3A_1328 : vector<1x10xf32>
    %add3A_1330 = arith.addf %add3A_1053, %mul3A_1329 : vector<1x10xf32>
    %mul3A_1331 = arith.mulf %dot_general3A_583, %mul3A_1270 : vector<1000x80xf32>
    %dot_general3A_1332 = arith.constant dense<0.000000e+00> : vector<1000x10xf32>
    %dot_general3A_1333 = tpu.matmul %mul3A_1331, %select_n3A_81, %dot_general3A_1332 {dimension_numbers = #tpu.dot_dimension_numbers<[1], [0], [0], [1], [0, 0, 1, 1], [], []>, transpose_lhs_hint = false} : vector<1000x80xf32>, vector<80x10xf32>, vector<1000x10xf32> -> vector<1000x10xf32>
    %reduce_sum3A_1334 = arith.constant dense<0.000000e+00> : vector<10xf32>
    %reduce_sum3A_1335 = vector.multi_reduction <add>, %dot_general3A_1333, %reduce_sum3A_1334 [0] : vector<1000x10xf32> to vector<10xf32>
    %broadcast_in_dim3A_1336 = vector.shape_cast %reduce_sum3A_1335 : vector<10xf32> to vector<1x10xf32>
    %mul3A_1337 = arith.constant 1.000000e-03 : f32
    %mul3A_1338 = vector.broadcast %mul3A_1337 : f32 to vector<1x10xf32>
    %mul3A_1339 = arith.mulf %broadcast_in_dim3A_1336, %mul3A_1338 : vector<1x10xf32>
    %add3A_1340 = arith.addf %add3A_1063, %mul3A_1339 : vector<1x10xf32>
    %mul3A_1341 = arith.mulf %dot_general3A_655, %mul3A_1270 : vector<1000x80xf32>
    %dot_general3A_1342 = arith.constant dense<0.000000e+00> : vector<1000x10xf32>
    %dot_general3A_1343 = tpu.matmul %mul3A_1341, %select_n3A_81, %dot_general3A_1342 {dimension_numbers = #tpu.dot_dimension_numbers<[1], [0], [0], [1], [0, 0, 1, 1], [], []>, transpose_lhs_hint = false} : vector<1000x80xf32>, vector<80x10xf32>, vector<1000x10xf32> -> vector<1000x10xf32>
    %reduce_sum3A_1344 = arith.constant dense<0.000000e+00> : vector<10xf32>
    %reduce_sum3A_1345 = vector.multi_reduction <add>, %dot_general3A_1343, %reduce_sum3A_1344 [0] : vector<1000x10xf32> to vector<10xf32>
    %broadcast_in_dim3A_1346 = vector.shape_cast %reduce_sum3A_1345 : vector<10xf32> to vector<1x10xf32>
    %mul3A_1347 = arith.constant 1.000000e-03 : f32
    %mul3A_1348 = vector.broadcast %mul3A_1347 : f32 to vector<1x10xf32>
    %mul3A_1349 = arith.mulf %broadcast_in_dim3A_1346, %mul3A_1348 : vector<1x10xf32>
    %add3A_1350 = arith.addf %add3A_1073, %mul3A_1349 : vector<1x10xf32>
    %mul3A_1351 = arith.mulf %dot_general3A_727, %mul3A_1270 : vector<1000x80xf32>
    %dot_general3A_1352 = arith.constant dense<0.000000e+00> : vector<1000x10xf32>
    %dot_general3A_1353 = tpu.matmul %mul3A_1351, %select_n3A_81, %dot_general3A_1352 {dimension_numbers = #tpu.dot_dimension_numbers<[1], [0], [0], [1], [0, 0, 1, 1], [], []>, transpose_lhs_hint = false} : vector<1000x80xf32>, vector<80x10xf32>, vector<1000x10xf32> -> vector<1000x10xf32>
    %reduce_sum3A_1354 = arith.constant dense<0.000000e+00> : vector<10xf32>
    %reduce_sum3A_1355 = vector.multi_reduction <add>, %dot_general3A_1353, %reduce_sum3A_1354 [0] : vector<1000x10xf32> to vector<10xf32>
    %broadcast_in_dim3A_1356 = vector.shape_cast %reduce_sum3A_1355 : vector<10xf32> to vector<1x10xf32>
    %mul3A_1357 = arith.constant 1.000000e-03 : f32
    %mul3A_1358 = vector.broadcast %mul3A_1357 : f32 to vector<1x10xf32>
    %mul3A_1359 = arith.mulf %broadcast_in_dim3A_1356, %mul3A_1358 : vector<1x10xf32>
    %add3A_1360 = arith.addf %add3A_1083, %mul3A_1359 : vector<1x10xf32>
    %mul3A_1361 = arith.mulf %dot_general3A_799, %mul3A_1270 : vector<1000x80xf32>
    %dot_general3A_1362 = arith.constant dense<0.000000e+00> : vector<1000x10xf32>
    %dot_general3A_1363 = tpu.matmul %mul3A_1361, %select_n3A_81, %dot_general3A_1362 {dimension_numbers = #tpu.dot_dimension_numbers<[1], [0], [0], [1], [0, 0, 1, 1], [], []>, transpose_lhs_hint = false} : vector<1000x80xf32>, vector<80x10xf32>, vector<1000x10xf32> -> vector<1000x10xf32>
    %reduce_sum3A_1364 = arith.constant dense<0.000000e+00> : vector<10xf32>
    %reduce_sum3A_1365 = vector.multi_reduction <add>, %dot_general3A_1363, %reduce_sum3A_1364 [0] : vector<1000x10xf32> to vector<10xf32>
    %broadcast_in_dim3A_1366 = vector.shape_cast %reduce_sum3A_1365 : vector<10xf32> to vector<1x10xf32>
    %mul3A_1367 = arith.constant 1.000000e-03 : f32
    %mul3A_1368 = vector.broadcast %mul3A_1367 : f32 to vector<1x10xf32>
    %mul3A_1369 = arith.mulf %broadcast_in_dim3A_1366, %mul3A_1368 : vector<1x10xf32>
    %add3A_1370 = arith.addf %add3A_1093, %mul3A_1369 : vector<1x10xf32>
    %broadcast_in_dim3A_1371 = arith.constant 0.000000e+00 : f32
    %broadcast_in_dim3A_1372 = vector.broadcast %broadcast_in_dim3A_1371 : f32 to vector<1000x80xf32>
    %reduce_max3A_1373 = arith.constant dense<0xFF800000> : vector<1xf32>
    %reduce_max3A_1374 = vector.multi_reduction <maximumf>, %add3A_1280, %reduce_max3A_1373 [1] : vector<1x10xf32> to vector<1xf32>
    %broadcast_in_dim3A_1375 = vector.shape_cast %reduce_max3A_1374 : vector<1xf32> to vector<1x1xf32>
    %sub3A_1376 = vector.broadcast %broadcast_in_dim3A_1375 : vector<1x1xf32> to vector<1x10xf32>
    %sub3A_1377 = arith.subf %add3A_1280, %sub3A_1376 : vector<1x10xf32>
    %exp3A_1378 = math.exp %sub3A_1377 : vector<1x10xf32>
    %reduce_sum3A_1379 = arith.constant dense<0.000000e+00> : vector<1xf32>
    %reduce_sum3A_1380 = vector.multi_reduction <add>, %exp3A_1378, %reduce_sum3A_1379 [1] : vector<1x10xf32> to vector<1xf32>
    %broadcast_in_dim3A_1381 = vector.shape_cast %reduce_sum3A_1380 : vector<1xf32> to vector<1x1xf32>
    %div3A_1382 = vector.broadcast %broadcast_in_dim3A_1381 : vector<1x1xf32> to vector<1x10xf32>
    %div3A_1383 = arith.divf %exp3A_1378, %div3A_1382 : vector<1x10xf32>
    %dot_general3A_1384 = arith.constant dense<0.000000e+00> : vector<1x80xf32>
    %dot_general3A_1385 = tpu.matmul %div3A_1383, %select_n3A_42, %dot_general3A_1384 {dimension_numbers = #tpu.dot_dimension_numbers<[1], [0], [0], [1], [0, 0, 1, 1], [], []>, transpose_lhs_hint = false} : vector<1x10xf32>, vector<10x80xf32>, vector<1x80xf32> -> vector<1x80xf32>
    %mul3A_1386 = vector.broadcast %dot_general3A_1385 : vector<1x80xf32> to vector<1000x80xf32>
    %mul3A_1387 = arith.mulf %dot_general3A_151, %mul3A_1386 : vector<1000x80xf32>
    %add3A_1388 = arith.addf %broadcast_in_dim3A_1372, %mul3A_1387 : vector<1000x80xf32>
    %reduce_max3A_1389 = arith.constant dense<0xFF800000> : vector<1xf32>
    %reduce_max3A_1390 = vector.multi_reduction <maximumf>, %add3A_1290, %reduce_max3A_1389 [1] : vector<1x10xf32> to vector<1xf32>
    %broadcast_in_dim3A_1391 = vector.shape_cast %reduce_max3A_1390 : vector<1xf32> to vector<1x1xf32>
    %sub3A_1392 = vector.broadcast %broadcast_in_dim3A_1391 : vector<1x1xf32> to vector<1x10xf32>
    %sub3A_1393 = arith.subf %add3A_1290, %sub3A_1392 : vector<1x10xf32>
    %exp3A_1394 = math.exp %sub3A_1393 : vector<1x10xf32>
    %reduce_sum3A_1395 = arith.constant dense<0.000000e+00> : vector<1xf32>
    %reduce_sum3A_1396 = vector.multi_reduction <add>, %exp3A_1394, %reduce_sum3A_1395 [1] : vector<1x10xf32> to vector<1xf32>
    %broadcast_in_dim3A_1397 = vector.shape_cast %reduce_sum3A_1396 : vector<1xf32> to vector<1x1xf32>
    %div3A_1398 = vector.broadcast %broadcast_in_dim3A_1397 : vector<1x1xf32> to vector<1x10xf32>
    %div3A_1399 = arith.divf %exp3A_1394, %div3A_1398 : vector<1x10xf32>
    %dot_general3A_1400 = arith.constant dense<0.000000e+00> : vector<1x80xf32>
    %dot_general3A_1401 = tpu.matmul %div3A_1399, %select_n3A_42, %dot_general3A_1400 {dimension_numbers = #tpu.dot_dimension_numbers<[1], [0], [0], [1], [0, 0, 1, 1], [], []>, transpose_lhs_hint = false} : vector<1x10xf32>, vector<10x80xf32>, vector<1x80xf32> -> vector<1x80xf32>
    %mul3A_1402 = vector.broadcast %dot_general3A_1401 : vector<1x80xf32> to vector<1000x80xf32>
    %mul3A_1403 = arith.mulf %dot_general3A_223, %mul3A_1402 : vector<1000x80xf32>
    %add3A_1404 = arith.addf %add3A_1388, %mul3A_1403 : vector<1000x80xf32>
    %reduce_max3A_1405 = arith.constant dense<0xFF800000> : vector<1xf32>
    %reduce_max3A_1406 = vector.multi_reduction <maximumf>, %add3A_1300, %reduce_max3A_1405 [1] : vector<1x10xf32> to vector<1xf32>
    %broadcast_in_dim3A_1407 = vector.shape_cast %reduce_max3A_1406 : vector<1xf32> to vector<1x1xf32>
    %sub3A_1408 = vector.broadcast %broadcast_in_dim3A_1407 : vector<1x1xf32> to vector<1x10xf32>
    %sub3A_1409 = arith.subf %add3A_1300, %sub3A_1408 : vector<1x10xf32>
    %exp3A_1410 = math.exp %sub3A_1409 : vector<1x10xf32>
    %reduce_sum3A_1411 = arith.constant dense<0.000000e+00> : vector<1xf32>
    %reduce_sum3A_1412 = vector.multi_reduction <add>, %exp3A_1410, %reduce_sum3A_1411 [1] : vector<1x10xf32> to vector<1xf32>
    %broadcast_in_dim3A_1413 = vector.shape_cast %reduce_sum3A_1412 : vector<1xf32> to vector<1x1xf32>
    %div3A_1414 = vector.broadcast %broadcast_in_dim3A_1413 : vector<1x1xf32> to vector<1x10xf32>
    %div3A_1415 = arith.divf %exp3A_1410, %div3A_1414 : vector<1x10xf32>
    %dot_general3A_1416 = arith.constant dense<0.000000e+00> : vector<1x80xf32>
    %dot_general3A_1417 = tpu.matmul %div3A_1415, %select_n3A_42, %dot_general3A_1416 {dimension_numbers = #tpu.dot_dimension_numbers<[1], [0], [0], [1], [0, 0, 1, 1], [], []>, transpose_lhs_hint = false} : vector<1x10xf32>, vector<10x80xf32>, vector<1x80xf32> -> vector<1x80xf32>
    %mul3A_1418 = vector.broadcast %dot_general3A_1417 : vector<1x80xf32> to vector<1000x80xf32>
    %mul3A_1419 = arith.mulf %dot_general3A_295, %mul3A_1418 : vector<1000x80xf32>
    %add3A_1420 = arith.addf %add3A_1404, %mul3A_1419 : vector<1000x80xf32>
    %reduce_max3A_1421 = arith.constant dense<0xFF800000> : vector<1xf32>
    %reduce_max3A_1422 = vector.multi_reduction <maximumf>, %add3A_1310, %reduce_max3A_1421 [1] : vector<1x10xf32> to vector<1xf32>
    %broadcast_in_dim3A_1423 = vector.shape_cast %reduce_max3A_1422 : vector<1xf32> to vector<1x1xf32>
    %sub3A_1424 = vector.broadcast %broadcast_in_dim3A_1423 : vector<1x1xf32> to vector<1x10xf32>
    %sub3A_1425 = arith.subf %add3A_1310, %sub3A_1424 : vector<1x10xf32>
    %exp3A_1426 = math.exp %sub3A_1425 : vector<1x10xf32>
    %reduce_sum3A_1427 = arith.constant dense<0.000000e+00> : vector<1xf32>
    %reduce_sum3A_1428 = vector.multi_reduction <add>, %exp3A_1426, %reduce_sum3A_1427 [1] : vector<1x10xf32> to vector<1xf32>
    %broadcast_in_dim3A_1429 = vector.shape_cast %reduce_sum3A_1428 : vector<1xf32> to vector<1x1xf32>
    %div3A_1430 = vector.broadcast %broadcast_in_dim3A_1429 : vector<1x1xf32> to vector<1x10xf32>
    %div3A_1431 = arith.divf %exp3A_1426, %div3A_1430 : vector<1x10xf32>
    %dot_general3A_1432 = arith.constant dense<0.000000e+00> : vector<1x80xf32>
    %dot_general3A_1433 = tpu.matmul %div3A_1431, %select_n3A_42, %dot_general3A_1432 {dimension_numbers = #tpu.dot_dimension_numbers<[1], [0], [0], [1], [0, 0, 1, 1], [], []>, transpose_lhs_hint = false} : vector<1x10xf32>, vector<10x80xf32>, vector<1x80xf32> -> vector<1x80xf32>
    %mul3A_1434 = vector.broadcast %dot_general3A_1433 : vector<1x80xf32> to vector<1000x80xf32>
    %mul3A_1435 = arith.mulf %dot_general3A_367, %mul3A_1434 : vector<1000x80xf32>
    %add3A_1436 = arith.addf %add3A_1420, %mul3A_1435 : vector<1000x80xf32>
    %reduce_max3A_1437 = arith.constant dense<0xFF800000> : vector<1xf32>
    %reduce_max3A_1438 = vector.multi_reduction <maximumf>, %add3A_1320, %reduce_max3A_1437 [1] : vector<1x10xf32> to vector<1xf32>
    %broadcast_in_dim3A_1439 = vector.shape_cast %reduce_max3A_1438 : vector<1xf32> to vector<1x1xf32>
    %sub3A_1440 = vector.broadcast %broadcast_in_dim3A_1439 : vector<1x1xf32> to vector<1x10xf32>
    %sub3A_1441 = arith.subf %add3A_1320, %sub3A_1440 : vector<1x10xf32>
    %exp3A_1442 = math.exp %sub3A_1441 : vector<1x10xf32>
    %reduce_sum3A_1443 = arith.constant dense<0.000000e+00> : vector<1xf32>
    %reduce_sum3A_1444 = vector.multi_reduction <add>, %exp3A_1442, %reduce_sum3A_1443 [1] : vector<1x10xf32> to vector<1xf32>
    %broadcast_in_dim3A_1445 = vector.shape_cast %reduce_sum3A_1444 : vector<1xf32> to vector<1x1xf32>
    %div3A_1446 = vector.broadcast %broadcast_in_dim3A_1445 : vector<1x1xf32> to vector<1x10xf32>
    %div3A_1447 = arith.divf %exp3A_1442, %div3A_1446 : vector<1x10xf32>
    %dot_general3A_1448 = arith.constant dense<0.000000e+00> : vector<1x80xf32>
    %dot_general3A_1449 = tpu.matmul %div3A_1447, %select_n3A_42, %dot_general3A_1448 {dimension_numbers = #tpu.dot_dimension_numbers<[1], [0], [0], [1], [0, 0, 1, 1], [], []>, transpose_lhs_hint = false} : vector<1x10xf32>, vector<10x80xf32>, vector<1x80xf32> -> vector<1x80xf32>
    %mul3A_1450 = vector.broadcast %dot_general3A_1449 : vector<1x80xf32> to vector<1000x80xf32>
    %mul3A_1451 = arith.mulf %dot_general3A_439, %mul3A_1450 : vector<1000x80xf32>
    %add3A_1452 = arith.addf %add3A_1436, %mul3A_1451 : vector<1000x80xf32>
    %reduce_max3A_1453 = arith.constant dense<0xFF800000> : vector<1xf32>
    %reduce_max3A_1454 = vector.multi_reduction <maximumf>, %add3A_1330, %reduce_max3A_1453 [1] : vector<1x10xf32> to vector<1xf32>
    %broadcast_in_dim3A_1455 = vector.shape_cast %reduce_max3A_1454 : vector<1xf32> to vector<1x1xf32>
    %sub3A_1456 = vector.broadcast %broadcast_in_dim3A_1455 : vector<1x1xf32> to vector<1x10xf32>
    %sub3A_1457 = arith.subf %add3A_1330, %sub3A_1456 : vector<1x10xf32>
    %exp3A_1458 = math.exp %sub3A_1457 : vector<1x10xf32>
    %reduce_sum3A_1459 = arith.constant dense<0.000000e+00> : vector<1xf32>
    %reduce_sum3A_1460 = vector.multi_reduction <add>, %exp3A_1458, %reduce_sum3A_1459 [1] : vector<1x10xf32> to vector<1xf32>
    %broadcast_in_dim3A_1461 = vector.shape_cast %reduce_sum3A_1460 : vector<1xf32> to vector<1x1xf32>
    %div3A_1462 = vector.broadcast %broadcast_in_dim3A_1461 : vector<1x1xf32> to vector<1x10xf32>
    %div3A_1463 = arith.divf %exp3A_1458, %div3A_1462 : vector<1x10xf32>
    %dot_general3A_1464 = arith.constant dense<0.000000e+00> : vector<1x80xf32>
    %dot_general3A_1465 = tpu.matmul %div3A_1463, %select_n3A_42, %dot_general3A_1464 {dimension_numbers = #tpu.dot_dimension_numbers<[1], [0], [0], [1], [0, 0, 1, 1], [], []>, transpose_lhs_hint = false} : vector<1x10xf32>, vector<10x80xf32>, vector<1x80xf32> -> vector<1x80xf32>
    %mul3A_1466 = vector.broadcast %dot_general3A_1465 : vector<1x80xf32> to vector<1000x80xf32>
    %mul3A_1467 = arith.mulf %dot_general3A_511, %mul3A_1466 : vector<1000x80xf32>
    %add3A_1468 = arith.addf %add3A_1452, %mul3A_1467 : vector<1000x80xf32>
    %reduce_max3A_1469 = arith.constant dense<0xFF800000> : vector<1xf32>
    %reduce_max3A_1470 = vector.multi_reduction <maximumf>, %add3A_1340, %reduce_max3A_1469 [1] : vector<1x10xf32> to vector<1xf32>
    %broadcast_in_dim3A_1471 = vector.shape_cast %reduce_max3A_1470 : vector<1xf32> to vector<1x1xf32>
    %sub3A_1472 = vector.broadcast %broadcast_in_dim3A_1471 : vector<1x1xf32> to vector<1x10xf32>
    %sub3A_1473 = arith.subf %add3A_1340, %sub3A_1472 : vector<1x10xf32>
    %exp3A_1474 = math.exp %sub3A_1473 : vector<1x10xf32>
    %reduce_sum3A_1475 = arith.constant dense<0.000000e+00> : vector<1xf32>
    %reduce_sum3A_1476 = vector.multi_reduction <add>, %exp3A_1474, %reduce_sum3A_1475 [1] : vector<1x10xf32> to vector<1xf32>
    %broadcast_in_dim3A_1477 = vector.shape_cast %reduce_sum3A_1476 : vector<1xf32> to vector<1x1xf32>
    %div3A_1478 = vector.broadcast %broadcast_in_dim3A_1477 : vector<1x1xf32> to vector<1x10xf32>
    %div3A_1479 = arith.divf %exp3A_1474, %div3A_1478 : vector<1x10xf32>
    %dot_general3A_1480 = arith.constant dense<0.000000e+00> : vector<1x80xf32>
    %dot_general3A_1481 = tpu.matmul %div3A_1479, %select_n3A_42, %dot_general3A_1480 {dimension_numbers = #tpu.dot_dimension_numbers<[1], [0], [0], [1], [0, 0, 1, 1], [], []>, transpose_lhs_hint = false} : vector<1x10xf32>, vector<10x80xf32>, vector<1x80xf32> -> vector<1x80xf32>
    %mul3A_1482 = vector.broadcast %dot_general3A_1481 : vector<1x80xf32> to vector<1000x80xf32>
    %mul3A_1483 = arith.mulf %dot_general3A_583, %mul3A_1482 : vector<1000x80xf32>
    %add3A_1484 = arith.addf %add3A_1468, %mul3A_1483 : vector<1000x80xf32>
    %reduce_max3A_1485 = arith.constant dense<0xFF800000> : vector<1xf32>
    %reduce_max3A_1486 = vector.multi_reduction <maximumf>, %add3A_1350, %reduce_max3A_1485 [1] : vector<1x10xf32> to vector<1xf32>
    %broadcast_in_dim3A_1487 = vector.shape_cast %reduce_max3A_1486 : vector<1xf32> to vector<1x1xf32>
    %sub3A_1488 = vector.broadcast %broadcast_in_dim3A_1487 : vector<1x1xf32> to vector<1x10xf32>
    %sub3A_1489 = arith.subf %add3A_1350, %sub3A_1488 : vector<1x10xf32>
    %exp3A_1490 = math.exp %sub3A_1489 : vector<1x10xf32>
    %reduce_sum3A_1491 = arith.constant dense<0.000000e+00> : vector<1xf32>
    %reduce_sum3A_1492 = vector.multi_reduction <add>, %exp3A_1490, %reduce_sum3A_1491 [1] : vector<1x10xf32> to vector<1xf32>
    %broadcast_in_dim3A_1493 = vector.shape_cast %reduce_sum3A_1492 : vector<1xf32> to vector<1x1xf32>
    %div3A_1494 = vector.broadcast %broadcast_in_dim3A_1493 : vector<1x1xf32> to vector<1x10xf32>
    %div3A_1495 = arith.divf %exp3A_1490, %div3A_1494 : vector<1x10xf32>
    %dot_general3A_1496 = arith.constant dense<0.000000e+00> : vector<1x80xf32>
    %dot_general3A_1497 = tpu.matmul %div3A_1495, %select_n3A_42, %dot_general3A_1496 {dimension_numbers = #tpu.dot_dimension_numbers<[1], [0], [0], [1], [0, 0, 1, 1], [], []>, transpose_lhs_hint = false} : vector<1x10xf32>, vector<10x80xf32>, vector<1x80xf32> -> vector<1x80xf32>
    %mul3A_1498 = vector.broadcast %dot_general3A_1497 : vector<1x80xf32> to vector<1000x80xf32>
    %mul3A_1499 = arith.mulf %dot_general3A_655, %mul3A_1498 : vector<1000x80xf32>
    %add3A_1500 = arith.addf %add3A_1484, %mul3A_1499 : vector<1000x80xf32>
    %reduce_max3A_1501 = arith.constant dense<0xFF800000> : vector<1xf32>
    %reduce_max3A_1502 = vector.multi_reduction <maximumf>, %add3A_1360, %reduce_max3A_1501 [1] : vector<1x10xf32> to vector<1xf32>
    %broadcast_in_dim3A_1503 = vector.shape_cast %reduce_max3A_1502 : vector<1xf32> to vector<1x1xf32>
    %sub3A_1504 = vector.broadcast %broadcast_in_dim3A_1503 : vector<1x1xf32> to vector<1x10xf32>
    %sub3A_1505 = arith.subf %add3A_1360, %sub3A_1504 : vector<1x10xf32>
    %exp3A_1506 = math.exp %sub3A_1505 : vector<1x10xf32>
    %reduce_sum3A_1507 = arith.constant dense<0.000000e+00> : vector<1xf32>
    %reduce_sum3A_1508 = vector.multi_reduction <add>, %exp3A_1506, %reduce_sum3A_1507 [1] : vector<1x10xf32> to vector<1xf32>
    %broadcast_in_dim3A_1509 = vector.shape_cast %reduce_sum3A_1508 : vector<1xf32> to vector<1x1xf32>
    %div3A_1510 = vector.broadcast %broadcast_in_dim3A_1509 : vector<1x1xf32> to vector<1x10xf32>
    %div3A_1511 = arith.divf %exp3A_1506, %div3A_1510 : vector<1x10xf32>
    %dot_general3A_1512 = arith.constant dense<0.000000e+00> : vector<1x80xf32>
    %dot_general3A_1513 = tpu.matmul %div3A_1511, %select_n3A_42, %dot_general3A_1512 {dimension_numbers = #tpu.dot_dimension_numbers<[1], [0], [0], [1], [0, 0, 1, 1], [], []>, transpose_lhs_hint = false} : vector<1x10xf32>, vector<10x80xf32>, vector<1x80xf32> -> vector<1x80xf32>
    %mul3A_1514 = vector.broadcast %dot_general3A_1513 : vector<1x80xf32> to vector<1000x80xf32>
    %mul3A_1515 = arith.mulf %dot_general3A_727, %mul3A_1514 : vector<1000x80xf32>
    %add3A_1516 = arith.addf %add3A_1500, %mul3A_1515 : vector<1000x80xf32>
    %reduce_max3A_1517 = arith.constant dense<0xFF800000> : vector<1xf32>
    %reduce_max3A_1518 = vector.multi_reduction <maximumf>, %add3A_1370, %reduce_max3A_1517 [1] : vector<1x10xf32> to vector<1xf32>
    %broadcast_in_dim3A_1519 = vector.shape_cast %reduce_max3A_1518 : vector<1xf32> to vector<1x1xf32>
    %sub3A_1520 = vector.broadcast %broadcast_in_dim3A_1519 : vector<1x1xf32> to vector<1x10xf32>
    %sub3A_1521 = arith.subf %add3A_1370, %sub3A_1520 : vector<1x10xf32>
    %exp3A_1522 = math.exp %sub3A_1521 : vector<1x10xf32>
    %reduce_sum3A_1523 = arith.constant dense<0.000000e+00> : vector<1xf32>
    %reduce_sum3A_1524 = vector.multi_reduction <add>, %exp3A_1522, %reduce_sum3A_1523 [1] : vector<1x10xf32> to vector<1xf32>
    %broadcast_in_dim3A_1525 = vector.shape_cast %reduce_sum3A_1524 : vector<1xf32> to vector<1x1xf32>
    %div3A_1526 = vector.broadcast %broadcast_in_dim3A_1525 : vector<1x1xf32> to vector<1x10xf32>
    %div3A_1527 = arith.divf %exp3A_1522, %div3A_1526 : vector<1x10xf32>
    %dot_general3A_1528 = arith.constant dense<0.000000e+00> : vector<1x80xf32>
    %dot_general3A_1529 = tpu.matmul %div3A_1527, %select_n3A_42, %dot_general3A_1528 {dimension_numbers = #tpu.dot_dimension_numbers<[1], [0], [0], [1], [0, 0, 1, 1], [], []>, transpose_lhs_hint = false} : vector<1x10xf32>, vector<10x80xf32>, vector<1x80xf32> -> vector<1x80xf32>
    %mul3A_1530 = vector.broadcast %dot_general3A_1529 : vector<1x80xf32> to vector<1000x80xf32>
    %mul3A_1531 = arith.mulf %dot_general3A_799, %mul3A_1530 : vector<1000x80xf32>
    %add3A_1532 = arith.addf %add3A_1516, %mul3A_1531 : vector<1000x80xf32>
    %mul3A_1533 = arith.mulf %add3A_1532, %add3A_1532 : vector<1000x80xf32>
    %dot_general3A_1534 = arith.constant dense<0.000000e+00> : vector<1000x10xf32>
    %dot_general3A_1535 = tpu.matmul %mul3A_1533, %select_n3A_81, %dot_general3A_1534 {dimension_numbers = #tpu.dot_dimension_numbers<[1], [0], [0], [1], [0, 0, 1, 1], [], []>, transpose_lhs_hint = false} : vector<1000x80xf32>, vector<80x10xf32>, vector<1000x10xf32> -> vector<1000x10xf32>
    %add3A_1536 = arith.constant 1.000000e+00 : f32
    %add3A_1537 = vector.broadcast %add3A_1536 : f32 to vector<1000x10xf32>
    %add3A_1538 = arith.addf %add3A_1537, %dot_general3A_1535 : vector<1000x10xf32>
    %div3A_1539 = arith.divf %dot_general3A_1535, %add3A_1538 : vector<1000x10xf32>
    %add3A_1540 = arith.constant 9.99999996E-13 : f32
    %add3A_1541 = vector.broadcast %add3A_1540 : f32 to vector<1000x10xf32>
    %add3A_1542 = arith.addf %dot_general3A_1535, %add3A_1541 : vector<1000x10xf32>
    %rsqrt3A_1543 = math.rsqrt %add3A_1542 : vector<1000x10xf32>
    %mul3A_1544 = arith.mulf %div3A_1539, %rsqrt3A_1543 : vector<1000x10xf32>
    %dot_general3A_1545 = arith.constant dense<0.000000e+00> : vector<1000x80xf32>
    %dot_general3A_1546 = tpu.matmul %mul3A_1544, %select_n3A_42, %dot_general3A_1545 {dimension_numbers = #tpu.dot_dimension_numbers<[1], [0], [0], [1], [0, 0, 1, 1], [], []>, transpose_lhs_hint = false} : vector<1000x10xf32>, vector<10x80xf32>, vector<1000x80xf32> -> vector<1000x80xf32>
    %mul3A_1547 = arith.mulf %add3A_1532, %dot_general3A_1546 : vector<1000x80xf32>
    %reduce_sum3A_1548 = arith.constant dense<0.000000e+00> : vector<80xf32>
    %reduce_sum3A_1549 = vector.multi_reduction <add>, %mul3A_1547, %reduce_sum3A_1548 [0] : vector<1000x80xf32> to vector<80xf32>
    %broadcast_in_dim3A_1550 = vector.shape_cast %reduce_sum3A_1549 : vector<80xf32> to vector<1x80xf32>
    %mul3A_1551 = arith.constant 1.000000e-03 : f32
    %mul3A_1552 = vector.broadcast %mul3A_1551 : f32 to vector<1x80xf32>
    %mul3A_1553 = arith.mulf %broadcast_in_dim3A_1550, %mul3A_1552 : vector<1x80xf32>
    %swap3A = arith.constant 0 : index
    %swap3A_1554 = arith.constant 0 : index
    %swap3A_1555 = vector.load %arg3[%swap3A, %swap3A_1554] : memref<1x80xf32, #tpu.memory_space<vmem>>, vector<1x80xf32>
    tpu.vector_store %arg3[%swap3A, %swap3A_1554], %mul3A_1553 {strides = array<i32>} : memref<1x80xf32, #tpu.memory_space<vmem>>, vector<1x80xf32>,
    return
  }
}

</mosaic_0001>

<sc_bundles>
// kernel: kernel.10.cloned.1.call-start
scs
__scs_entry_jumppad:
0x0: {  	(pc) =	sbr.rel $0x88, $3  }
0x1: {  	(tag) =	ssettag $0x0;
	lr =	simm.s32 $0x1  }
0x2: {  	[smem:$0x3F98] =	sst lr;
	_ =	strace $0xD0000000  }
0x3: {  	_ = 	snop  }
0x4: {  	_ = 	snop  }
0x5: {  	_ = 	snop  }
0x6: {  	_ = 	snop  }
0x7: {  	_ = 	snop  }
__scs_overlays_trampoline_lowered:
0x8: {  	[smem:$0x3FA7] =	sst s0  }
0x9: {  	[smem:$0x3FA8] =	sst s1  }
0xa: {  	[smem:$0x3FA9] =	sst s2  }
0xb: {  	[smem:$0x3FAA] =	sst s3  }
0xc: {  	[smem:$0x3FAB] =	sst s4  }
0xd: {  	[smem:$0x3FAC] =	sst s5  }
0xe: {  	[smem:$0x3FAD] =	sst s6  }
0xf: {  	[smem:$0x3FAE] =	sst s7  }
0x10: {  	[smem:$0x3FAF] =	sst s8  }
0x11: {  	[smem:$0x3FB0] =	sst s9;
	s0 =	simm.s32 @!p0 $0x0  }
0x12: {  	s1 =	sld [smem:$0x3F96];
	s0 =	simm.s32 @p0 $0x1  }
0x13: {  	[smem:$0x3FB1] =	sst s0;
	s0 =	simm.s32 @!p1 $0x0  }
0x14: {  	s2 =	sld [smem:$0x3F95];
	s0 =	simm.s32 @p1 $0x1  }
0x15: {  	[smem:$0x3FB2] =	sst s0;
	s0 =	simm.s32 @!p2 $0x0  }
0x16: {  	s3 =	sld [smem:$0x3FDB];
	s0 =	simm.s32 @p2 $0x1  }
0x17: {  	s4 =	simm.s32 $0x1BF5;
	[smem:$0x3FB4] =	sst s0  }
0x18: {  	s0 =	sld [smem:$0x3F97];
	_ =	swait.ge [sflag:s4], $0x0  }
0x19: {  	s7 =	sld [smem:$0x3F98]  }
0x1a: {  	s8 =	sadd.s32 $0xFFFFE003, lr  }
0x1b: {  	s9 =	sadd.s32 $0xFFFFFEF7, lr;
	s5 =	simm.s32 $0xFFFFFFFF;
	p2 =	slt.u32 s8, $0xFFFFF086  }
0x1c: {  	p1 =	slt.u32 s9, $0xF7A;
	s5 =	simm.s32 @!p2 $0x0  }
0x1d: {  	s5 =	simm.s32 @p1 $0x1;
	p0 =	seq.s32 s7, s2  }
0x1e: {  	s7 =	smul.u32 @!p0 $0xF7A, s2;
	p2 =	seq.s32 @!p0 s5, $0x0  }
0x1f: {  	s9 =	smul.u32 $0xF7A, s1;
	s8 =	simm.s32 @!p0 $0x1BF5;
	p2 =	por !p2, p0  }
0x20: {  	[sflag:s8] =	ssyncset.s32 @!p0 $0xFFFFF086;
	s6 =	sadd.s32 @!p0 s3, s7;
	s7 =	simm.s32 @!p0 $0x108  }
0x21: {  	s3 =	sadd.s32 s3, s9;
	s6 =	sadd.s32 @!p0 $0x88, s6;
	s7 =	simm.s32 @p2 $0x1082  }
0x22: {  	[simem:s7], [sflag:s8] =	dma.local @!p0 [hbm:s6], $0xF7A  }
0x23: {  	s9 =	sor.u32 $0xD0000000, s2;
	s6 =	simm.s32 $0x108;
	_ =	swait.ge @!p0 [sflag:s8], $0x0  }
0x24: {  	s3 =	sadd.s32 $0x88, s3;
	s6 =	simm.s32 @!p1 $0x1082;
	[sflag:s4] =	ssyncset.s32 $0xFFFFF086  }
0x25: {  	[simem:s6], [sflag:s4] =	dma.local [hbm:s3], $0xF7A  }
0x26: {  	[smem:$0x3F98] =	sst s1;
	(tag) =	ssettag s2;
	_ =	strace s9  }
0x27: {  	s1 =	sld [smem:$0x3FA8]  }
0x28: {  	s2 =	sld [smem:$0x3FA9]  }
0x29: {  	s4 =	sld [smem:$0x3FAB]  }
0x2a: {  	p0 =	seq.s32 s5, $0x0;
	s5 =	sld [smem:$0x3FAC]  }
0x2b: {  	s6 =	sld [smem:$0x3FAD]  }
0x2c: {  	s7 =	sld [smem:$0x3FAE]  }
0x2d: {  	s3 =	simm.s32 $0x108;
	s8 =	sld [smem:$0x3FAF]  }
0x2e: {  	s3 =	simm.s32 @!p0 $0x1082;
	s9 =	sld [smem:$0x3FB0]  }
0x2f: {  	lr =	sadd.s32 s0, s3;
	s0 =	sld [smem:$0x3FA7]  }
0x30: {  	s3 =	sld [smem:$0x3FAA]  }
0x31: {  	[smem:$0x3FB3] =	sst s10  }
0x32: {  	s10 =	sld [smem:$0x3FB1];
	_ =	sdelay $0x3  }
0x33: {  	p0 =	seq.s32 s10, $0x1;
	s10 =	sld [smem:$0x3FB3];
	_ =	sdelay $0x3  }
0x34: {  	[smem:$0x3FB3] =	sst s10  }
0x35: {  	s10 =	sld [smem:$0x3FB2];
	_ =	sdelay $0x3  }
0x36: {  	p1 =	seq.s32 s10, $0x1;
	s10 =	sld [smem:$0x3FB3];
	_ =	sdelay $0x3  }
0x37: {  	[smem:$0x3FB3] =	sst s10  }
0x38: {  	s10 =	sld [smem:$0x3FB4]  }
0x39: {  	_ = 	snop;
	(pc) =	sbr.ind lr, $3  }
0x3a: {  	_ = 	snop  }
0x3b: {  	_ = 	snop  }
0x3c: {  	p2 =	seq.s32 s10, $0x1;
	s10 =	sld [smem:$0x3FB3]  }
0x3d: {  	_ =	shalt  }
0x3e: {  	_ =	shalt  }
0x3f: {  	_ =	shalt  }
0x40: {  	_ =	shalt  }
0x41: {  	_ =	shalt  }
0x42: {  	_ =	shalt  }
0x43: {  	_ =	shalt  }
0x44: {  	_ =	shalt  }
0x45: {  	_ =	shalt  }
0x46: {  	_ =	shalt  }
0x47: {  	_ =	shalt  }
0x48: {  	_ =	shalt  }
0x49: {  	_ =	shalt  }
0x4a: {  	_ =	shalt  }
0x4b: {  	_ =	shalt  }
0x4c: {  	_ =	shalt  }
0x4d: {  	_ =	shalt  }
0x4e: {  	_ =	shalt  }
0x4f: {  	_ =	shalt  }
0x50: {  	_ =	shalt  }
0x51: {  	_ =	shalt  }
0x52: {  	_ =	shalt  }
0x53: {  	_ =	shalt  }
0x54: {  	_ =	shalt  }
0x55: {  	_ =	shalt  }
0x56: {  	_ =	shalt  }
0x57: {  	_ =	shalt  }
0x58: {  	_ =	shalt  }
0x59: {  	_ =	shalt  }
0x5a: {  	_ =	shalt  }
0x5b: {  	_ =	shalt  }
0x5c: {  	_ =	shalt  }
0x5d: {  	_ =	shalt  }
0x5e: {  	_ =	shalt  }
0x5f: {  	_ =	shalt  }
0x60: {  	_ =	shalt  }
0x61: {  	_ =	shalt  }
0x62: {  	_ =	shalt  }
0x63: {  	_ =	shalt  }
0x64: {  	_ =	shalt  }
0x65: {  	_ =	shalt  }
0x66: {  	_ =	shalt  }
0x67: {  	_ =	shalt  }
0x68: {  	_ =	shalt  }
0x69: {  	_ =	shalt  }
0x6a: {  	_ =	shalt  }
0x6b: {  	_ =	shalt  }
0x6c: {  	_ =	shalt  }
0x6d: {  	_ =	shalt  }
0x6e: {  	_ =	shalt  }
0x6f: {  	_ =	shalt  }
0x70: {  	_ =	shalt  }
0x71: {  	_ =	shalt  }
0x72: {  	_ =	shalt  }
0x73: {  	_ =	shalt  }
0x74: {  	_ =	shalt  }
0x75: {  	_ =	shalt  }
0x76: {  	_ =	shalt  }
0x77: {  	_ =	shalt  }
0x78: {  	_ =	shalt  }
0x79: {  	_ =	shalt  }
0x7a: {  	_ =	shalt  }
0x7b: {  	_ =	shalt  }
0x7c: {  	_ =	shalt  }
0x7d: {  	_ =	shalt  }
0x7e: {  	_ =	shalt  }
0x7f: {  	_ =	shalt  }
0x80: {  	_ =	shalt  }
0x81: {  	_ =	shalt  }
0x82: {  	_ =	shalt  }
0x83: {  	_ =	shalt  }
0x84: {  	_ =	shalt  }
0x85: {  	_ =	shalt  }
0x86: {  	_ =	shalt  }
0x87: {  	_ =	shalt  }
.Lfunc_end0:
.L_simem_size_0:
called_computation_lowered:
.L_overlay_start_0:
0x88: {  	s2 =	sld [smem:$0x3FD9]  }
0x89: {  	s3 =	sld [smem:$0x3FFE];
	_ =	sdelay $0x1  }
0x8a: {  	s1 =	srdreg.scid  }
0x8b: {  	s0 =	sand.u32 $0x1, s1  }
0x8c: {  	s16 =	sshll.u32 s0, $0xA;
	s2 =	sadd.s32 s3, s2  }
0x8d: {  	s2 =	sadd.s32 s2, s16  }
0x8e: {  	[smem:$0x3FBF] =	sst s2  }
0x8f: {  	_ = 	snop  }
0x90: {  	(tm) =	ssettm $0x1  }
0x91: {  	s17 =	sld [smem:$0x3FFB];
	_ =	sdelay $0x3  }
0x92: {  	_ =	strace s17  }
0x93: {  	s2 =	sld [smem:$0x3FFC];
	_ =	sdelay $0x3  }
0x94: {  	_ =	strace s2  }
0x95: {  	s2 =	sld [smem:$0x3FFD];
	_ =	sdelay $0x3  }
0x96: {  	_ =	strace s2  }
0x97: {  	_ =	strace $0x8FFFFFFF  }
0x98: {  	s18 =	sld [smem:$0x3FDB];
	_ =	sdelay $0x1  }
0x99: {  	s19 =	simm.s32 $_scs_section_size  }
0x9a: {  	s4 =	simm.s32 $_size__tile_overlayer_lowered;
	s5 =	simm.s32 $_tile_overlayer_lowered  }
0x9b: {  	s22 =	simm.s32 $0x1BFF;
	s21 =	sshll.u32 s5, $0x1;
	s2 =	sadd.s32 s19, s18  }
0x9c: {  	s6 =	simm.s32 $0x0;
	s20 =	sshll.u32 s4, $0x1;
	s4 =	sadd.s32 s21, s2  }
0x9d: {  	[timem:s6], [sflag:s22] =	dma.local [hbm:s4], s20  }
0x9e: {  	_ =	swait.ge [sflag:s22], s20  }
0x9f: {  	s3 =	ssub.s32 $0x0, s20;
	[sflag:s22] =	ssyncset.done $0x0  }
0xa0: {  	[sflag:s22] =	ssyncadd.s32 s3;
	_ =	sdelay $0x1  }
0xa1: {  	s23 =	simm.s32 $0x1B8B  }
0xa2: {  	_ =	swait.ge [sflag:s23], $0x1  }
0xa3: {  	[sflag:s23] =	ssyncset.done $0x0  }
0xa4: {  	s25 =	simm.s32 $0x1B8E;
	s24 =	sld [smem:$0x3FFE];
	[sflag:s23] =	ssyncadd.s32 $0xFFFFFFFF  }
0xa5: {  	s26 =	simm.s32 $execute0_lowered;
	[smem:$0x3FD2] =	sst s25  }
0xa6: {  	s4 =	sshll.u32 s26, $0x1;
	_ =	strace $0x80000046;
	[dreg:$0x1] =	wrdreg $0xFFFFFFFF  }
0xa7: {  	s28 =	simm.s32 $_size_execute0_lowered;
	s2 =	sadd.s32 s2, s4;
	[dreg:$0x0] =	wrdreg $0x0  }
0xa8: {  	s4 =	sshll.u32 s28, $0x1;
	[dreg:$0x2] =	wrdreg s2  }
0xa9: {  	[dreg:$0x3] =	wrdreg s4  }
0xaa: {  	[dreg:$0x4] =	wrdreg $0xC0  }
0xab: {  	_ =	task [dreg:s6], $0x5FFFF  }
0xac: {  	[dreg:$0x1] =	wrdreg $0xFFFFFFFF  }
0xad: {  	[dreg:$0x0] =	wrdreg $0x60  }
0xae: {  	[dreg:$0x2] =	wrdreg s24  }
0xaf: {  	[dreg:$0x3] =	wrdreg $0x90000  }
0xb0: {  	[dreg:$0x4] =	wrdreg $0x9  }
0xb1: {  	_ =	task.clear_ibuf [dreg:s6], $0x5FFFF;
	_ =	strace $0x90000046  }
0xb2: {  	s29 =	simm.s32 $0x9;
	_ =	strace $0x80000048  }
0xb3: {  	_ =	swait.ge [sflag:s29], $0x1  }
0xb4: {  	[sflag:s29] =	ssyncadd.s32 $0xFFFFFFFF  }
0xb5: {  	_ =	strace $0x90000048  }
0xb6: {  	_ =	sfence  }
0xb7: {  	s30 =	sld [smem:$0x0];
	_ =	sdelay $0x2  }
0xb8: {  	s31 =	sshll.u32 s1, $0xD;
	s1 =	sshrl.u32 s1, $0x2  }
0xb9: {  	s3 =	sand.u32 $0x4000, s31;
	s1 =	sadd.s32 s1, s30  }
0xba: {  	s0 =	sor.u32 s3, s0;
	s1 =	sshll.u32 s1, $0x11  }
0xbb: {  	s0 =	sor.u32 s1, s0  }
0xbc: {  	s0 =	sadd.s32 $0x8F2B, s0  }
0xbd: {  	[sflag:s0] =	ssyncadd.remote.s32 $0x1  }
0xbe: {  	_ =	sfence.sel $0xFFFF  }
0xbf: {  	[dreg:$0x0] =	wrdreg $0xFFFFFFFF;
	(pc) =	sbr.abs _section_cstart, $3  }
0xc0: {  	[dreg:$0x1] =	wrdreg $0xFFFFFFFF  }
0xc1: {  	_ =	task.clear_ibuf [dreg:s6], $0x2FFFF;
	_ =	strace $0x9FFFFFFF  }
0xc2: {  	(tm) =	ssettm $0x7FFFFFFF  }
0xc3: {  	_ =	shalt  }
tec
execute0_lowered:
.L_overlay_start_1:
0x0: {  	(tag) =	ssettag $0x1  }
0x1: {  	s4 =	rddreg [dreg:$0x0];
	s0 =	stileid.u32  }
0x2: {  	s1 =	srdreg.scid;
	s5 =	smul.u32 $0xA00, s0  }
0x3: {  	s2 =	rddreg [dreg:$0x1];
	s8 =	smul.u32 $0x50000, s0  }
0x4: {  	s3 =	simm.s32 $0x0;
	s18 =	simm.s32 $0x80;
	s13 =	smul.u32 $0x280, s0  }
0x5: {  	s19 =	sand.u32 $0x1, s1;
	s1 =	rddreg [dreg:$0x2];
	s20 =	smul.u32 $0x2800, s0  }
0x6: {  	[smem:$0x7FF] =	sst s3;
	s6 =	smul.u32 $0x28000, s19;
	s7 =	ssub.s32 $0x2, s19  }
0x7: {  	_ =	strace $0x80000047;
	s17 =	smul.u32 $0x9E00, s19;
	p0 =	sne.s32 s19, $0x0  }
0x8: {  	s19 =	simm.s32 $0x1;
	s5 =	sadd.s32 s5, s4;
	s9 =	sshrl.u32 s7, $0x1  }
0x9: {  	s8 =	sshrl.u32 s8, $0x2;
	s12 =	sadd.s32 $0x80, s13;
	s14 =	sadd.s32 $0x100, s13  }
0xa: {  	s29 =	sadd.s32 $0x180, s13;
	s16 =	sadd.s32 $0x200, s13;
	s6 =	sadd.s32 s6, s4  }
0xb: {  	s7 =	ssub.s32 s7, s9;
	s4 =	sadd.s32 $0xB600, s5;
	s5 =	sadd.s32 s8, s2  }
0xc: {  	s11 =	sshll.u32 s12, $0x7;
	s15 =	sshll.u32 s14, $0x7;
	s21 =	sshll.u32 s12, $0x4  }
0xd: {  	s22 =	sshll.u32 s14, $0x4;
	s30 =	sshll.u32 s29, $0x7;
	s31 =	sshll.u32 s16, $0x7  }
0xe: {  	s23 =	sshll.u32 s29, $0x4;
	s25 =	sshll.u32 s16, $0x4;
	s16 =	simm.s32 $0x2  }
0xf: {  	s24 =	sadd.s32 $0x15600, s6;
	s6 =	smax.u32 s7, $0x1;
	s7 =	sadd.s32 $0x4000, s5  }
0x10: {  	s8 =	sadd.s32 $0x8000, s5;
	s9 =	sadd.s32 $0xC000, s5;
	s10 =	sadd.s32 $0x10000, s5  }
0x11: {  	s11 =	sadd.s32 s11, s2;
	s12 =	sadd.s32 s15, s2;
	s13 =	sadd.s32 s30, s2  }
0x12: {  	s14 =	sadd.s32 s31, s2;
	s15 =	sshrl.u32 s17, $0x2;
	s17 =	simm.s32 $0x5000  }
0x13: {  	s20 =	sadd.s32 s20, s24;
	s21 =	sadd.s32 s21, s24;
	s22 =	sadd.s32 s22, s24  }
0x14: {  	v0 =	vimm.f32 $0.0e+00;
	v1 =	vimm.f32 $1.000000000e+00;
	s23 =	sadd.s32 s23, s24;
	s24 =	sadd.s32 s25, s24;
	s25 =	simm.s32 $0x0  }
.LBB2_1:
0x15: {  	[tilespmem:s3], [sflag:$0x2] =	stream.linear.gather [hbm4b:s4+s3], $0x4E80, $0x38;
	[tilespmem:$0xB800] =	vst v63  }
0x16: {  	_ =	swait.ge [sflag:s16], $0x4E80  }
0x17: {  	[sflag:s16] =	ssyncset.done $0x0  }
0x18: {  	s26 =	simm.s32 $0x200;
	s28 =	simm.s32 $0x0;
	[sflag:s16] =	ssyncadd.s32 $0xFFFFB180  }
.LBB2_2:
0x19: {  	p1 =	sne.s32 s26, $0xFE00;
	[tilespmem:s28+$0x5000] =	vst v0;
	s28 =	smov.u32 s26;
	s26 =	sadd.s32 $0x200, s26  }
.Ltmp0:
0x1a: {  	(pc) =	sbr.rel @p1 .LBB2_2-.Ltmp0, $2  }
0x1b: {  	_ =	sdelay $0x2  }
0x1c: {  	s28 =	sshra.s32 s28, $0x2  }
0x1d: {  	[tilespmem:s28+$0x5000] =	vst v0  }
0x1e: {  	[spmem:s5] =	stream.linear.scatter [tilespmem:s17], [sflag:$0x2], $0x4000, $0x38;
	[tilespmem:$0xB800] =	vst v63  }
0x1f: {  	_ =	swait.ge [sflag:s16], $0x4000  }
0x20: {  	[sflag:s16] =	ssyncset.done $0x0  }
0x21: {  	[sflag:s16] =	ssyncadd.s32 $0xFFFFC000  }
0x22: {  	[spmem:s7] =	stream.linear.scatter [tilespmem:s17], [sflag:$0x2], $0x4000, $0x38;
	[tilespmem:$0xB800] =	vst v63  }
0x23: {  	_ =	swait.ge [sflag:s16], $0x4000  }
0x24: {  	[sflag:s16] =	ssyncset.done $0x0  }
0x25: {  	[sflag:s16] =	ssyncadd.s32 $0xFFFFC000  }
0x26: {  	[spmem:s8] =	stream.linear.scatter [tilespmem:s17], [sflag:$0x2], $0x4000, $0x38;
	[tilespmem:$0xB800] =	vst v63  }
0x27: {  	_ =	swait.ge [sflag:s16], $0x4000  }
0x28: {  	[sflag:s16] =	ssyncset.done $0x0  }
0x29: {  	[sflag:s16] =	ssyncadd.s32 $0xFFFFC000  }
0x2a: {  	[spmem:s9] =	stream.linear.scatter [tilespmem:s17], [sflag:$0x2], $0x4000, $0x38;
	[tilespmem:$0xB800] =	vst v63  }
0x2b: {  	_ =	swait.ge [sflag:s16], $0x4000  }
0x2c: {  	[sflag:s16] =	ssyncset.done $0x0  }
0x2d: {  	[sflag:s16] =	ssyncadd.s32 $0xFFFFC000  }
0x2e: {  	[spmem:s10] =	stream.linear.scatter [tilespmem:s17], [sflag:$0x2], $0x4000, $0x38;
	[tilespmem:$0xB800] =	vst v63  }
0x2f: {  	_ =	swait.ge [sflag:s16], $0x4000  }
0x30: {  	[sflag:s16] =	ssyncset.done $0x0  }
0x31: {  	[sflag:s16] =	ssyncadd.s32 $0xFFFFC000  }
0x32: {  	s26 =	simm.s32 $0x200;
	s28 =	simm.s32 $0x0;
	[bflag:$0x0] =	sbarrier.arrive $0xFFFF  }
.LBB2_4:
0x33: {  	p1 =	sne.s32 s26, $0xFE00;
	[tilespmem:s28+$0x5000] =	vst v1;
	s28 =	smov.u32 s26;
	s26 =	sadd.s32 $0x200, s26  }
.Ltmp1:
0x34: {  	(pc) =	sbr.rel @p1 .LBB2_4-.Ltmp1, $2  }
0x35: {  	_ =	sdelay $0x2  }
0x36: {  	s28 =	sshra.s32 s28, $0x2  }
0x37: {  	[tilespmem:s28+$0x5000] =	vst v1;
	s26 =	sadd.s32 $0x0, s15  }
0x38: {  	[spmem:s2] =	stream.indirect.scatter.add.f32 [tilespmem:s17], [sflag:$0x1], $0x10, s26, s18, $0xb8;
	[tilespmem:$0xB800] =	vst v63  }
0x39: {  	s28 =	sadd.s32 $0x80, s26  }
0x3a: {  	[spmem:s2] =	stream.indirect.scatter.add.f32 [tilespmem:s17], [sflag:$0x1], $0x10, s28, s18, $0xb8;
	[tilespmem:$0xB800] =	vst v63  }
0x3b: {  	s28 =	sadd.s32 $0x100, s26  }
0x3c: {  	[spmem:s2] =	stream.indirect.scatter.add.f32 [tilespmem:s17], [sflag:$0x1], $0x10, s28, s18, $0xb8;
	[tilespmem:$0xB800] =	vst v63  }
0x3d: {  	s28 =	sadd.s32 $0x180, s26  }
0x3e: {  	[spmem:s2] =	stream.indirect.scatter.add.f32 [tilespmem:s17], [sflag:$0x1], $0x10, s28, s18, $0xb8;
	[tilespmem:$0xB800] =	vst v63  }
0x3f: {  	s28 =	sadd.s32 $0x200, s26  }
0x40: {  	[spmem:s2] =	stream.indirect.scatter.add.f32 [tilespmem:s17], [sflag:$0x1], $0x10, s28, s18, $0xb8;
	[tilespmem:$0xB800] =	vst v63  }
0x41: {  	s26 =	sadd.s32 $0x280, s26  }
0x42: {  	[spmem:s2] =	stream.indirect.scatter.add.f32 [tilespmem:s17], [sflag:$0x1], $0x10, s26, s18, $0xb8;
	[tilespmem:$0xB800] =	vst v63  }
0x43: {  	_ =	swait.ge [sflag:s19], $0x800  }
0x44: {  	[sflag:s19] =	ssyncset.done $0x0  }
0x45: {  	[sflag:s19] =	ssyncadd.s32 $0xFFFFF800  }
0x46: {  	_ =	swait.ge [sflag:s19], $0x800  }
0x47: {  	[sflag:s19] =	ssyncset.done $0x0  }
0x48: {  	[sflag:s19] =	ssyncadd.s32 $0xFFFFF800  }
0x49: {  	_ =	swait.ge [sflag:s19], $0x800  }
0x4a: {  	[sflag:s19] =	ssyncset.done $0x0  }
0x4b: {  	[sflag:s19] =	ssyncadd.s32 $0xFFFFF800  }
0x4c: {  	_ =	swait.ge [sflag:s19], $0x800  }
0x4d: {  	[sflag:s19] =	ssyncset.done $0x0  }
0x4e: {  	[sflag:s19] =	ssyncadd.s32 $0xFFFFF800  }
0x4f: {  	_ =	swait.ge [sflag:s19], $0x800  }
0x50: {  	[sflag:s19] =	ssyncset.done $0x0  }
0x51: {  	[sflag:s19] =	ssyncadd.s32 $0xFFFFF800  }
0x52: {  	_ =	swait.ge [sflag:s19], $0x800  }
0x53: {  	s28 =	simm.s32 $0x300;
	s26 =	simm.s32 $0x1800;
	[sflag:s19] =	ssyncset.done $0x0  }
.LBB2_6:
0x54: {  	s28 =	sadd.s32 s28, s15  }
0x55: {  	[sflag:s19] =	ssyncadd.s32 $0xFFFFF800;
	s29 =	smov.u32 s26;
	s30 =	sadd.s32 $0xC00, s26  }
0x56: {  	[spmem:s2] =	stream.indirect.scatter.add.f32 [tilespmem:s17], [sflag:$0x1], $0x10, s28, s18, $0xb8;
	[tilespmem:$0xB800] =	vst v63  }
0x57: {  	p1 =	sne.s32 s26, $0x9000;
	s26 =	sadd.s32 $0x80, s28  }
0x58: {  	[spmem:s2] =	stream.indirect.scatter.add.f32 [tilespmem:s17], [sflag:$0x1], $0x10, s26, s18, $0xb8;
	[tilespmem:$0xB800] =	vst v63  }
0x59: {  	s26 =	sadd.s32 $0x100, s28  }
0x5a: {  	[spmem:s2] =	stream.indirect.scatter.add.f32 [tilespmem:s17], [sflag:$0x1], $0x10, s26, s18, $0xb8;
	[tilespmem:$0xB800] =	vst v63  }
0x5b: {  	s26 =	sadd.s32 $0x180, s28  }
0x5c: {  	[spmem:s2] =	stream.indirect.scatter.add.f32 [tilespmem:s17], [sflag:$0x1], $0x10, s26, s18, $0xb8;
	[tilespmem:$0xB800] =	vst v63  }
0x5d: {  	s26 =	sadd.s32 $0x200, s28  }
0x5e: {  	[spmem:s2] =	stream.indirect.scatter.add.f32 [tilespmem:s17], [sflag:$0x1], $0x10, s26, s18, $0xb8;
	[tilespmem:$0xB800] =	vst v63  }
0x5f: {  	s26 =	sadd.s32 $0x280, s28  }
0x60: {  	[spmem:s2] =	stream.indirect.scatter.add.f32 [tilespmem:s17], [sflag:$0x1], $0x10, s26, s18, $0xb8;
	[tilespmem:$0xB800] =	vst v63  }
0x61: {  	_ =	swait.ge [sflag:s19], $0x800  }
0x62: {  	[sflag:s19] =	ssyncset.done $0x0  }
0x63: {  	[sflag:s19] =	ssyncadd.s32 $0xFFFFF800  }
0x64: {  	_ =	swait.ge [sflag:s19], $0x800  }
0x65: {  	[sflag:s19] =	ssyncset.done $0x0  }
0x66: {  	[sflag:s19] =	ssyncadd.s32 $0xFFFFF800  }
0x67: {  	_ =	swait.ge [sflag:s19], $0x800  }
0x68: {  	[sflag:s19] =	ssyncset.done $0x0  }
0x69: {  	[sflag:s19] =	ssyncadd.s32 $0xFFFFF800  }
0x6a: {  	_ =	swait.ge [sflag:s19], $0x800  }
0x6b: {  	[sflag:s19] =	ssyncset.done $0x0  }
0x6c: {  	[sflag:s19] =	ssyncadd.s32 $0xFFFFF800  }
.Ltmp2:
0x6d: {  	_ =	swait.ge [sflag:s19], $0x800;
	(pc) =	sbr.rel @p1 .LBB2_6-.Ltmp2, $4  }
0x6e: {  	[sflag:s19] =	ssyncset.done $0x0  }
0x6f: {  	[sflag:s19] =	ssyncadd.s32 $0xFFFFF800  }
0x70: {  	_ =	swait.ge [sflag:s19], $0x800  }
0x71: {  	s28 =	sshra.s32 s29, $0x2;
	s26 =	smov.u32 s30;
	[sflag:s19] =	ssyncset.done $0x0  }
0x72: {  	s26 =	sadd.s32 s28, s15;
	[sflag:s19] =	ssyncadd.s32 $0xFFFFF800  }
0x73: {  	[spmem:s2] =	stream.indirect.scatter.add.f32 [tilespmem:s17], [sflag:$0x1], $0x10, s26, s18, $0xb8;
	[tilespmem:$0xB800] =	vst v63  }
0x74: {  	s28 =	sadd.s32 $0x80, s26  }
0x75: {  	[spmem:s2] =	stream.indirect.scatter.add.f32 [tilespmem:s17], [sflag:$0x1], $0x10, s28, s18, $0xb8;
	[tilespmem:$0xB800] =	vst v63  }
0x76: {  	s29 =	sadd.s32 $0x100, s26  }
0x77: {  	[spmem:s2] =	stream.indirect.scatter.add.f32 [tilespmem:s17], [sflag:$0x1], $0x10, s29, s18, $0xb8;
	[tilespmem:$0xB800] =	vst v63  }
0x78: {  	s30 =	sadd.s32 $0x180, s26  }
0x79: {  	[spmem:s2] =	stream.indirect.scatter.add.f32 [tilespmem:s17], [sflag:$0x1], $0x10, s30, s18, $0xb8;
	[tilespmem:$0xB800] =	vst v63  }
0x7a: {  	s31 =	sadd.s32 $0x200, s26  }
0x7b: {  	[spmem:s2] =	stream.indirect.scatter.add.f32 [tilespmem:s17], [sflag:$0x1], $0x10, s31, s18, $0xb8;
	[tilespmem:$0xB800] =	vst v63  }
0x7c: {  	s26 =	sadd.s32 $0x280, s26  }
0x7d: {  	[spmem:s2] =	stream.indirect.scatter.add.f32 [tilespmem:s17], [sflag:$0x1], $0x10, s26, s18, $0xb8;
	[tilespmem:$0xB800] =	vst v63  }
0x7e: {  	_ =	swait.ge [sflag:s19], $0x800  }
0x7f: {  	[sflag:s19] =	ssyncset.done $0x0  }
0x80: {  	[sflag:s19] =	ssyncadd.s32 $0xFFFFF800  }
0x81: {  	_ =	swait.ge [sflag:s19], $0x800  }
0x82: {  	[sflag:s19] =	ssyncset.done $0x0  }
0x83: {  	[sflag:s19] =	ssyncadd.s32 $0xFFFFF800  }
0x84: {  	_ =	swait.ge [sflag:s19], $0x800  }
0x85: {  	[sflag:s19] =	ssyncset.done $0x0  }
0x86: {  	[sflag:s19] =	ssyncadd.s32 $0xFFFFF800  }
0x87: {  	_ =	swait.ge [sflag:s19], $0x800  }
0x88: {  	[sflag:s19] =	ssyncset.done $0x0  }
0x89: {  	[sflag:s19] =	ssyncadd.s32 $0xFFFFF800  }
0x8a: {  	_ =	swait.ge [sflag:s19], $0x800  }
0x8b: {  	[sflag:s19] =	ssyncset.done $0x0  }
0x8c: {  	[sflag:s19] =	ssyncadd.s32 $0xFFFFF800  }
0x8d: {  	_ =	swait.ge [sflag:s19], $0x800  }
0x8e: {  	s28 =	simm.s32 @!p0 $0x2700;
	[sflag:s19] =	ssyncset.done $0x0  }
0x8f: {  	s29 =	simm.s32 @!p0 $0x5000;
	s26 =	simm.s32 @!p0 $0x80;
	[sflag:s19] =	ssyncadd.s32 $0xFFFFF800  }
0x90: {  	[spmem:s2] =	stream.indirect.scatter.add.f32 @!p0 [tilespmem:s29], [sflag:$0x2], $0x10, s28, s26, $0xb8;
	[tilespmem:$0xB800] =	vst v63  }
0x91: {  	s26 =	simm.s32 @!p0 $0x2  }
0x92: {  	_ =	swait.ge @!p0 [sflag:s26], $0x800  }
0x93: {  	[sflag:s26] =	ssyncset.done @!p0 $0x0  }
0x94: {  	[sflag:s26] =	ssyncadd.s32 @!p0 $0xFFFFF800  }
0x95: {  	[bflag:$0x0] =	sbarrier.arrive $0xFFFF  }
0x96: {  	[tilespmem:s17], [sflag:$0x2] =	stream.linear.gather [spmem:s5], $0x4000, $0x38;
	[tilespmem:$0xB800] =	vst v63  }
0x97: {  	_ =	swait.ge [sflag:s16], $0x4000  }
0x98: {  	[sflag:s16] =	ssyncset.done $0x0  }
0x99: {  	[sflag:s16] =	ssyncadd.s32 $0xFFFFC000  }
0x9a: {  	[hbm4b:s20+s3] =	stream.linear.scatter [tilespmem:s17], [sflag:$0x2], $0x4000, $0x38;
	[tilespmem:$0xB800] =	vst v63  }
0x9b: {  	_ =	swait.ge [sflag:s16], $0x4000  }
0x9c: {  	[sflag:s16] =	ssyncset.done $0x0  }
0x9d: {  	[sflag:s16] =	ssyncadd.s32 $0xFFFFC000  }
0x9e: {  	[tilespmem:s17], [sflag:$0x2] =	stream.linear.gather [spmem:s11], $0x4000, $0x38;
	[tilespmem:$0xB800] =	vst v63  }
0x9f: {  	_ =	swait.ge [sflag:s16], $0x4000  }
0xa0: {  	[sflag:s16] =	ssyncset.done $0x0  }
0xa1: {  	[sflag:s16] =	ssyncadd.s32 $0xFFFFC000  }
0xa2: {  	[hbm4b:s21+s3] =	stream.linear.scatter [tilespmem:s17], [sflag:$0x2], $0x4000, $0x38;
	[tilespmem:$0xB800] =	vst v63  }
0xa3: {  	_ =	swait.ge [sflag:s16], $0x4000  }
0xa4: {  	[sflag:s16] =	ssyncset.done $0x0  }
0xa5: {  	[sflag:s16] =	ssyncadd.s32 $0xFFFFC000  }
0xa6: {  	[tilespmem:s17], [sflag:$0x2] =	stream.linear.gather [spmem:s12], $0x4000, $0x38;
	[tilespmem:$0xB800] =	vst v63  }
0xa7: {  	_ =	swait.ge [sflag:s16], $0x4000  }
0xa8: {  	[sflag:s16] =	ssyncset.done $0x0  }
0xa9: {  	[sflag:s16] =	ssyncadd.s32 $0xFFFFC000  }
0xaa: {  	[hbm4b:s22+s3] =	stream.linear.scatter [tilespmem:s17], [sflag:$0x2], $0x4000, $0x38;
	[tilespmem:$0xB800] =	vst v63  }
0xab: {  	_ =	swait.ge [sflag:s16], $0x4000  }
0xac: {  	[sflag:s16] =	ssyncset.done $0x0  }
0xad: {  	[sflag:s16] =	ssyncadd.s32 $0xFFFFC000  }
0xae: {  	[tilespmem:s17], [sflag:$0x2] =	stream.linear.gather [spmem:s13], $0x4000, $0x38;
	[tilespmem:$0xB800] =	vst v63  }
0xaf: {  	_ =	swait.ge [sflag:s16], $0x4000  }
0xb0: {  	[sflag:s16] =	ssyncset.done $0x0  }
0xb1: {  	[sflag:s16] =	ssyncadd.s32 $0xFFFFC000  }
0xb2: {  	[hbm4b:s23+s3] =	stream.linear.scatter [tilespmem:s17], [sflag:$0x2], $0x4000, $0x38;
	[tilespmem:$0xB800] =	vst v63  }
0xb3: {  	_ =	swait.ge [sflag:s16], $0x4000  }
0xb4: {  	[sflag:s16] =	ssyncset.done $0x0  }
0xb5: {  	[sflag:s16] =	ssyncadd.s32 $0xFFFFC000  }
0xb6: {  	[tilespmem:s17], [sflag:$0x2] =	stream.linear.gather [spmem:s14], $0x4000, $0x38;
	[tilespmem:$0xB800] =	vst v63  }
0xb7: {  	s25 =	sadd.s32 $0x1, s25;
	_ =	swait.ge [sflag:s16], $0x4000  }
0xb8: {  	p1 =	sne.s32 s25, s6;
	[sflag:s16] =	ssyncset.done $0x0  }
.Ltmp3:
0xb9: {  	[sflag:s16] =	ssyncadd.s32 $0xFFFFC000;
	(pc) =	sbr.rel @p1 .LBB2_1-.Ltmp3, $4  }
0xba: {  	[hbm4b:s24+s3] =	stream.linear.scatter [tilespmem:s17], [sflag:$0x2], $0x4000, $0x38;
	[tilespmem:$0xB800] =	vst v63  }
0xbb: {  	_ =	swait.ge [sflag:s16], $0x4000  }
0xbc: {  	[sflag:s16] =	ssyncset.done $0x0  }
0xbd: {  	[sflag:s16] =	ssyncadd.s32 $0xFFFFC000  }
0xbe: {  	_ =	sfence.sel $0x180000  }
0xbf: {  	[bflag:$0x0] =	sbarrier.arrive $0xFFFF  }
0xc0: {  	p0 =	sne.s32 s0, $0x0;
	_ =	strace $0x90000047  }
0xc1: {  	s0 =	sadd.s32 @!p0 $0x100000, s1;
	[bflag:$0x2] =	sbarrier.arrive $0xFFFF  }
0xc2: {  	[sflag:s0] =	ssyncadd.tile.s32 @!p0 $0x1;
	_ =	shalt  }
.Lfunc_end2:
_tile_overlayer_lowered:
.L_overlay_start_2:
0xc3: {  	(tag) =	ssettag $0x2  }
0xc4: {  	s0 =	rddreg [dreg:$0x0];
	s2 =	stileid.u32  }
0xc5: {  	s1 =	rddreg [dreg:$0x1];
	p0 =	sne.s32 s2, $0x0  }
0xc6: {  	s3 =	rddreg [dreg:$0x2];
	[bflag:$0x3] =	sbarrier.arrive $0xFFFF;
	s2 =	simm.s32 @!p0 $0x1C02  }
0xc7: {  	[timem:s3], [sflag:s2] =	dma.local @!p0 [hbm:s0], s1  }
0xc8: {  	s0 =	simm.s32 @!p0 $0x2  }
0xc9: {  	_ =	swait.ge @!p0 [sflag:s0], s1  }
0xca: {  	s1 =	ssub.s32 @!p0 $0x0, s1;
	[sflag:s0] =	ssyncset.done @!p0 $0x0  }
0xcb: {  	[sflag:s0] =	ssyncadd.s32 @!p0 s1  }
0xcc: {  	[bflag:$0x3] =	sbarrier.arrive $0xFFFF  }
0xcd: {  	_ =	shalt  }

// kernel: kernel.13.cloned.1.call-start
scs
__scs_entry_jumppad:
0x0: {  	(pc) =	sbr.rel $0x88, $3  }
0x1: {  	(tag) =	ssettag $0x0;
	lr =	simm.s32 $0x1  }
0x2: {  	[smem:$0x3F98] =	sst lr;
	_ =	strace $0xD0000000  }
0x3: {  	_ = 	snop  }
0x4: {  	_ = 	snop  }
0x5: {  	_ = 	snop  }
0x6: {  	_ = 	snop  }
0x7: {  	_ = 	snop  }
__scs_overlays_trampoline_lowered:
0x8: {  	[smem:$0x3FA7] =	sst s0  }
0x9: {  	[smem:$0x3FA8] =	sst s1  }
0xa: {  	[smem:$0x3FA9] =	sst s2  }
0xb: {  	[smem:$0x3FAA] =	sst s3  }
0xc: {  	[smem:$0x3FAB] =	sst s4  }
0xd: {  	[smem:$0x3FAC] =	sst s5  }
0xe: {  	[smem:$0x3FAD] =	sst s6  }
0xf: {  	[smem:$0x3FAE] =	sst s7  }
0x10: {  	[smem:$0x3FAF] =	sst s8  }
0x11: {  	[smem:$0x3FB0] =	sst s9;
	s0 =	simm.s32 @!p0 $0x0  }
0x12: {  	s1 =	sld [smem:$0x3F96];
	s0 =	simm.s32 @p0 $0x1  }
0x13: {  	[smem:$0x3FB1] =	sst s0;
	s0 =	simm.s32 @!p1 $0x0  }
0x14: {  	s2 =	sld [smem:$0x3F95];
	s0 =	simm.s32 @p1 $0x1  }
0x15: {  	[smem:$0x3FB2] =	sst s0;
	s0 =	simm.s32 @!p2 $0x0  }
0x16: {  	s3 =	sld [smem:$0x3FDB];
	s0 =	simm.s32 @p2 $0x1  }
0x17: {  	s4 =	simm.s32 $0x1BF5;
	[smem:$0x3FB4] =	sst s0  }
0x18: {  	s0 =	sld [smem:$0x3F97];
	_ =	swait.ge [sflag:s4], $0x0  }
0x19: {  	s7 =	sld [smem:$0x3F98]  }
0x1a: {  	s8 =	sadd.s32 $0xFFFFE003, lr  }
0x1b: {  	s9 =	sadd.s32 $0xFFFFFEF7, lr;
	s5 =	simm.s32 $0xFFFFFFFF;
	p2 =	slt.u32 s8, $0xFFFFF086  }
0x1c: {  	p1 =	slt.u32 s9, $0xF7A;
	s5 =	simm.s32 @!p2 $0x0  }
0x1d: {  	s5 =	simm.s32 @p1 $0x1;
	p0 =	seq.s32 s7, s2  }
0x1e: {  	s7 =	smul.u32 @!p0 $0xF7A, s2;
	p2 =	seq.s32 @!p0 s5, $0x0  }
0x1f: {  	s9 =	smul.u32 $0xF7A, s1;
	s8 =	simm.s32 @!p0 $0x1BF5;
	p2 =	por !p2, p0  }
0x20: {  	[sflag:s8] =	ssyncset.s32 @!p0 $0xFFFFF086;
	s6 =	sadd.s32 @!p0 s3, s7;
	s7 =	simm.s32 @!p0 $0x108  }
0x21: {  	s3 =	sadd.s32 s3, s9;
	s6 =	sadd.s32 @!p0 $0x88, s6;
	s7 =	simm.s32 @p2 $0x1082  }
0x22: {  	[simem:s7], [sflag:s8] =	dma.local @!p0 [hbm:s6], $0xF7A  }
0x23: {  	s9 =	sor.u32 $0xD0000000, s2;
	s6 =	simm.s32 $0x108;
	_ =	swait.ge @!p0 [sflag:s8], $0x0  }
0x24: {  	s3 =	sadd.s32 $0x88, s3;
	s6 =	simm.s32 @!p1 $0x1082;
	[sflag:s4] =	ssyncset.s32 $0xFFFFF086  }
0x25: {  	[simem:s6], [sflag:s4] =	dma.local [hbm:s3], $0xF7A  }
0x26: {  	[smem:$0x3F98] =	sst s1;
	(tag) =	ssettag s2;
	_ =	strace s9  }
0x27: {  	s1 =	sld [smem:$0x3FA8]  }
0x28: {  	s2 =	sld [smem:$0x3FA9]  }
0x29: {  	s4 =	sld [smem:$0x3FAB]  }
0x2a: {  	p0 =	seq.s32 s5, $0x0;
	s5 =	sld [smem:$0x3FAC]  }
0x2b: {  	s6 =	sld [smem:$0x3FAD]  }
0x2c: {  	s7 =	sld [smem:$0x3FAE]  }
0x2d: {  	s3 =	simm.s32 $0x108;
	s8 =	sld [smem:$0x3FAF]  }
0x2e: {  	s3 =	simm.s32 @!p0 $0x1082;
	s9 =	sld [smem:$0x3FB0]  }
0x2f: {  	lr =	sadd.s32 s0, s3;
	s0 =	sld [smem:$0x3FA7]  }
0x30: {  	s3 =	sld [smem:$0x3FAA]  }
0x31: {  	[smem:$0x3FB3] =	sst s10  }
0x32: {  	s10 =	sld [smem:$0x3FB1];
	_ =	sdelay $0x3  }
0x33: {  	p0 =	seq.s32 s10, $0x1;
	s10 =	sld [smem:$0x3FB3];
	_ =	sdelay $0x3  }
0x34: {  	[smem:$0x3FB3] =	sst s10  }
0x35: {  	s10 =	sld [smem:$0x3FB2];
	_ =	sdelay $0x3  }
0x36: {  	p1 =	seq.s32 s10, $0x1;
	s10 =	sld [smem:$0x3FB3];
	_ =	sdelay $0x3  }
0x37: {  	[smem:$0x3FB3] =	sst s10  }
0x38: {  	s10 =	sld [smem:$0x3FB4]  }
0x39: {  	_ = 	snop;
	(pc) =	sbr.ind lr, $3  }
0x3a: {  	_ = 	snop  }
0x3b: {  	_ = 	snop  }
0x3c: {  	p2 =	seq.s32 s10, $0x1;
	s10 =	sld [smem:$0x3FB3]  }
0x3d: {  	_ =	shalt  }
0x3e: {  	_ =	shalt  }
0x3f: {  	_ =	shalt  }
0x40: {  	_ =	shalt  }
0x41: {  	_ =	shalt  }
0x42: {  	_ =	shalt  }
0x43: {  	_ =	shalt  }
0x44: {  	_ =	shalt  }
0x45: {  	_ =	shalt  }
0x46: {  	_ =	shalt  }
0x47: {  	_ =	shalt  }
0x48: {  	_ =	shalt  }
0x49: {  	_ =	shalt  }
0x4a: {  	_ =	shalt  }
0x4b: {  	_ =	shalt  }
0x4c: {  	_ =	shalt  }
0x4d: {  	_ =	shalt  }
0x4e: {  	_ =	shalt  }
0x4f: {  	_ =	shalt  }
0x50: {  	_ =	shalt  }
0x51: {  	_ =	shalt  }
0x52: {  	_ =	shalt  }
0x53: {  	_ =	shalt  }
0x54: {  	_ =	shalt  }
0x55: {  	_ =	shalt  }
0x56: {  	_ =	shalt  }
0x57: {  	_ =	shalt  }
0x58: {  	_ =	shalt  }
0x59: {  	_ =	shalt  }
0x5a: {  	_ =	shalt  }
0x5b: {  	_ =	shalt  }
0x5c: {  	_ =	shalt  }
0x5d: {  	_ =	shalt  }
0x5e: {  	_ =	shalt  }
0x5f: {  	_ =	shalt  }
0x60: {  	_ =	shalt  }
0x61: {  	_ =	shalt  }
0x62: {  	_ =	shalt  }
0x63: {  	_ =	shalt  }
0x64: {  	_ =	shalt  }
0x65: {  	_ =	shalt  }
0x66: {  	_ =	shalt  }
0x67: {  	_ =	shalt  }
0x68: {  	_ =	shalt  }
0x69: {  	_ =	shalt  }
0x6a: {  	_ =	shalt  }
0x6b: {  	_ =	shalt  }
0x6c: {  	_ =	shalt  }
0x6d: {  	_ =	shalt  }
0x6e: {  	_ =	shalt  }
0x6f: {  	_ =	shalt  }
0x70: {  	_ =	shalt  }
0x71: {  	_ =	shalt  }
0x72: {  	_ =	shalt  }
0x73: {  	_ =	shalt  }
0x74: {  	_ =	shalt  }
0x75: {  	_ =	shalt  }
0x76: {  	_ =	shalt  }
0x77: {  	_ =	shalt  }
0x78: {  	_ =	shalt  }
0x79: {  	_ =	shalt  }
0x7a: {  	_ =	shalt  }
0x7b: {  	_ =	shalt  }
0x7c: {  	_ =	shalt  }
0x7d: {  	_ =	shalt  }
0x7e: {  	_ =	shalt  }
0x7f: {  	_ =	shalt  }
0x80: {  	_ =	shalt  }
0x81: {  	_ =	shalt  }
0x82: {  	_ =	shalt  }
0x83: {  	_ =	shalt  }
0x84: {  	_ =	shalt  }
0x85: {  	_ =	shalt  }
0x86: {  	_ =	shalt  }
0x87: {  	_ =	shalt  }
.Lfunc_end0:
.L_simem_size_0:
called_computation.1_lowered:
.L_overlay_start_0:
0x88: {  	s2 =	sld [smem:$0x3FD9]  }
0x89: {  	s3 =	sld [smem:$0x3FFE];
	_ =	sdelay $0x1  }
0x8a: {  	s1 =	srdreg.scid  }
0x8b: {  	s0 =	sand.u32 $0x1, s1  }
0x8c: {  	s16 =	sshll.u32 s0, $0xA;
	s2 =	sadd.s32 s3, s2  }
0x8d: {  	s2 =	sadd.s32 s2, s16  }
0x8e: {  	[smem:$0x3FBF] =	sst s2  }
0x8f: {  	_ = 	snop  }
0x90: {  	(tm) =	ssettm $0x1  }
0x91: {  	s17 =	sld [smem:$0x3FFB];
	_ =	sdelay $0x3  }
0x92: {  	_ =	strace s17  }
0x93: {  	s2 =	sld [smem:$0x3FFC];
	_ =	sdelay $0x3  }
0x94: {  	_ =	strace s2  }
0x95: {  	s2 =	sld [smem:$0x3FFD];
	_ =	sdelay $0x3  }
0x96: {  	_ =	strace s2  }
0x97: {  	_ =	strace $0x8FFFFFFF  }
0x98: {  	s18 =	sld [smem:$0x3FDB];
	_ =	sdelay $0x1  }
0x99: {  	s19 =	simm.s32 $_scs_section_size  }
0x9a: {  	s4 =	simm.s32 $_size__tile_overlayer_lowered;
	s5 =	simm.s32 $_tile_overlayer_lowered  }
0x9b: {  	s22 =	simm.s32 $0x1BFF;
	s21 =	sshll.u32 s5, $0x1;
	s2 =	sadd.s32 s19, s18  }
0x9c: {  	s6 =	simm.s32 $0x0;
	s20 =	sshll.u32 s4, $0x1;
	s4 =	sadd.s32 s21, s2  }
0x9d: {  	[timem:s6], [sflag:s22] =	dma.local [hbm:s4], s20  }
0x9e: {  	_ =	swait.ge [sflag:s22], s20  }
0x9f: {  	s3 =	ssub.s32 $0x0, s20;
	[sflag:s22] =	ssyncset.done $0x0  }
0xa0: {  	[sflag:s22] =	ssyncadd.s32 s3;
	_ =	sdelay $0x1  }
0xa1: {  	s23 =	simm.s32 $0x1B8B  }
0xa2: {  	_ =	swait.ge [sflag:s23], $0x1  }
0xa3: {  	[sflag:s23] =	ssyncset.done $0x0  }
0xa4: {  	s25 =	simm.s32 $0x1B8E;
	s24 =	sld [smem:$0x3FFE];
	[sflag:s23] =	ssyncadd.s32 $0xFFFFFFFF  }
0xa5: {  	s26 =	simm.s32 $execute0_lowered;
	[smem:$0x3FD2] =	sst s25  }
0xa6: {  	s4 =	sshll.u32 s26, $0x1;
	_ =	strace $0x80000049;
	[dreg:$0x1] =	wrdreg $0xFFFFFFFF  }
0xa7: {  	s28 =	simm.s32 $_size_execute0_lowered;
	s2 =	sadd.s32 s2, s4;
	[dreg:$0x0] =	wrdreg $0x0  }
0xa8: {  	s4 =	sshll.u32 s28, $0x1;
	[dreg:$0x2] =	wrdreg s2  }
0xa9: {  	[dreg:$0x3] =	wrdreg s4  }
0xaa: {  	[dreg:$0x4] =	wrdreg $0xC0  }
0xab: {  	_ =	task [dreg:s6], $0x5FFFF  }
0xac: {  	[dreg:$0x1] =	wrdreg $0xFFFFFFFF  }
0xad: {  	[dreg:$0x0] =	wrdreg $0x60  }
0xae: {  	[dreg:$0x2] =	wrdreg s24  }
0xaf: {  	[dreg:$0x3] =	wrdreg $0xBD000  }
0xb0: {  	[dreg:$0x4] =	wrdreg $0x9  }
0xb1: {  	_ =	task.clear_ibuf [dreg:s6], $0x5FFFF;
	_ =	strace $0x90000049  }
0xb2: {  	s29 =	simm.s32 $0x9;
	_ =	strace $0x8000004B  }
0xb3: {  	_ =	swait.ge [sflag:s29], $0x1  }
0xb4: {  	[sflag:s29] =	ssyncadd.s32 $0xFFFFFFFF  }
0xb5: {  	_ =	strace $0x9000004B  }
0xb6: {  	_ =	sfence  }
0xb7: {  	s30 =	sld [smem:$0x0];
	_ =	sdelay $0x2  }
0xb8: {  	s31 =	sshll.u32 s1, $0xD;
	s1 =	sshrl.u32 s1, $0x2  }
0xb9: {  	s3 =	sand.u32 $0x4000, s31;
	s1 =	sadd.s32 s1, s30  }
0xba: {  	s0 =	sor.u32 s3, s0;
	s1 =	sshll.u32 s1, $0x11  }
0xbb: {  	s0 =	sor.u32 s1, s0  }
0xbc: {  	s0 =	sadd.s32 $0x8F2B, s0  }
0xbd: {  	[sflag:s0] =	ssyncadd.remote.s32 $0x1  }
0xbe: {  	_ =	sfence.sel $0xFFFF  }
0xbf: {  	[dreg:$0x0] =	wrdreg $0xFFFFFFFF;
	(pc) =	sbr.abs _section_cstart, $3  }
0xc0: {  	[dreg:$0x1] =	wrdreg $0xFFFFFFFF  }
0xc1: {  	_ =	task.clear_ibuf [dreg:s6], $0x2FFFF;
	_ =	strace $0x9FFFFFFF  }
0xc2: {  	(tm) =	ssettm $0x7FFFFFFF  }
0xc3: {  	_ =	shalt  }
tec
execute0_lowered:
.L_overlay_start_1:
0x0: {  	(tag) =	ssettag $0x1  }
0x1: {  	s0 =	rddreg [dreg:$0x0]  }
0x2: {  	s2 =	rddreg [dreg:$0x1]  }
0x3: {  	s7 =	stileid.u32;
	s1 =	srdreg.scid;
	s3 =	simm.s32 $0x0  }
0x4: {  	s28 =	simm.s32 $0x2;
	s29 =	simm.s32 $0x80;
	s4 =	smul.u32 $0x9D0, s7  }
0x5: {  	s30 =	simm.s32 $0x1;
	s1 =	sand.u32 $0x1, s1;
	s19 =	smul.u32 $0xA000, s7  }
0x6: {  	s31 =	simm.s32 $0x0;
	[smem:$0x7FF] =	sst s3;
	s5 =	smul.u32 $0x14000, s1  }
0x7: {  	_ =	strace $0x8000004A;
	s1 =	ssub.s32 $0x2, s1;
	s6 =	sadd.s32 s4, s0  }
0x8: {  	s21 =	sshrl.u32 s1, $0x1;
	s8 =	sadd.s32 s19, s2;
	s23 =	sadd.s32 $0x2000, s19  }
0x9: {  	s10 =	sshrl.u32 s19, $0x3;
	s24 =	sadd.s32 $0x4000, s19;
	s25 =	sadd.s32 $0x6000, s19  }
0xa: {  	s26 =	sadd.s32 $0x8000, s19;
	s0 =	sadd.s32 s5, s0;
	s1 =	ssub.s32 s1, s21  }
0xb: {  	s22 =	sadd.s32 $0x65600, s6;
	s5 =	sadd.s32 $0x1800, s6;
	s11 =	sshrl.u32 s23, $0x3  }
0xc: {  	s14 =	sshrl.u32 s24, $0x3;
	s15 =	sadd.s32 s23, s2;
	s17 =	sadd.s32 s24, s2  }
0xd: {  	s18 =	sshrl.u32 s25, $0x3;
	s20 =	sadd.s32 s25, s2;
	s21 =	sshrl.u32 s26, $0x3  }
0xe: {  	s23 =	sadd.s32 s26, s2;
	s25 =	simm.s32 $0x9D00;
	s26 =	simm.s32 $0x3  }
0xf: {  	[dreg:$0x3] =	wrdreg s22;
	s6 =	sadd.s32 $0xB600, s0;
	s7 =	sadd.s32 $0x33600, s0  }
0x10: {  	s9 =	smax.u32 s1, $0x1;
	s12 =	sadd.s32 s10, s6;
	s13 =	sadd.s32 s11, s6  }
0x11: {  	s16 =	sadd.s32 s14, s6;
	s19 =	sadd.s32 s18, s6;
	s22 =	sadd.s32 s21, s6  }
.LBB2_1:
0x12: {  	s0 =	rddreg [dreg:$0x3]  }
0x13: {  	[tilespmem:s3], [sflag:$0x2] =	stream.linear.gather [hbm4b:s0+s3], $0x4E80, $0x38;
	[tilespmem:$0x15D00] =	vst v63  }
0x14: {  	s1 =	simm.s32 $0x4E80  }
0x15: {  	[tilespmem:s1], [sflag:$0x2] =	stream.linear.gather [hbm4b:s5+s3], $0x4E80, $0x38;
	[tilespmem:$0x15D00] =	vst v63  }
0x16: {  	_ = 	snop  }
0x17: {  	[tilespmem:s25], [sflag:$0x3] =	stream.linear.gather [hbm4b:s12+s3], $0x2000, $0x38;
	[tilespmem:$0x15D00] =	vst v63  }
0x18: {  	_ =	swait.ge [sflag:s26], $0x2000  }
0x19: {  	[sflag:s26] =	ssyncset.done $0x0  }
0x1a: {  	[sflag:s26] =	ssyncadd.s32 $0xFFFFE000  }
0x1b: {  	[spmem:s8] =	stream.linear.scatter [tilespmem:s25], [sflag:$0x3], $0x2000, $0x38;
	[tilespmem:$0x15D00] =	vst v63  }
0x1c: {  	_ =	swait.ge [sflag:s26], $0x2000  }
0x1d: {  	[sflag:s26] =	ssyncset.done $0x0  }
0x1e: {  	[sflag:s26] =	ssyncadd.s32 $0xFFFFE000  }
0x1f: {  	[tilespmem:s25], [sflag:$0x3] =	stream.linear.gather [hbm4b:s13+s3], $0x2000, $0x38;
	[tilespmem:$0x15D00] =	vst v63  }
0x20: {  	_ =	swait.ge [sflag:s26], $0x2000  }
0x21: {  	[sflag:s26] =	ssyncset.done $0x0  }
0x22: {  	[sflag:s26] =	ssyncadd.s32 $0xFFFFE000  }
0x23: {  	[spmem:s15] =	stream.linear.scatter [tilespmem:s25], [sflag:$0x3], $0x2000, $0x38;
	[tilespmem:$0x15D00] =	vst v63  }
0x24: {  	_ =	swait.ge [sflag:s26], $0x2000  }
0x25: {  	[sflag:s26] =	ssyncset.done $0x0  }
0x26: {  	[sflag:s26] =	ssyncadd.s32 $0xFFFFE000  }
0x27: {  	[tilespmem:s25], [sflag:$0x3] =	stream.linear.gather [hbm4b:s16+s3], $0x2000, $0x38;
	[tilespmem:$0x15D00] =	vst v63  }
0x28: {  	_ =	swait.ge [sflag:s26], $0x2000  }
0x29: {  	[sflag:s26] =	ssyncset.done $0x0  }
0x2a: {  	[sflag:s26] =	ssyncadd.s32 $0xFFFFE000  }
0x2b: {  	[spmem:s17] =	stream.linear.scatter [tilespmem:s25], [sflag:$0x3], $0x2000, $0x38;
	[tilespmem:$0x15D00] =	vst v63  }
0x2c: {  	_ =	swait.ge [sflag:s26], $0x2000  }
0x2d: {  	[sflag:s26] =	ssyncset.done $0x0  }
0x2e: {  	[sflag:s26] =	ssyncadd.s32 $0xFFFFE000  }
0x2f: {  	[tilespmem:s25], [sflag:$0x3] =	stream.linear.gather [hbm4b:s19+s3], $0x2000, $0x38;
	[tilespmem:$0x15D00] =	vst v63  }
0x30: {  	_ =	swait.ge [sflag:s26], $0x2000  }
0x31: {  	[sflag:s26] =	ssyncset.done $0x0  }
0x32: {  	[sflag:s26] =	ssyncadd.s32 $0xFFFFE000  }
0x33: {  	[spmem:s20] =	stream.linear.scatter [tilespmem:s25], [sflag:$0x3], $0x2000, $0x38;
	[tilespmem:$0x15D00] =	vst v63  }
0x34: {  	_ =	swait.ge [sflag:s26], $0x2000  }
0x35: {  	[sflag:s26] =	ssyncset.done $0x0  }
0x36: {  	[sflag:s26] =	ssyncadd.s32 $0xFFFFE000  }
0x37: {  	[tilespmem:s25], [sflag:$0x3] =	stream.linear.gather [hbm4b:s22+s3], $0x2000, $0x38;
	[tilespmem:$0x15D00] =	vst v63  }
0x38: {  	_ =	swait.ge [sflag:s26], $0x2000  }
0x39: {  	[sflag:s26] =	ssyncset.done $0x0  }
0x3a: {  	[sflag:s26] =	ssyncadd.s32 $0xFFFFE000  }
0x3b: {  	[spmem:s23] =	stream.linear.scatter [tilespmem:s25], [sflag:$0x3], $0x2000, $0x38;
	[tilespmem:$0x15D00] =	vst v63  }
0x3c: {  	_ =	swait.ge [sflag:s26], $0x2000  }
0x3d: {  	[sflag:s26] =	ssyncset.done $0x0  }
0x3e: {  	[sflag:s26] =	ssyncadd.s32 $0xFFFFE000  }
0x3f: {  	_ =	swait.ge [sflag:s28], $0x4E80  }
0x40: {  	[sflag:s28] =	ssyncset.done $0x0  }
0x41: {  	[sflag:s28] =	ssyncadd.s32 $0xFFFFB180  }
0x42: {  	_ =	swait.ge [sflag:s28], $0x4E80  }
0x43: {  	[sflag:s28] =	ssyncset.done $0x0  }
0x44: {  	[sflag:s28] =	ssyncadd.s32 $0xFFFFB180  }
0x45: {  	s4 =	simm.s32 $0x0;
	[bflag:$0x0] =	sbarrier.arrive $0xFFFF  }
0x46: {  	[tilespmem:s25], [sflag:$0x1] =	stream.indirect.gather [hbm4b:s6+s29], $0x40, s4, s29, $0xb8;
	[tilespmem:$0x15D00] =	vst v63  }
0x47: {  	_ =	swait.ge [sflag:s30], $0x2000  }
0x48: {  	[sflag:s30] =	ssyncset.done $0x0  }
0x49: {  	s24 =	simm.s32 $0x4E80;
	[sflag:s30] =	ssyncadd.s32 $0xFFFFE000  }
0x4a: {  	[spmem:s2] =	stream.indirect.scatter.add.f32 [tilespmem:s25], [sflag:$0x3], $0x40, s24, s29, $0xb8;
	[tilespmem:$0x15D00] =	vst v63  }
0x4b: {  	_ =	swait.ge [sflag:s26], $0x2000  }
0x4c: {  	s0 =	simm.s32 $0x200;
	s1 =	simm.s32 $0x400;
	[sflag:s26] =	ssyncset.done $0x0  }
.LBB2_2:
0x4d: {  	s24 =	sshra.s32 s0, $0x2  }
0x4e: {  	[sflag:s26] =	ssyncadd.s32 $0xFFFFE000;
	s0 =	smov.u32 s1;
	s4 =	sadd.s32 $0x200, s1  }
0x4f: {  	[tilespmem:s25], [sflag:$0x1] =	stream.indirect.gather [hbm4b:s6+s29], $0x40, s24, s29, $0xb8;
	[tilespmem:$0x15D00] =	vst v63  }
0x50: {  	p0 =	sne.s32 s1, $0x13800;
	_ =	swait.ge [sflag:s30], $0x2000  }
.Ltmp0:
0x51: {  	[sflag:s30] =	ssyncset.done $0x0;
	(pc) =	sbr.rel @p0 .LBB2_2-.Ltmp0, $4  }
0x52: {  	s1 =	sadd.s32 $0x4E80, s24;
	[sflag:s30] =	ssyncadd.s32 $0xFFFFE000  }
0x53: {  	[spmem:s2] =	stream.indirect.scatter.add.f32 [tilespmem:s25], [sflag:$0x3], $0x40, s1, s29, $0xb8;
	[tilespmem:$0x15D00] =	vst v63  }
0x54: {  	_ =	swait.ge [sflag:s26], $0x2000  }
0x55: {  	s1 =	smov.u32 s4;
	[sflag:s26] =	ssyncset.done $0x0  }
0x56: {  	s0 =	sshra.s32 s0, $0x2;
	[sflag:s26] =	ssyncadd.s32 $0xFFFFE000  }
0x57: {  	[tilespmem:s25], [sflag:$0x1] =	stream.indirect.gather [hbm4b:s6+s29], $0x40, s0, s29, $0xb8;
	[tilespmem:$0x15D00] =	vst v63  }
0x58: {  	_ =	swait.ge [sflag:s30], $0x2000  }
0x59: {  	[sflag:s30] =	ssyncset.done $0x0  }
0x5a: {  	s0 =	sadd.s32 $0x4E80, s0;
	[sflag:s30] =	ssyncadd.s32 $0xFFFFE000  }
0x5b: {  	[spmem:s2] =	stream.indirect.scatter.add.f32 [tilespmem:s25], [sflag:$0x3], $0x40, s0, s29, $0xb8;
	[tilespmem:$0x15D00] =	vst v63  }
0x5c: {  	_ =	swait.ge [sflag:s26], $0x2000  }
0x5d: {  	[sflag:s26] =	ssyncset.done $0x0  }
0x5e: {  	[sflag:s26] =	ssyncadd.s32 $0xFFFFE000  }
0x5f: {  	[bflag:$0x0] =	sbarrier.arrive $0xFFFF  }
0x60: {  	[tilespmem:s25], [sflag:$0x3] =	stream.linear.gather [spmem:s8], $0x2000, $0x38;
	[tilespmem:$0x15D00] =	vst v63  }
0x61: {  	_ =	swait.ge [sflag:s26], $0x2000  }
0x62: {  	[sflag:s26] =	ssyncset.done $0x0  }
0x63: {  	s4 =	sadd.s32 s10, s7;
	[sflag:s26] =	ssyncadd.s32 $0xFFFFE000  }
0x64: {  	[hbm4b:s4+s3] =	stream.linear.scatter [tilespmem:s25], [sflag:$0x3], $0x2000, $0x38;
	[tilespmem:$0x15D00] =	vst v63  }
0x65: {  	_ =	swait.ge [sflag:s26], $0x2000  }
0x66: {  	[sflag:s26] =	ssyncset.done $0x0  }
0x67: {  	[sflag:s26] =	ssyncadd.s32 $0xFFFFE000  }
0x68: {  	[tilespmem:s25], [sflag:$0x3] =	stream.linear.gather [spmem:s15], $0x2000, $0x38;
	[tilespmem:$0x15D00] =	vst v63  }
0x69: {  	_ =	swait.ge [sflag:s26], $0x2000  }
0x6a: {  	[sflag:s26] =	ssyncset.done $0x0  }
0x6b: {  	s24 =	sadd.s32 s11, s7;
	[sflag:s26] =	ssyncadd.s32 $0xFFFFE000  }
0x6c: {  	[hbm4b:s24+s3] =	stream.linear.scatter [tilespmem:s25], [sflag:$0x3], $0x2000, $0x38;
	[tilespmem:$0x15D00] =	vst v63  }
0x6d: {  	_ =	swait.ge [sflag:s26], $0x2000  }
0x6e: {  	[sflag:s26] =	ssyncset.done $0x0  }
0x6f: {  	[sflag:s26] =	ssyncadd.s32 $0xFFFFE000  }
0x70: {  	[tilespmem:s25], [sflag:$0x3] =	stream.linear.gather [spmem:s17], $0x2000, $0x38;
	[tilespmem:$0x15D00] =	vst v63  }
0x71: {  	_ =	swait.ge [sflag:s26], $0x2000  }
0x72: {  	[sflag:s26] =	ssyncset.done $0x0  }
0x73: {  	s1 =	sadd.s32 s14, s7;
	[sflag:s26] =	ssyncadd.s32 $0xFFFFE000  }
0x74: {  	[hbm4b:s1+s3] =	stream.linear.scatter [tilespmem:s25], [sflag:$0x3], $0x2000, $0x38;
	[tilespmem:$0x15D00] =	vst v63  }
0x75: {  	_ =	swait.ge [sflag:s26], $0x2000  }
0x76: {  	[sflag:s26] =	ssyncset.done $0x0  }
0x77: {  	[sflag:s26] =	ssyncadd.s32 $0xFFFFE000  }
0x78: {  	[tilespmem:s25], [sflag:$0x3] =	stream.linear.gather [spmem:s20], $0x2000, $0x38;
	[tilespmem:$0x15D00] =	vst v63  }
0x79: {  	_ =	swait.ge [sflag:s26], $0x2000  }
0x7a: {  	[sflag:s26] =	ssyncset.done $0x0  }
0x7b: {  	s4 =	sadd.s32 s18, s7;
	[sflag:s26] =	ssyncadd.s32 $0xFFFFE000  }
0x7c: {  	[hbm4b:s4+s3] =	stream.linear.scatter [tilespmem:s25], [sflag:$0x3], $0x2000, $0x38;
	[tilespmem:$0x15D00] =	vst v63  }
0x7d: {  	_ =	swait.ge [sflag:s26], $0x2000  }
0x7e: {  	[sflag:s26] =	ssyncset.done $0x0  }
0x7f: {  	[sflag:s26] =	ssyncadd.s32 $0xFFFFE000  }
0x80: {  	[tilespmem:s25], [sflag:$0x3] =	stream.linear.gather [spmem:s23], $0x2000, $0x38;
	[tilespmem:$0x15D00] =	vst v63  }
0x81: {  	s31 =	sadd.s32 $0x1, s31;
	_ =	swait.ge [sflag:s26], $0x2000  }
0x82: {  	p0 =	sne.s32 s31, s9;
	[sflag:s26] =	ssyncset.done $0x0  }
.Ltmp1:
0x83: {  	s24 =	sadd.s32 s21, s7;
	[sflag:s26] =	ssyncadd.s32 $0xFFFFE000;
	(pc) =	sbr.rel @p0 .LBB2_1-.Ltmp1, $4  }
0x84: {  	[hbm4b:s24+s3] =	stream.linear.scatter [tilespmem:s25], [sflag:$0x3], $0x2000, $0x38;
	[tilespmem:$0x15D00] =	vst v63  }
0x85: {  	_ =	swait.ge [sflag:s26], $0x2000  }
0x86: {  	[sflag:s26] =	ssyncset.done $0x0  }
0x87: {  	[sflag:s26] =	ssyncadd.s32 $0xFFFFE000  }
0x88: {  	_ =	sfence.sel $0x180000  }
0x89: {  	[bflag:$0x0] =	sbarrier.arrive $0xFFFF  }
0x8a: {  	_ =	strace $0x9000004A  }
0x8b: {  	s0 =	stileid.u32;
	[bflag:$0x2] =	sbarrier.arrive $0xFFFF  }
0x8c: {  	p0 =	sne.s32 s0, $0x0;
	s0 =	rddreg [dreg:$0x2]  }
0x8d: {  	s0 =	sadd.s32 @!p0 $0x100000, s0  }
0x8e: {  	[sflag:s0] =	ssyncadd.tile.s32 @!p0 $0x1;
	_ =	shalt  }
.Lfunc_end2:
_tile_overlayer_lowered:
.L_overlay_start_2:
0x8f: {  	(tag) =	ssettag $0x2  }
0x90: {  	s0 =	rddreg [dreg:$0x0];
	s2 =	stileid.u32  }
0x91: {  	s1 =	rddreg [dreg:$0x1];
	p0 =	sne.s32 s2, $0x0  }
0x92: {  	s3 =	rddreg [dreg:$0x2];
	[bflag:$0x3] =	sbarrier.arrive $0xFFFF;
	s2 =	simm.s32 @!p0 $0x1C03  }
0x93: {  	[timem:s3], [sflag:s2] =	dma.local @!p0 [hbm:s0], s1  }
0x94: {  	s0 =	simm.s32 @!p0 $0x3  }
0x95: {  	_ =	swait.ge @!p0 [sflag:s0], s1  }
0x96: {  	s1 =	ssub.s32 @!p0 $0x0, s1;
	[sflag:s0] =	ssyncset.done @!p0 $0x0  }
0x97: {  	[sflag:s0] =	ssyncadd.s32 @!p0 s1  }
0x98: {  	[bflag:$0x3] =	sbarrier.arrive $0xFFFF  }
0x99: {  	_ =	shalt  }

// kernel: kernel.16.cloned.1.call-start
scs
__scs_entry_jumppad:
0x0: {  	(pc) =	sbr.rel $0x88, $3  }
0x1: {  	(tag) =	ssettag $0x0;
	lr =	simm.s32 $0x1  }
0x2: {  	[smem:$0x3F98] =	sst lr;
	_ =	strace $0xD0000000  }
0x3: {  	_ = 	snop  }
0x4: {  	_ = 	snop  }
0x5: {  	_ = 	snop  }
0x6: {  	_ = 	snop  }
0x7: {  	_ = 	snop  }
__scs_overlays_trampoline_lowered:
0x8: {  	[smem:$0x3FA7] =	sst s0  }
0x9: {  	[smem:$0x3FA8] =	sst s1  }
0xa: {  	[smem:$0x3FA9] =	sst s2  }
0xb: {  	[smem:$0x3FAA] =	sst s3  }
0xc: {  	[smem:$0x3FAB] =	sst s4  }
0xd: {  	[smem:$0x3FAC] =	sst s5  }
0xe: {  	[smem:$0x3FAD] =	sst s6  }
0xf: {  	[smem:$0x3FAE] =	sst s7  }
0x10: {  	[smem:$0x3FAF] =	sst s8  }
0x11: {  	[smem:$0x3FB0] =	sst s9;
	s0 =	simm.s32 @!p0 $0x0  }
0x12: {  	s1 =	sld [smem:$0x3F96];
	s0 =	simm.s32 @p0 $0x1  }
0x13: {  	[smem:$0x3FB1] =	sst s0;
	s0 =	simm.s32 @!p1 $0x0  }
0x14: {  	s2 =	sld [smem:$0x3F95];
	s0 =	simm.s32 @p1 $0x1  }
0x15: {  	[smem:$0x3FB2] =	sst s0;
	s0 =	simm.s32 @!p2 $0x0  }
0x16: {  	s3 =	sld [smem:$0x3FDB];
	s0 =	simm.s32 @p2 $0x1  }
0x17: {  	s4 =	simm.s32 $0x1BF5;
	[smem:$0x3FB4] =	sst s0  }
0x18: {  	s0 =	sld [smem:$0x3F97];
	_ =	swait.ge [sflag:s4], $0x0  }
0x19: {  	s7 =	sld [smem:$0x3F98]  }
0x1a: {  	s8 =	sadd.s32 $0xFFFFE003, lr  }
0x1b: {  	s9 =	sadd.s32 $0xFFFFFEF7, lr;
	s5 =	simm.s32 $0xFFFFFFFF;
	p2 =	slt.u32 s8, $0xFFFFF086  }
0x1c: {  	p1 =	slt.u32 s9, $0xF7A;
	s5 =	simm.s32 @!p2 $0x0  }
0x1d: {  	s5 =	simm.s32 @p1 $0x1;
	p0 =	seq.s32 s7, s2  }
0x1e: {  	s7 =	smul.u32 @!p0 $0xF7A, s2;
	p2 =	seq.s32 @!p0 s5, $0x0  }
0x1f: {  	s9 =	smul.u32 $0xF7A, s1;
	s8 =	simm.s32 @!p0 $0x1BF5;
	p2 =	por !p2, p0  }
0x20: {  	[sflag:s8] =	ssyncset.s32 @!p0 $0xFFFFF086;
	s6 =	sadd.s32 @!p0 s3, s7;
	s7 =	simm.s32 @!p0 $0x108  }
0x21: {  	s3 =	sadd.s32 s3, s9;
	s6 =	sadd.s32 @!p0 $0x88, s6;
	s7 =	simm.s32 @p2 $0x1082  }
0x22: {  	[simem:s7], [sflag:s8] =	dma.local @!p0 [hbm:s6], $0xF7A  }
0x23: {  	s9 =	sor.u32 $0xD0000000, s2;
	s6 =	simm.s32 $0x108;
	_ =	swait.ge @!p0 [sflag:s8], $0x0  }
0x24: {  	s3 =	sadd.s32 $0x88, s3;
	s6 =	simm.s32 @!p1 $0x1082;
	[sflag:s4] =	ssyncset.s32 $0xFFFFF086  }
0x25: {  	[simem:s6], [sflag:s4] =	dma.local [hbm:s3], $0xF7A  }
0x26: {  	[smem:$0x3F98] =	sst s1;
	(tag) =	ssettag s2;
	_ =	strace s9  }
0x27: {  	s1 =	sld [smem:$0x3FA8]  }
0x28: {  	s2 =	sld [smem:$0x3FA9]  }
0x29: {  	s4 =	sld [smem:$0x3FAB]  }
0x2a: {  	p0 =	seq.s32 s5, $0x0;
	s5 =	sld [smem:$0x3FAC]  }
0x2b: {  	s6 =	sld [smem:$0x3FAD]  }
0x2c: {  	s7 =	sld [smem:$0x3FAE]  }
0x2d: {  	s3 =	simm.s32 $0x108;
	s8 =	sld [smem:$0x3FAF]  }
0x2e: {  	s3 =	simm.s32 @!p0 $0x1082;
	s9 =	sld [smem:$0x3FB0]  }
0x2f: {  	lr =	sadd.s32 s0, s3;
	s0 =	sld [smem:$0x3FA7]  }
0x30: {  	s3 =	sld [smem:$0x3FAA]  }
0x31: {  	[smem:$0x3FB3] =	sst s10  }
0x32: {  	s10 =	sld [smem:$0x3FB1];
	_ =	sdelay $0x3  }
0x33: {  	p0 =	seq.s32 s10, $0x1;
	s10 =	sld [smem:$0x3FB3];
	_ =	sdelay $0x3  }
0x34: {  	[smem:$0x3FB3] =	sst s10  }
0x35: {  	s10 =	sld [smem:$0x3FB2];
	_ =	sdelay $0x3  }
0x36: {  	p1 =	seq.s32 s10, $0x1;
	s10 =	sld [smem:$0x3FB3];
	_ =	sdelay $0x3  }
0x37: {  	[smem:$0x3FB3] =	sst s10  }
0x38: {  	s10 =	sld [smem:$0x3FB4]  }
0x39: {  	_ = 	snop;
	(pc) =	sbr.ind lr, $3  }
0x3a: {  	_ = 	snop  }
0x3b: {  	_ = 	snop  }
0x3c: {  	p2 =	seq.s32 s10, $0x1;
	s10 =	sld [smem:$0x3FB3]  }
0x3d: {  	_ =	shalt  }
0x3e: {  	_ =	shalt  }
0x3f: {  	_ =	shalt  }
0x40: {  	_ =	shalt  }
0x41: {  	_ =	shalt  }
0x42: {  	_ =	shalt  }
0x43: {  	_ =	shalt  }
0x44: {  	_ =	shalt  }
0x45: {  	_ =	shalt  }
0x46: {  	_ =	shalt  }
0x47: {  	_ =	shalt  }
0x48: {  	_ =	shalt  }
0x49: {  	_ =	shalt  }
0x4a: {  	_ =	shalt  }
0x4b: {  	_ =	shalt  }
0x4c: {  	_ =	shalt  }
0x4d: {  	_ =	shalt  }
0x4e: {  	_ =	shalt  }
0x4f: {  	_ =	shalt  }
0x50: {  	_ =	shalt  }
0x51: {  	_ =	shalt  }
0x52: {  	_ =	shalt  }
0x53: {  	_ =	shalt  }
0x54: {  	_ =	shalt  }
0x55: {  	_ =	shalt  }
0x56: {  	_ =	shalt  }
0x57: {  	_ =	shalt  }
0x58: {  	_ =	shalt  }
0x59: {  	_ =	shalt  }
0x5a: {  	_ =	shalt  }
0x5b: {  	_ =	shalt  }
0x5c: {  	_ =	shalt  }
0x5d: {  	_ =	shalt  }
0x5e: {  	_ =	shalt  }
0x5f: {  	_ =	shalt  }
0x60: {  	_ =	shalt  }
0x61: {  	_ =	shalt  }
0x62: {  	_ =	shalt  }
0x63: {  	_ =	shalt  }
0x64: {  	_ =	shalt  }
0x65: {  	_ =	shalt  }
0x66: {  	_ =	shalt  }
0x67: {  	_ =	shalt  }
0x68: {  	_ =	shalt  }
0x69: {  	_ =	shalt  }
0x6a: {  	_ =	shalt  }
0x6b: {  	_ =	shalt  }
0x6c: {  	_ =	shalt  }
0x6d: {  	_ =	shalt  }
0x6e: {  	_ =	shalt  }
0x6f: {  	_ =	shalt  }
0x70: {  	_ =	shalt  }
0x71: {  	_ =	shalt  }
0x72: {  	_ =	shalt  }
0x73: {  	_ =	shalt  }
0x74: {  	_ =	shalt  }
0x75: {  	_ =	shalt  }
0x76: {  	_ =	shalt  }
0x77: {  	_ =	shalt  }
0x78: {  	_ =	shalt  }
0x79: {  	_ =	shalt  }
0x7a: {  	_ =	shalt  }
0x7b: {  	_ =	shalt  }
0x7c: {  	_ =	shalt  }
0x7d: {  	_ =	shalt  }
0x7e: {  	_ =	shalt  }
0x7f: {  	_ =	shalt  }
0x80: {  	_ =	shalt  }
0x81: {  	_ =	shalt  }
0x82: {  	_ =	shalt  }
0x83: {  	_ =	shalt  }
0x84: {  	_ =	shalt  }
0x85: {  	_ =	shalt  }
0x86: {  	_ =	shalt  }
0x87: {  	_ =	shalt  }
.Lfunc_end0:
.L_simem_size_0:
called_computation.2_lowered:
.L_overlay_start_0:
0x88: {  	s2 =	sld [smem:$0x3FD9]  }
0x89: {  	s3 =	sld [smem:$0x3FFE];
	_ =	sdelay $0x1  }
0x8a: {  	s1 =	srdreg.scid  }
0x8b: {  	s0 =	sand.u32 $0x1, s1  }
0x8c: {  	s16 =	sshll.u32 s0, $0xA;
	s2 =	sadd.s32 s3, s2  }
0x8d: {  	s2 =	sadd.s32 s2, s16  }
0x8e: {  	[smem:$0x3FBF] =	sst s2  }
0x8f: {  	_ = 	snop  }
0x90: {  	(tm) =	ssettm $0x1  }
0x91: {  	s17 =	sld [smem:$0x3FFB];
	_ =	sdelay $0x3  }
0x92: {  	_ =	strace s17  }
0x93: {  	s2 =	sld [smem:$0x3FFC];
	_ =	sdelay $0x3  }
0x94: {  	_ =	strace s2  }
0x95: {  	s2 =	sld [smem:$0x3FFD];
	_ =	sdelay $0x3  }
0x96: {  	_ =	strace s2  }
0x97: {  	_ =	strace $0x8FFFFFFF  }
0x98: {  	s18 =	sld [smem:$0x3FDB];
	_ =	sdelay $0x1  }
0x99: {  	s19 =	simm.s32 $_scs_section_size  }
0x9a: {  	s4 =	simm.s32 $_size__tile_overlayer_lowered;
	s5 =	simm.s32 $_tile_overlayer_lowered  }
0x9b: {  	s22 =	simm.s32 $0x1BFF;
	s21 =	sshll.u32 s5, $0x1;
	s2 =	sadd.s32 s19, s18  }
0x9c: {  	s6 =	simm.s32 $0x0;
	s20 =	sshll.u32 s4, $0x1;
	s4 =	sadd.s32 s21, s2  }
0x9d: {  	[timem:s6], [sflag:s22] =	dma.local [hbm:s4], s20  }
0x9e: {  	_ =	swait.ge [sflag:s22], s20  }
0x9f: {  	s3 =	ssub.s32 $0x0, s20;
	[sflag:s22] =	ssyncset.done $0x0  }
0xa0: {  	[sflag:s22] =	ssyncadd.s32 s3;
	_ =	sdelay $0x1  }
0xa1: {  	s23 =	simm.s32 $0x1B8B  }
0xa2: {  	_ =	swait.ge [sflag:s23], $0x1  }
0xa3: {  	[sflag:s23] =	ssyncset.done $0x0  }
0xa4: {  	s25 =	simm.s32 $0x1B8E;
	s24 =	sld [smem:$0x3FFE];
	[sflag:s23] =	ssyncadd.s32 $0xFFFFFFFF  }
0xa5: {  	s26 =	simm.s32 $execute0_lowered;
	[smem:$0x3FD2] =	sst s25  }
0xa6: {  	s4 =	sshll.u32 s26, $0x1;
	_ =	strace $0x8000004C;
	[dreg:$0x1] =	wrdreg $0xFFFFFFFF  }
0xa7: {  	s28 =	simm.s32 $_size_execute0_lowered;
	s2 =	sadd.s32 s2, s4;
	[dreg:$0x0] =	wrdreg $0x0  }
0xa8: {  	s4 =	sshll.u32 s28, $0x1;
	[dreg:$0x2] =	wrdreg s2  }
0xa9: {  	[dreg:$0x3] =	wrdreg s4  }
0xaa: {  	[dreg:$0x4] =	wrdreg $0xC0  }
0xab: {  	_ =	task [dreg:s6], $0x5FFFF  }
0xac: {  	[dreg:$0x1] =	wrdreg $0xFFFFFFFF  }
0xad: {  	[dreg:$0x0] =	wrdreg $0x60  }
0xae: {  	[dreg:$0x2] =	wrdreg s24  }
0xaf: {  	[dreg:$0x3] =	wrdreg $0xBD000  }
0xb0: {  	[dreg:$0x4] =	wrdreg $0x9  }
0xb1: {  	_ =	task.clear_ibuf [dreg:s6], $0x5FFFF;
	_ =	strace $0x9000004C  }
0xb2: {  	s29 =	simm.s32 $0x9;
	_ =	strace $0x8000004E  }
0xb3: {  	_ =	swait.ge [sflag:s29], $0x1  }
0xb4: {  	[sflag:s29] =	ssyncadd.s32 $0xFFFFFFFF  }
0xb5: {  	_ =	strace $0x9000004E  }
0xb6: {  	_ =	sfence  }
0xb7: {  	s30 =	sld [smem:$0x0];
	_ =	sdelay $0x2  }
0xb8: {  	s31 =	sshll.u32 s1, $0xD;
	s1 =	sshrl.u32 s1, $0x2  }
0xb9: {  	s3 =	sand.u32 $0x4000, s31;
	s1 =	sadd.s32 s1, s30  }
0xba: {  	s0 =	sor.u32 s3, s0;
	s1 =	sshll.u32 s1, $0x11  }
0xbb: {  	s0 =	sor.u32 s1, s0  }
0xbc: {  	s0 =	sadd.s32 $0x8F2B, s0  }
0xbd: {  	[sflag:s0] =	ssyncadd.remote.s32 $0x1  }
0xbe: {  	_ =	sfence.sel $0xFFFF  }
0xbf: {  	[dreg:$0x0] =	wrdreg $0xFFFFFFFF;
	(pc) =	sbr.abs _section_cstart, $3  }
0xc0: {  	[dreg:$0x1] =	wrdreg $0xFFFFFFFF  }
0xc1: {  	_ =	task.clear_ibuf [dreg:s6], $0x2FFFF;
	_ =	strace $0x9FFFFFFF  }
0xc2: {  	(tm) =	ssettm $0x7FFFFFFF  }
0xc3: {  	_ =	shalt  }
tec
execute0_lowered:
.L_overlay_start_1:
0x0: {  	(tag) =	ssettag $0x1  }
0x1: {  	s0 =	rddreg [dreg:$0x0]  }
0x2: {  	s2 =	rddreg [dreg:$0x1]  }
0x3: {  	s7 =	stileid.u32;
	s1 =	srdreg.scid;
	s3 =	simm.s32 $0x0  }
0x4: {  	s28 =	simm.s32 $0x2;
	s29 =	simm.s32 $0x80;
	s4 =	smul.u32 $0x9D0, s7  }
0x5: {  	s30 =	simm.s32 $0x1;
	s1 =	sand.u32 $0x1, s1;
	s19 =	smul.u32 $0xA000, s7  }
0x6: {  	s31 =	simm.s32 $0x0;
	[smem:$0x7FF] =	sst s3;
	s5 =	smul.u32 $0x14000, s1  }
0x7: {  	_ =	strace $0x8000004D;
	s1 =	ssub.s32 $0x2, s1;
	s6 =	sadd.s32 s4, s0  }
0x8: {  	s21 =	sshrl.u32 s1, $0x1;
	s8 =	sadd.s32 s19, s2;
	s23 =	sadd.s32 $0x2000, s19  }
0x9: {  	s10 =	sshrl.u32 s19, $0x3;
	s24 =	sadd.s32 $0x4000, s19;
	s25 =	sadd.s32 $0x6000, s19  }
0xa: {  	s26 =	sadd.s32 $0x8000, s19;
	s0 =	sadd.s32 s5, s0;
	s1 =	ssub.s32 s1, s21  }
0xb: {  	s22 =	sadd.s32 $0x65600, s6;
	s5 =	sadd.s32 $0x1800, s6;
	s11 =	sshrl.u32 s23, $0x3  }
0xc: {  	s14 =	sshrl.u32 s24, $0x3;
	s15 =	sadd.s32 s23, s2;
	s17 =	sadd.s32 s24, s2  }
0xd: {  	s18 =	sshrl.u32 s25, $0x3;
	s20 =	sadd.s32 s25, s2;
	s21 =	sshrl.u32 s26, $0x3  }
0xe: {  	s23 =	sadd.s32 s26, s2;
	s25 =	simm.s32 $0x9D00;
	s26 =	simm.s32 $0x3  }
0xf: {  	[dreg:$0x3] =	wrdreg s22;
	s6 =	sadd.s32 $0xB600, s0;
	s7 =	sadd.s32 $0x33600, s0  }
0x10: {  	s9 =	smax.u32 s1, $0x1;
	s12 =	sadd.s32 s10, s6;
	s13 =	sadd.s32 s11, s6  }
0x11: {  	s16 =	sadd.s32 s14, s6;
	s19 =	sadd.s32 s18, s6;
	s22 =	sadd.s32 s21, s6  }
.LBB2_1:
0x12: {  	s0 =	rddreg [dreg:$0x3]  }
0x13: {  	[tilespmem:s3], [sflag:$0x2] =	stream.linear.gather [hbm4b:s0+s3], $0x4E80, $0x38;
	[tilespmem:$0x15D00] =	vst v63  }
0x14: {  	s1 =	simm.s32 $0x4E80  }
0x15: {  	[tilespmem:s1], [sflag:$0x2] =	stream.linear.gather [hbm4b:s5+s3], $0x4E80, $0x38;
	[tilespmem:$0x15D00] =	vst v63  }
0x16: {  	_ = 	snop  }
0x17: {  	[tilespmem:s25], [sflag:$0x3] =	stream.linear.gather [hbm4b:s12+s3], $0x2000, $0x38;
	[tilespmem:$0x15D00] =	vst v63  }
0x18: {  	_ =	swait.ge [sflag:s26], $0x2000  }
0x19: {  	[sflag:s26] =	ssyncset.done $0x0  }
0x1a: {  	[sflag:s26] =	ssyncadd.s32 $0xFFFFE000  }
0x1b: {  	[spmem:s8] =	stream.linear.scatter [tilespmem:s25], [sflag:$0x3], $0x2000, $0x38;
	[tilespmem:$0x15D00] =	vst v63  }
0x1c: {  	_ =	swait.ge [sflag:s26], $0x2000  }
0x1d: {  	[sflag:s26] =	ssyncset.done $0x0  }
0x1e: {  	[sflag:s26] =	ssyncadd.s32 $0xFFFFE000  }
0x1f: {  	[tilespmem:s25], [sflag:$0x3] =	stream.linear.gather [hbm4b:s13+s3], $0x2000, $0x38;
	[tilespmem:$0x15D00] =	vst v63  }
0x20: {  	_ =	swait.ge [sflag:s26], $0x2000  }
0x21: {  	[sflag:s26] =	ssyncset.done $0x0  }
0x22: {  	[sflag:s26] =	ssyncadd.s32 $0xFFFFE000  }
0x23: {  	[spmem:s15] =	stream.linear.scatter [tilespmem:s25], [sflag:$0x3], $0x2000, $0x38;
	[tilespmem:$0x15D00] =	vst v63  }
0x24: {  	_ =	swait.ge [sflag:s26], $0x2000  }
0x25: {  	[sflag:s26] =	ssyncset.done $0x0  }
0x26: {  	[sflag:s26] =	ssyncadd.s32 $0xFFFFE000  }
0x27: {  	[tilespmem:s25], [sflag:$0x3] =	stream.linear.gather [hbm4b:s16+s3], $0x2000, $0x38;
	[tilespmem:$0x15D00] =	vst v63  }
0x28: {  	_ =	swait.ge [sflag:s26], $0x2000  }
0x29: {  	[sflag:s26] =	ssyncset.done $0x0  }
0x2a: {  	[sflag:s26] =	ssyncadd.s32 $0xFFFFE000  }
0x2b: {  	[spmem:s17] =	stream.linear.scatter [tilespmem:s25], [sflag:$0x3], $0x2000, $0x38;
	[tilespmem:$0x15D00] =	vst v63  }
0x2c: {  	_ =	swait.ge [sflag:s26], $0x2000  }
0x2d: {  	[sflag:s26] =	ssyncset.done $0x0  }
0x2e: {  	[sflag:s26] =	ssyncadd.s32 $0xFFFFE000  }
0x2f: {  	[tilespmem:s25], [sflag:$0x3] =	stream.linear.gather [hbm4b:s19+s3], $0x2000, $0x38;
	[tilespmem:$0x15D00] =	vst v63  }
0x30: {  	_ =	swait.ge [sflag:s26], $0x2000  }
0x31: {  	[sflag:s26] =	ssyncset.done $0x0  }
0x32: {  	[sflag:s26] =	ssyncadd.s32 $0xFFFFE000  }
0x33: {  	[spmem:s20] =	stream.linear.scatter [tilespmem:s25], [sflag:$0x3], $0x2000, $0x38;
	[tilespmem:$0x15D00] =	vst v63  }
0x34: {  	_ =	swait.ge [sflag:s26], $0x2000  }
0x35: {  	[sflag:s26] =	ssyncset.done $0x0  }
0x36: {  	[sflag:s26] =	ssyncadd.s32 $0xFFFFE000  }
0x37: {  	[tilespmem:s25], [sflag:$0x3] =	stream.linear.gather [hbm4b:s22+s3], $0x2000, $0x38;
	[tilespmem:$0x15D00] =	vst v63  }
0x38: {  	_ =	swait.ge [sflag:s26], $0x2000  }
0x39: {  	[sflag:s26] =	ssyncset.done $0x0  }
0x3a: {  	[sflag:s26] =	ssyncadd.s32 $0xFFFFE000  }
0x3b: {  	[spmem:s23] =	stream.linear.scatter [tilespmem:s25], [sflag:$0x3], $0x2000, $0x38;
	[tilespmem:$0x15D00] =	vst v63  }
0x3c: {  	_ =	swait.ge [sflag:s26], $0x2000  }
0x3d: {  	[sflag:s26] =	ssyncset.done $0x0  }
0x3e: {  	[sflag:s26] =	ssyncadd.s32 $0xFFFFE000  }
0x3f: {  	_ =	swait.ge [sflag:s28], $0x4E80  }
0x40: {  	[sflag:s28] =	ssyncset.done $0x0  }
0x41: {  	[sflag:s28] =	ssyncadd.s32 $0xFFFFB180  }
0x42: {  	_ =	swait.ge [sflag:s28], $0x4E80  }
0x43: {  	[sflag:s28] =	ssyncset.done $0x0  }
0x44: {  	[sflag:s28] =	ssyncadd.s32 $0xFFFFB180  }
0x45: {  	s4 =	simm.s32 $0x0;
	[bflag:$0x0] =	sbarrier.arrive $0xFFFF  }
0x46: {  	[tilespmem:s25], [sflag:$0x1] =	stream.indirect.gather [hbm4b:s6+s29], $0x40, s4, s29, $0xb8;
	[tilespmem:$0x15D00] =	vst v63  }
0x47: {  	_ =	swait.ge [sflag:s30], $0x2000  }
0x48: {  	[sflag:s30] =	ssyncset.done $0x0  }
0x49: {  	s24 =	simm.s32 $0x4E80;
	[sflag:s30] =	ssyncadd.s32 $0xFFFFE000  }
0x4a: {  	[spmem:s2] =	stream.indirect.scatter.add.f32 [tilespmem:s25], [sflag:$0x3], $0x40, s24, s29, $0xb8;
	[tilespmem:$0x15D00] =	vst v63  }
0x4b: {  	_ =	swait.ge [sflag:s26], $0x2000  }
0x4c: {  	s0 =	simm.s32 $0x200;
	s1 =	simm.s32 $0x400;
	[sflag:s26] =	ssyncset.done $0x0  }
.LBB2_2:
0x4d: {  	s24 =	sshra.s32 s0, $0x2  }
0x4e: {  	[sflag:s26] =	ssyncadd.s32 $0xFFFFE000;
	s0 =	smov.u32 s1;
	s4 =	sadd.s32 $0x200, s1  }
0x4f: {  	[tilespmem:s25], [sflag:$0x1] =	stream.indirect.gather [hbm4b:s6+s29], $0x40, s24, s29, $0xb8;
	[tilespmem:$0x15D00] =	vst v63  }
0x50: {  	p0 =	sne.s32 s1, $0x13800;
	_ =	swait.ge [sflag:s30], $0x2000  }
.Ltmp0:
0x51: {  	[sflag:s30] =	ssyncset.done $0x0;
	(pc) =	sbr.rel @p0 .LBB2_2-.Ltmp0, $4  }
0x52: {  	s1 =	sadd.s32 $0x4E80, s24;
	[sflag:s30] =	ssyncadd.s32 $0xFFFFE000  }
0x53: {  	[spmem:s2] =	stream.indirect.scatter.add.f32 [tilespmem:s25], [sflag:$0x3], $0x40, s1, s29, $0xb8;
	[tilespmem:$0x15D00] =	vst v63  }
0x54: {  	_ =	swait.ge [sflag:s26], $0x2000  }
0x55: {  	s1 =	smov.u32 s4;
	[sflag:s26] =	ssyncset.done $0x0  }
0x56: {  	s0 =	sshra.s32 s0, $0x2;
	[sflag:s26] =	ssyncadd.s32 $0xFFFFE000  }
0x57: {  	[tilespmem:s25], [sflag:$0x1] =	stream.indirect.gather [hbm4b:s6+s29], $0x40, s0, s29, $0xb8;
	[tilespmem:$0x15D00] =	vst v63  }
0x58: {  	_ =	swait.ge [sflag:s30], $0x2000  }
0x59: {  	[sflag:s30] =	ssyncset.done $0x0  }
0x5a: {  	s0 =	sadd.s32 $0x4E80, s0;
	[sflag:s30] =	ssyncadd.s32 $0xFFFFE000  }
0x5b: {  	[spmem:s2] =	stream.indirect.scatter.add.f32 [tilespmem:s25], [sflag:$0x3], $0x40, s0, s29, $0xb8;
	[tilespmem:$0x15D00] =	vst v63  }
0x5c: {  	_ =	swait.ge [sflag:s26], $0x2000  }
0x5d: {  	[sflag:s26] =	ssyncset.done $0x0  }
0x5e: {  	[sflag:s26] =	ssyncadd.s32 $0xFFFFE000  }
0x5f: {  	[bflag:$0x0] =	sbarrier.arrive $0xFFFF  }
0x60: {  	[tilespmem:s25], [sflag:$0x3] =	stream.linear.gather [spmem:s8], $0x2000, $0x38;
	[tilespmem:$0x15D00] =	vst v63  }
0x61: {  	_ =	swait.ge [sflag:s26], $0x2000  }
0x62: {  	[sflag:s26] =	ssyncset.done $0x0  }
0x63: {  	s4 =	sadd.s32 s10, s7;
	[sflag:s26] =	ssyncadd.s32 $0xFFFFE000  }
0x64: {  	[hbm4b:s4+s3] =	stream.linear.scatter [tilespmem:s25], [sflag:$0x3], $0x2000, $0x38;
	[tilespmem:$0x15D00] =	vst v63  }
0x65: {  	_ =	swait.ge [sflag:s26], $0x2000  }
0x66: {  	[sflag:s26] =	ssyncset.done $0x0  }
0x67: {  	[sflag:s26] =	ssyncadd.s32 $0xFFFFE000  }
0x68: {  	[tilespmem:s25], [sflag:$0x3] =	stream.linear.gather [spmem:s15], $0x2000, $0x38;
	[tilespmem:$0x15D00] =	vst v63  }
0x69: {  	_ =	swait.ge [sflag:s26], $0x2000  }
0x6a: {  	[sflag:s26] =	ssyncset.done $0x0  }
0x6b: {  	s24 =	sadd.s32 s11, s7;
	[sflag:s26] =	ssyncadd.s32 $0xFFFFE000  }
0x6c: {  	[hbm4b:s24+s3] =	stream.linear.scatter [tilespmem:s25], [sflag:$0x3], $0x2000, $0x38;
	[tilespmem:$0x15D00] =	vst v63  }
0x6d: {  	_ =	swait.ge [sflag:s26], $0x2000  }
0x6e: {  	[sflag:s26] =	ssyncset.done $0x0  }
0x6f: {  	[sflag:s26] =	ssyncadd.s32 $0xFFFFE000  }
0x70: {  	[tilespmem:s25], [sflag:$0x3] =	stream.linear.gather [spmem:s17], $0x2000, $0x38;
	[tilespmem:$0x15D00] =	vst v63  }
0x71: {  	_ =	swait.ge [sflag:s26], $0x2000  }
0x72: {  	[sflag:s26] =	ssyncset.done $0x0  }
0x73: {  	s1 =	sadd.s32 s14, s7;
	[sflag:s26] =	ssyncadd.s32 $0xFFFFE000  }
0x74: {  	[hbm4b:s1+s3] =	stream.linear.scatter [tilespmem:s25], [sflag:$0x3], $0x2000, $0x38;
	[tilespmem:$0x15D00] =	vst v63  }
0x75: {  	_ =	swait.ge [sflag:s26], $0x2000  }
0x76: {  	[sflag:s26] =	ssyncset.done $0x0  }
0x77: {  	[sflag:s26] =	ssyncadd.s32 $0xFFFFE000  }
0x78: {  	[tilespmem:s25], [sflag:$0x3] =	stream.linear.gather [spmem:s20], $0x2000, $0x38;
	[tilespmem:$0x15D00] =	vst v63  }
0x79: {  	_ =	swait.ge [sflag:s26], $0x2000  }
0x7a: {  	[sflag:s26] =	ssyncset.done $0x0  }
0x7b: {  	s4 =	sadd.s32 s18, s7;
	[sflag:s26] =	ssyncadd.s32 $0xFFFFE000  }
0x7c: {  	[hbm4b:s4+s3] =	stream.linear.scatter [tilespmem:s25], [sflag:$0x3], $0x2000, $0x38;
	[tilespmem:$0x15D00] =	vst v63  }
0x7d: {  	_ =	swait.ge [sflag:s26], $0x2000  }
0x7e: {  	[sflag:s26] =	ssyncset.done $0x0  }
0x7f: {  	[sflag:s26] =	ssyncadd.s32 $0xFFFFE000  }
0x80: {  	[tilespmem:s25], [sflag:$0x3] =	stream.linear.gather [spmem:s23], $0x2000, $0x38;
	[tilespmem:$0x15D00] =	vst v63  }
0x81: {  	s31 =	sadd.s32 $0x1, s31;
	_ =	swait.ge [sflag:s26], $0x2000  }
0x82: {  	p0 =	sne.s32 s31, s9;
	[sflag:s26] =	ssyncset.done $0x0  }
.Ltmp1:
0x83: {  	s24 =	sadd.s32 s21, s7;
	[sflag:s26] =	ssyncadd.s32 $0xFFFFE000;
	(pc) =	sbr.rel @p0 .LBB2_1-.Ltmp1, $4  }
0x84: {  	[hbm4b:s24+s3] =	stream.linear.scatter [tilespmem:s25], [sflag:$0x3], $0x2000, $0x38;
	[tilespmem:$0x15D00] =	vst v63  }
0x85: {  	_ =	swait.ge [sflag:s26], $0x2000  }
0x86: {  	[sflag:s26] =	ssyncset.done $0x0  }
0x87: {  	[sflag:s26] =	ssyncadd.s32 $0xFFFFE000  }
0x88: {  	_ =	sfence.sel $0x180000  }
0x89: {  	[bflag:$0x0] =	sbarrier.arrive $0xFFFF  }
0x8a: {  	_ =	strace $0x9000004D  }
0x8b: {  	s0 =	stileid.u32;
	[bflag:$0x2] =	sbarrier.arrive $0xFFFF  }
0x8c: {  	p0 =	sne.s32 s0, $0x0;
	s0 =	rddreg [dreg:$0x2]  }
0x8d: {  	s0 =	sadd.s32 @!p0 $0x100000, s0  }
0x8e: {  	[sflag:s0] =	ssyncadd.tile.s32 @!p0 $0x1;
	_ =	shalt  }
.Lfunc_end2:
_tile_overlayer_lowered:
.L_overlay_start_2:
0x8f: {  	(tag) =	ssettag $0x2  }
0x90: {  	s0 =	rddreg [dreg:$0x0];
	s2 =	stileid.u32  }
0x91: {  	s1 =	rddreg [dreg:$0x1];
	p0 =	sne.s32 s2, $0x0  }
0x92: {  	s3 =	rddreg [dreg:$0x2];
	[bflag:$0x3] =	sbarrier.arrive $0xFFFF;
	s2 =	simm.s32 @!p0 $0x1C03  }
0x93: {  	[timem:s3], [sflag:s2] =	dma.local @!p0 [hbm:s0], s1  }
0x94: {  	s0 =	simm.s32 @!p0 $0x3  }
0x95: {  	_ =	swait.ge @!p0 [sflag:s0], s1  }
0x96: {  	s1 =	ssub.s32 @!p0 $0x0, s1;
	[sflag:s0] =	ssyncset.done @!p0 $0x0  }
0x97: {  	[sflag:s0] =	ssyncadd.s32 @!p0 s1  }
0x98: {  	[bflag:$0x3] =	sbarrier.arrive $0xFFFF  }
0x99: {  	_ =	shalt  }

</sc_bundles>
